<compile_context>
chip_gen: v7x
topology: tpu7x:2x2x1
jax: 0.10.2.dev20260603
libtpu: 0.0.44.dev20260713+nightly
codegen_flags: <defaults>
</compile_context>

<pallas_src>
import functools

import jax
import jax.numpy as jnp
from jax import lax
from jax.experimental import pallas as pl
from jax.experimental.pallas import tpu as pltpu
from jax.experimental.pallas import tpu_sc as plsc

_N = 10000
_E = 320000
_D = 128
_NC = 2
_NS = 16
_NW = _NC * _NS
_C = 128
_CH = 80
_EW = _C * _CH
_EP = _EW * _NW
_P = 10240
_RT = _P // _NS
_ZR = 128

_mesh = plsc.VectorSubcoreMesh(core_axis_name="c", subcore_axis_name="s")


def _deg_body(src_hbm, dst_hbm, const_hbm, out_hbm,
              src_v, dst_v, ones_v, stage_v, dout_sh, din_sh):
    cid = lax.axis_index("c")
    sid = lax.axis_index("s")
    wid = sid * _NC + cid
    pltpu.sync_copy(const_hbm.at[1], ones_v)
    pltpu.sync_copy(const_hbm.at[0], stage_v)
    r0 = sid * _RT
    for i in range(_RT // _ZR):
        pltpu.sync_copy(stage_v, dout_sh.at[pl.ds(r0 + i * _ZR, _ZR)])
        pltpu.sync_copy(stage_v, din_sh.at[pl.ds(r0 + i * _ZR, _ZR)])
    plsc.subcore_barrier()
    base = wid * _EW

    def body(i, carry):
        off = base + i * _C
        pltpu.sync_copy(src_hbm.at[pl.ds(off, _C)], src_v)
        pltpu.sync_copy(dst_hbm.at[pl.ds(off, _C)], dst_v)
        pltpu.sync_copy(ones_v, dout_sh.at[src_v], add=True)
        pltpu.sync_copy(ones_v, din_sh.at[dst_v], add=True)
        return carry

    lax.fori_loop(0, _CH, body, 0)
    plsc.subcore_barrier()
    for i in range(_RT // _ZR):
        r = r0 + i * _ZR
        pltpu.sync_copy(dout_sh.at[pl.ds(r, _ZR)], stage_v)
        pltpu.sync_copy(stage_v, out_hbm.at[cid, 0, pl.ds(r, _ZR)])
        pltpu.sync_copy(din_sh.at[pl.ds(r, _ZR)], stage_v)
        pltpu.sync_copy(stage_v, out_hbm.at[cid, 1, pl.ds(r, _ZR)])


_deg_kernel = pl.kernel(
    _deg_body,
    out_type=jax.ShapeDtypeStruct((_NC, 2, _P, 16), jnp.float32),
    mesh=_mesh,
    scratch_types=[
        pltpu.VMEM((_C,), jnp.int32),
        pltpu.VMEM((_C,), jnp.int32),
        pltpu.VMEM((_C, 16), jnp.float32),
        pltpu.VMEM((_ZR, 16), jnp.float32),
        pltpu.VMEM_SHARED((_P, 16), jnp.float32),
        pltpu.VMEM_SHARED((_P, 16), jnp.float32),
    ],
)


def _agg_body(xp_hbm, src_hbm, dst_hbm, zblk_hbm, out_hbm,
              src_v, dst_v, rows_v, zero_v, acc_sh, sem):
    cid = lax.axis_index("c")
    sid = lax.axis_index("s")
    wid = sid * _NC + cid
    pltpu.sync_copy(zblk_hbm, zero_v)
    r0 = sid * _RT
    for i in range(_RT // _ZR):
        pltpu.sync_copy(zero_v, acc_sh.at[pl.ds(r0 + i * _ZR, _ZR)])
    plsc.subcore_barrier()
    base = wid * _EW

    def body(i, carry):
        off = base + i * _C
        pltpu.sync_copy(src_hbm.at[pl.ds(off, _C)], src_v)
        pltpu.async_copy(xp_hbm.at[src_v], rows_v, sem).wait()
        pltpu.sync_copy(dst_hbm.at[pl.ds(off, _C)], dst_v)
        pltpu.sync_copy(rows_v, acc_sh.at[dst_v], add=True)
        return carry

    lax.fori_loop(0, _CH, body, 0)
    plsc.subcore_barrier()
    for i in range(_RT // _ZR):
        r = r0 + i * _ZR
        pltpu.sync_copy(acc_sh.at[pl.ds(r, _ZR)], rows_v)
        pltpu.sync_copy(rows_v, out_hbm.at[cid, pl.ds(r, _ZR)])


_agg_kernel = pl.kernel(
    _agg_body,
    out_type=jax.ShapeDtypeStruct((_NC, _P, _D), jnp.float32),
    mesh=_mesh,
    scratch_types=[
        pltpu.VMEM((_C,), jnp.int32),
        pltpu.VMEM((_C,), jnp.int32),
        pltpu.VMEM((_C, _D), jnp.float32),
        pltpu.VMEM((_ZR, _D), jnp.float32),
        pltpu.VMEM_SHARED((_P, _D), jnp.float32),
        pltpu.SemaphoreType.DMA,
    ],
)


def _prep_body(dp_ref, x_ref, a_ref, b_ref, xp_ref):
    dout = dp_ref[0, 0] + dp_ref[1, 0]
    din = dp_ref[0, 1] + dp_ref[1, 1]
    a = lax.rsqrt(dout[:, :1] + 1.0)
    b = lax.rsqrt(din[:, :1] + 1.0)
    a_ref[...] = a
    b_ref[...] = b
    xp_ref[:_N] = x_ref[...] * a[:_N]
    xp_ref[_N:] = jnp.zeros((_P - _N, _D), jnp.float32)


def _layer_body(last, h_ref, s_ref, a_ref, b_ref, w_ref, bias_ref,
                g_ref, be_ref, *outs):
    h = h_ref[...]
    a = a_ref[...]
    xp = h * a
    agg = b_ref[...] * (s_ref[0] + s_ref[1] + xp)
    t = jnp.dot(agg, w_ref[...], preferred_element_type=jnp.float32)
    t = t + bias_ref[...]
    tv = t[:_N]
    mean = jnp.mean(tv, axis=0, keepdims=True)
    cen = tv - mean
    var = jnp.mean(cen * cen, axis=0, keepdims=True)
    hn = cen * lax.rsqrt(var + 1e-5) * g_ref[...] + be_ref[...]
    hn = jnp.maximum(hn, 0.0) + h[:_N]
    zpad = jnp.zeros((_P - _N, _D), jnp.float32)
    outs[0][:_N] = hn
    outs[0][_N:] = zpad
    if not last:
        outs[1][:_N] = hn * a[:_N]
        outs[1][_N:] = zpad


_prep_call = pl.pallas_call(
    _prep_body,
    out_shape=(
        jax.ShapeDtypeStruct((_P, 1), jnp.float32),
        jax.ShapeDtypeStruct((_P, 1), jnp.float32),
        jax.ShapeDtypeStruct((_P, _D), jnp.float32),
    ),
)

_layer_mid = pl.pallas_call(
    functools.partial(_layer_body, False),
    out_shape=(
        jax.ShapeDtypeStruct((_P, _D), jnp.float32),
        jax.ShapeDtypeStruct((_P, _D), jnp.float32),
    ),
)

_layer_last = pl.pallas_call(
    functools.partial(_layer_body, True),
    out_shape=jax.ShapeDtypeStruct((_P, _D), jnp.float32),
)


def kernel(features, edge_index, W1, b1, gamma1, beta1,
           W2, b2, gamma2, beta2, W3, b3, gamma3, beta3):
    src = edge_index[0].astype(jnp.int32)
    dst = edge_index[1].astype(jnp.int32)
    pad = jnp.full((_EP - _E,), _N, jnp.int32)
    srcp = jnp.concatenate([src, pad])
    dstp = jnp.concatenate([dst, pad])
    consts = jnp.stack([jnp.zeros((_C, 16), jnp.float32),
                        jnp.ones((_C, 16), jnp.float32)])
    zblk = jnp.zeros((_ZR, _D), jnp.float32)

    dp = _deg_kernel(srcp, dstp, consts)
    a, b, xp = _prep_call(dp, features)
    h = jnp.concatenate([features, jnp.zeros((_P - _N, _D), jnp.float32)])

    params = ((W1, b1, gamma1, beta1), (W2, b2, gamma2, beta2),
              (W3, b3, gamma3, beta3))
    for i, (W, bias, gamma, beta) in enumerate(params):
        S = _agg_kernel(xp, srcp, dstp, zblk)
        args = (h, S, a, b, W, bias.reshape(1, _D),
                gamma.reshape(1, _D), beta.reshape(1, _D))
        if i < 2:
            h, xp = _layer_mid(*args)
        else:
            h = _layer_last(*args)
    return h[:_N]

# --- scband reference (transcript-rebuilt; emitter-appended) ---
"""Pipeline reference for scband-conv-block-65463891525894 (READ-ONLY COPY).

The authoritative reference and input builder live on the scoring server;
editing this copy changes nothing except your own understanding.
"""

import jax, jax.numpy as jnp
import numpy as np

N = 10000
E = 320000
D = 128

def _gcn_layer(x, src, dst, W, b, gamma, beta):
    n = x.shape[0]
    deg_out = jnp.zeros((n,), jnp.float32).at[src].add(1.0)
    deg_in = jnp.zeros((n,), jnp.float32).at[dst].add(1.0)
    norm = jax.lax.rsqrt(jnp.maximum(deg_out, 1.0))[src] * jax.lax.rsqrt(jnp.maximum(deg_in, 1.0))[dst]
    msg = x[src] * norm[:, None]
    agg = jnp.zeros((n, x.shape[1]), x.dtype).at[dst].add(msg)
    h = agg @ W + b
    mean = jnp.mean(h, axis=0)
    var = jnp.var(h, axis=0)
    h = (h - mean) / jnp.sqrt(var + 1e-5) * gamma + beta
    h = jax.nn.relu(h)
    # residual (in_feats == out_feats == 128)
    return h + x

def setup_inputs(seed: int = 0):
    key = jax.random.key(seed)
    ks = jax.random.split(key, 8)
    x = jax.random.normal(ks[0], (N, D), jnp.float32)
    edge_index = jax.random.randint(ks[1], (2, E), 0, N).astype(jnp.int64)
    inp = {"features": x, "edge_index": edge_index}
    s = 1.0 / np.sqrt(D)
    for i in range(3):
        inp["W%d" % (i + 1)] = jax.random.normal(ks[2 + i], (D, D), jnp.float32) * s
        inp["b%d" % (i + 1)] = jnp.zeros((D,), jnp.float32)
        inp["gamma%d" % (i + 1)] = jnp.ones((D,), jnp.float32)
        inp["beta%d" % (i + 1)] = jnp.zeros((D,), jnp.float32)
    return inp

def reference(features, edge_index, W1, b1, gamma1, beta1, W2, b2, gamma2, beta2, W3, b3, gamma3, beta3):
    # gconv_type == 'gcn' -> add self loops (done once at init in the torch module)
    n = features.shape[0]
    loops = jnp.arange(n, dtype=edge_index.dtype)
    src = jnp.concatenate([edge_index[0], loops])
    dst = jnp.concatenate([edge_index[1], loops])
    # n_layers=2 hidden layers + 1 output layer = 3 GCN layers, each with
    # symmetric normalization, bias, batch norm, relu, residual, dropout=0.
    h = _gcn_layer(features, src, dst, W1, b1, gamma1, beta1)
    h = _gcn_layer(h, src, dst, W2, b2, gamma2, beta2)
    h = _gcn_layer(h, src, dst, W3, b3, gamma3, beta3)
    return h

if __name__ == "__main__":
    import jax
    _d = setup_inputs()
    print(jax.jit(kernel)(*tuple(_d.values())))

</pallas_src>

<mosaic_0001>
#map = affine_map<(d0, d1) -> (0, 0)>
#map1 = affine_map<(d0, d1) -> (0)>
#map2 = affine_map<(d0, d1) -> (0, 0, 0)>
module attributes {stable_mosaic.version = 14 : i64} {
  func.func @_agg_body(%arg0: i32, %arg1: i32, %arg2: memref<10240x128xf32, #tpu.memory_space<hbm>>, %arg3: memref<327680xi32, #tpu.memory_space<hbm>>, %arg4: memref<327680xi32, #tpu.memory_space<hbm>>, %arg5: memref<128x128xf32, #tpu.memory_space<hbm>>, %arg6: memref<2x10240x128xf32, #tpu.memory_space<hbm>>, %arg7: memref<128xi32, #tpu.memory_space<vmem>>, %arg8: memref<128xi32, #tpu.memory_space<vmem>>, %arg9: memref<128x128xf32, #tpu.memory_space<vmem>>, %arg10: memref<128x128xf32, #tpu.memory_space<vmem>>, %arg11: memref<10240x128xf32, #tpu.memory_space<vmem_shared>>, %arg12: memref<!tpu.dma_semaphore, #tpu.memory_space<semaphore_mem>>) attributes {dimension_semantics = [#tpu.dimension_semantics<core_parallel>, #tpu.dimension_semantics<subcore_parallel>], iteration_bounds = array<i64: 2, 16>, scalar_prefetch = 0 : i64, scratch_operands = 6 : i64, tpu.core_type = #tpu.core_type<sc_vector_subcore>, window_params = [{transform_indices = #map}, {transform_indices = #map1}, {transform_indices = #map1}, {transform_indices = #map}, {transform_indices = #map2}]} {
    %mul3A = arith.constant 2 : i32
    %mul3A_0 = arith.muli %arg1, %mul3A : i32
    %add3A = arith.addi %mul3A_0, %arg0 : i32
    "tpu.region"() ({
      %run_scoped3A = tpu.sem_alloc : memref<!tpu.dma_semaphore, #tpu.memory_space<semaphore_mem>>
      tpu.enqueue_dma source(%arg5 : memref<128x128xf32, #tpu.memory_space<hbm>>) target(%arg10 : memref<128x128xf32, #tpu.memory_space<vmem>>) target_semaphore(%run_scoped3A : memref<!tpu.dma_semaphore, #tpu.memory_space<semaphore_mem>>)
      tpu.wait_dma2 semaphore(%run_scoped3A : memref<!tpu.dma_semaphore, #tpu.memory_space<semaphore_mem>>) src(%arg5 : memref<128x128xf32, #tpu.memory_space<hbm>>) dst(%arg10 : memref<128x128xf32, #tpu.memory_space<vmem>>)
      tpu.yield
    }) : () -> ()
    %mul3A_1 = arith.constant 640 : i32
    %mul3A_2 = arith.muli %arg1, %mul3A_1 : i32
    %add3A_3 = arith.constant 0 : i32
    %add3A_4 = arith.addi %mul3A_2, %add3A_3 : i32
    "tpu.region"() ({
      %run_scoped3A = tpu.sem_alloc : memref<!tpu.dma_semaphore, #tpu.memory_space<semaphore_mem>>
      %dma_start3A = arith.constant 0 : i32
      %dma_start3A_31 = tpu.memref_slice %arg11[%add3A_4, %dma_start3A] : memref<10240x128xf32, #tpu.memory_space<vmem_shared>> -> memref<128x128xf32, #tpu.memory_space<vmem_shared>>
      %dma_start3A_32 = arith.constant 0 : i32
      %dma_start3A_33 = tpu.memref_slice %arg11[%add3A_4, %dma_start3A_32] : memref<10240x128xf32, #tpu.memory_space<vmem_shared>> -> memref<128x128xf32, #tpu.memory_space<vmem_shared>>
      tpu.enqueue_dma source(%arg10 : memref<128x128xf32, #tpu.memory_space<vmem>>) target(%dma_start3A_33 : memref<128x128xf32, #tpu.memory_space<vmem_shared>>) target_semaphore(%run_scoped3A : memref<!tpu.dma_semaphore, #tpu.memory_space<semaphore_mem>>)
      %dma_wait3A = arith.constant 0 : i32
      %dma_wait3A_34 = tpu.memref_slice %arg11[%add3A_4, %dma_wait3A] : memref<10240x128xf32, #tpu.memory_space<vmem_shared>> -> memref<128x128xf32, #tpu.memory_space<vmem_shared>>
      %dma_wait3A_35 = arith.constant 0 : i32
      %dma_wait3A_36 = tpu.memref_slice %arg11[%add3A_4, %dma_wait3A_35] : memref<10240x128xf32, #tpu.memory_space<vmem_shared>> -> memref<128x128xf32, #tpu.memory_space<vmem_shared>>
      tpu.wait_dma2 semaphore(%run_scoped3A : memref<!tpu.dma_semaphore, #tpu.memory_space<semaphore_mem>>) src(%arg10 : memref<128x128xf32, #tpu.memory_space<vmem>>) dst(%dma_wait3A_36 : memref<128x128xf32, #tpu.memory_space<vmem_shared>>)
      tpu.yield
    }) : () -> ()
    %add3A_5 = arith.constant 128 : i32
    %add3A_6 = arith.addi %mul3A_2, %add3A_5 : i32
    "tpu.region"() ({
      %run_scoped3A = tpu.sem_alloc : memref<!tpu.dma_semaphore, #tpu.memory_space<semaphore_mem>>
      %dma_start3A = arith.constant 0 : i32
      %dma_start3A_31 = tpu.memref_slice %arg11[%add3A_6, %dma_start3A] : memref<10240x128xf32, #tpu.memory_space<vmem_shared>> -> memref<128x128xf32, #tpu.memory_space<vmem_shared>>
      %dma_start3A_32 = arith.constant 0 : i32
      %dma_start3A_33 = tpu.memref_slice %arg11[%add3A_6, %dma_start3A_32] : memref<10240x128xf32, #tpu.memory_space<vmem_shared>> -> memref<128x128xf32, #tpu.memory_space<vmem_shared>>
      tpu.enqueue_dma source(%arg10 : memref<128x128xf32, #tpu.memory_space<vmem>>) target(%dma_start3A_33 : memref<128x128xf32, #tpu.memory_space<vmem_shared>>) target_semaphore(%run_scoped3A : memref<!tpu.dma_semaphore, #tpu.memory_space<semaphore_mem>>)
      %dma_wait3A = arith.constant 0 : i32
      %dma_wait3A_34 = tpu.memref_slice %arg11[%add3A_6, %dma_wait3A] : memref<10240x128xf32, #tpu.memory_space<vmem_shared>> -> memref<128x128xf32, #tpu.memory_space<vmem_shared>>
      %dma_wait3A_35 = arith.constant 0 : i32
      %dma_wait3A_36 = tpu.memref_slice %arg11[%add3A_6, %dma_wait3A_35] : memref<10240x128xf32, #tpu.memory_space<vmem_shared>> -> memref<128x128xf32, #tpu.memory_space<vmem_shared>>
      tpu.wait_dma2 semaphore(%run_scoped3A : memref<!tpu.dma_semaphore, #tpu.memory_space<semaphore_mem>>) src(%arg10 : memref<128x128xf32, #tpu.memory_space<vmem>>) dst(%dma_wait3A_36 : memref<128x128xf32, #tpu.memory_space<vmem_shared>>)
      tpu.yield
    }) : () -> ()
    %add3A_7 = arith.constant 256 : i32
    %add3A_8 = arith.addi %mul3A_2, %add3A_7 : i32
    "tpu.region"() ({
      %run_scoped3A = tpu.sem_alloc : memref<!tpu.dma_semaphore, #tpu.memory_space<semaphore_mem>>
      %dma_start3A = arith.constant 0 : i32
      %dma_start3A_31 = tpu.memref_slice %arg11[%add3A_8, %dma_start3A] : memref<10240x128xf32, #tpu.memory_space<vmem_shared>> -> memref<128x128xf32, #tpu.memory_space<vmem_shared>>
      %dma_start3A_32 = arith.constant 0 : i32
      %dma_start3A_33 = tpu.memref_slice %arg11[%add3A_8, %dma_start3A_32] : memref<10240x128xf32, #tpu.memory_space<vmem_shared>> -> memref<128x128xf32, #tpu.memory_space<vmem_shared>>
      tpu.enqueue_dma source(%arg10 : memref<128x128xf32, #tpu.memory_space<vmem>>) target(%dma_start3A_33 : memref<128x128xf32, #tpu.memory_space<vmem_shared>>) target_semaphore(%run_scoped3A : memref<!tpu.dma_semaphore, #tpu.memory_space<semaphore_mem>>)
      %dma_wait3A = arith.constant 0 : i32
      %dma_wait3A_34 = tpu.memref_slice %arg11[%add3A_8, %dma_wait3A] : memref<10240x128xf32, #tpu.memory_space<vmem_shared>> -> memref<128x128xf32, #tpu.memory_space<vmem_shared>>
      %dma_wait3A_35 = arith.constant 0 : i32
      %dma_wait3A_36 = tpu.memref_slice %arg11[%add3A_8, %dma_wait3A_35] : memref<10240x128xf32, #tpu.memory_space<vmem_shared>> -> memref<128x128xf32, #tpu.memory_space<vmem_shared>>
      tpu.wait_dma2 semaphore(%run_scoped3A : memref<!tpu.dma_semaphore, #tpu.memory_space<semaphore_mem>>) src(%arg10 : memref<128x128xf32, #tpu.memory_space<vmem>>) dst(%dma_wait3A_36 : memref<128x128xf32, #tpu.memory_space<vmem_shared>>)
      tpu.yield
    }) : () -> ()
    %add3A_9 = arith.constant 384 : i32
    %add3A_10 = arith.addi %mul3A_2, %add3A_9 : i32
    "tpu.region"() ({
      %run_scoped3A = tpu.sem_alloc : memref<!tpu.dma_semaphore, #tpu.memory_space<semaphore_mem>>
      %dma_start3A = arith.constant 0 : i32
      %dma_start3A_31 = tpu.memref_slice %arg11[%add3A_10, %dma_start3A] : memref<10240x128xf32, #tpu.memory_space<vmem_shared>> -> memref<128x128xf32, #tpu.memory_space<vmem_shared>>
      %dma_start3A_32 = arith.constant 0 : i32
      %dma_start3A_33 = tpu.memref_slice %arg11[%add3A_10, %dma_start3A_32] : memref<10240x128xf32, #tpu.memory_space<vmem_shared>> -> memref<128x128xf32, #tpu.memory_space<vmem_shared>>
      tpu.enqueue_dma source(%arg10 : memref<128x128xf32, #tpu.memory_space<vmem>>) target(%dma_start3A_33 : memref<128x128xf32, #tpu.memory_space<vmem_shared>>) target_semaphore(%run_scoped3A : memref<!tpu.dma_semaphore, #tpu.memory_space<semaphore_mem>>)
      %dma_wait3A = arith.constant 0 : i32
      %dma_wait3A_34 = tpu.memref_slice %arg11[%add3A_10, %dma_wait3A] : memref<10240x128xf32, #tpu.memory_space<vmem_shared>> -> memref<128x128xf32, #tpu.memory_space<vmem_shared>>
      %dma_wait3A_35 = arith.constant 0 : i32
      %dma_wait3A_36 = tpu.memref_slice %arg11[%add3A_10, %dma_wait3A_35] : memref<10240x128xf32, #tpu.memory_space<vmem_shared>> -> memref<128x128xf32, #tpu.memory_space<vmem_shared>>
      tpu.wait_dma2 semaphore(%run_scoped3A : memref<!tpu.dma_semaphore, #tpu.memory_space<semaphore_mem>>) src(%arg10 : memref<128x128xf32, #tpu.memory_space<vmem>>) dst(%dma_wait3A_36 : memref<128x128xf32, #tpu.memory_space<vmem_shared>>)
      tpu.yield
    }) : () -> ()
    %add3A_11 = arith.constant 512 : i32
    %add3A_12 = arith.addi %mul3A_2, %add3A_11 : i32
    "tpu.region"() ({
      %run_scoped3A = tpu.sem_alloc : memref<!tpu.dma_semaphore, #tpu.memory_space<semaphore_mem>>
      %dma_start3A = arith.constant 0 : i32
      %dma_start3A_31 = tpu.memref_slice %arg11[%add3A_12, %dma_start3A] : memref<10240x128xf32, #tpu.memory_space<vmem_shared>> -> memref<128x128xf32, #tpu.memory_space<vmem_shared>>
      %dma_start3A_32 = arith.constant 0 : i32
      %dma_start3A_33 = tpu.memref_slice %arg11[%add3A_12, %dma_start3A_32] : memref<10240x128xf32, #tpu.memory_space<vmem_shared>> -> memref<128x128xf32, #tpu.memory_space<vmem_shared>>
      tpu.enqueue_dma source(%arg10 : memref<128x128xf32, #tpu.memory_space<vmem>>) target(%dma_start3A_33 : memref<128x128xf32, #tpu.memory_space<vmem_shared>>) target_semaphore(%run_scoped3A : memref<!tpu.dma_semaphore, #tpu.memory_space<semaphore_mem>>)
      %dma_wait3A = arith.constant 0 : i32
      %dma_wait3A_34 = tpu.memref_slice %arg11[%add3A_12, %dma_wait3A] : memref<10240x128xf32, #tpu.memory_space<vmem_shared>> -> memref<128x128xf32, #tpu.memory_space<vmem_shared>>
      %dma_wait3A_35 = arith.constant 0 : i32
      %dma_wait3A_36 = tpu.memref_slice %arg11[%add3A_12, %dma_wait3A_35] : memref<10240x128xf32, #tpu.memory_space<vmem_shared>> -> memref<128x128xf32, #tpu.memory_space<vmem_shared>>
      tpu.wait_dma2 semaphore(%run_scoped3A : memref<!tpu.dma_semaphore, #tpu.memory_space<semaphore_mem>>) src(%arg10 : memref<128x128xf32, #tpu.memory_space<vmem>>) dst(%dma_wait3A_36 : memref<128x128xf32, #tpu.memory_space<vmem_shared>>)
      tpu.yield
    }) : () -> ()
    %barrier3A = arith.constant 0 : index
    tpu.barrier barrier_id(%barrier3A)
    %mul3A_13 = arith.constant 10240 : i32
    %mul3A_14 = arith.muli %add3A, %mul3A_13 : i32
    %scan3A = arith.constant 0 : i32
    %scan3A_15 = arith.constant 0 : i32
    %scan3A_16 = arith.constant 80 : i32
    %scan3A_17 = arith.addi %scan3A_15, %scan3A_16 : i32
    %scan3A_18 = arith.constant 1 : i32
    scf.for %scan3A_31 = %scan3A_15 to %scan3A_17 step %scan3A_18  : i32 {
      %mul3A_32 = arith.constant 128 : i32
      %mul3A_33 = arith.muli %scan3A_31, %mul3A_32 : i32
      %add3A_34 = arith.addi %mul3A_14, %mul3A_33 : i32
      "tpu.region"() ({
        %run_scoped3A = tpu.sem_alloc : memref<!tpu.dma_semaphore, #tpu.memory_space<semaphore_mem>>
        %dma_start3A_39 = tpu.memref_slice %arg3[%add3A_34] : memref<327680xi32, #tpu.memory_space<hbm>> -> memref<128xi32, #tpu.memory_space<hbm>>
        %dma_start3A_40 = tpu.memref_slice %arg3[%add3A_34] : memref<327680xi32, #tpu.memory_space<hbm>> -> memref<128xi32, #tpu.memory_space<hbm>>
        tpu.enqueue_dma source(%dma_start3A_40 : memref<128xi32, #tpu.memory_space<hbm>>) target(%arg7 : memref<128xi32, #tpu.memory_space<vmem>>) target_semaphore(%run_scoped3A : memref<!tpu.dma_semaphore, #tpu.memory_space<semaphore_mem>>)
        %dma_wait3A_41 = tpu.memref_slice %arg3[%add3A_34] : memref<327680xi32, #tpu.memory_space<hbm>> -> memref<128xi32, #tpu.memory_space<hbm>>
        %dma_wait3A_42 = tpu.memref_slice %arg3[%add3A_34] : memref<327680xi32, #tpu.memory_space<hbm>> -> memref<128xi32, #tpu.memory_space<hbm>>
        tpu.wait_dma2 semaphore(%run_scoped3A : memref<!tpu.dma_semaphore, #tpu.memory_space<semaphore_mem>>) src(%dma_wait3A_42 : memref<128xi32, #tpu.memory_space<hbm>>) dst(%arg7 : memref<128xi32, #tpu.memory_space<vmem>>)
        tpu.yield
      }) : () -> ()
      %dma_start3A = arith.constant 0 : i32
      %dma_start3A_35 = arith.constant 0 : i32
      %dma_start3A_36 = tpu.memref_slice %arg2[%dma_start3A, %dma_start3A_35] : memref<10240x128xf32, #tpu.memory_space<hbm>> -> memref<10240x128xf32, #tpu.memory_space<hbm>>
      tpu.enqueue_indirect_dma source(%dma_start3A_36 : memref<10240x128xf32, #tpu.memory_space<hbm>>) target(%arg9 : memref<128x128xf32, #tpu.memory_space<vmem>>) offsets(%arg7 : memref<128xi32, #tpu.memory_space<vmem>>) semaphore(%arg12 : memref<!tpu.dma_semaphore, #tpu.memory_space<semaphore_mem>>)
      %dma_wait3A = arith.constant 0 : i32
      %dma_wait3A_37 = arith.constant 0 : i32
      %dma_wait3A_38 = tpu.memref_slice %arg2[%dma_wait3A, %dma_wait3A_37] : memref<10240x128xf32, #tpu.memory_space<hbm>> -> memref<10240x128xf32, #tpu.memory_space<hbm>>
      tpu.wait_indirect_dma semaphore(%arg12 : memref<!tpu.dma_semaphore, #tpu.memory_space<semaphore_mem>>) src(%dma_wait3A_38 : memref<10240x128xf32, #tpu.memory_space<hbm>>) dst(%arg9 : memref<128x128xf32, #tpu.memory_space<vmem>>)
      "tpu.region"() ({
        %run_scoped3A = tpu.sem_alloc : memref<!tpu.dma_semaphore, #tpu.memory_space<semaphore_mem>>
        %dma_start3A_39 = tpu.memref_slice %arg4[%add3A_34] : memref<327680xi32, #tpu.memory_space<hbm>> -> memref<128xi32, #tpu.memory_space<hbm>>
        %dma_start3A_40 = tpu.memref_slice %arg4[%add3A_34] : memref<327680xi32, #tpu.memory_space<hbm>> -> memref<128xi32, #tpu.memory_space<hbm>>
        tpu.enqueue_dma source(%dma_start3A_40 : memref<128xi32, #tpu.memory_space<hbm>>) target(%arg8 : memref<128xi32, #tpu.memory_space<vmem>>) target_semaphore(%run_scoped3A : memref<!tpu.dma_semaphore, #tpu.memory_space<semaphore_mem>>)
        %dma_wait3A_41 = tpu.memref_slice %arg4[%add3A_34] : memref<327680xi32, #tpu.memory_space<hbm>> -> memref<128xi32, #tpu.memory_space<hbm>>
        %dma_wait3A_42 = tpu.memref_slice %arg4[%add3A_34] : memref<327680xi32, #tpu.memory_space<hbm>> -> memref<128xi32, #tpu.memory_space<hbm>>
        tpu.wait_dma2 semaphore(%run_scoped3A : memref<!tpu.dma_semaphore, #tpu.memory_space<semaphore_mem>>) src(%dma_wait3A_42 : memref<128xi32, #tpu.memory_space<hbm>>) dst(%arg8 : memref<128xi32, #tpu.memory_space<vmem>>)
        tpu.yield
      }) : () -> ()
      "tpu.region"() ({
        %run_scoped3A = tpu.sem_alloc : memref<!tpu.dma_semaphore, #tpu.memory_space<semaphore_mem>>
        %dma_start3A_39 = arith.constant 0 : i32
        %dma_start3A_40 = arith.constant 0 : i32
        %dma_start3A_41 = tpu.memref_slice %arg11[%dma_start3A_39, %dma_start3A_40] : memref<10240x128xf32, #tpu.memory_space<vmem_shared>> -> memref<10240x128xf32, #tpu.memory_space<vmem_shared>>
        tpu.enqueue_indirect_dma source(%arg9 : memref<128x128xf32, #tpu.memory_space<vmem>>) target(%dma_start3A_41 : memref<10240x128xf32, #tpu.memory_space<vmem_shared>>) offsets(%arg8 : memref<128xi32, #tpu.memory_space<vmem>>) semaphore(%run_scoped3A : memref<!tpu.dma_semaphore, #tpu.memory_space<semaphore_mem>>) {add = true}
        %dma_wait3A_42 = arith.constant 0 : i32
        %dma_wait3A_43 = arith.constant 0 : i32
        %dma_wait3A_44 = tpu.memref_slice %arg11[%dma_wait3A_42, %dma_wait3A_43] : memref<10240x128xf32, #tpu.memory_space<vmem_shared>> -> memref<10240x128xf32, #tpu.memory_space<vmem_shared>>
        tpu.wait_indirect_dma semaphore(%run_scoped3A : memref<!tpu.dma_semaphore, #tpu.memory_space<semaphore_mem>>) src(%arg9 : memref<128x128xf32, #tpu.memory_space<vmem>>) dst(%dma_wait3A_44 : memref<10240x128xf32, #tpu.memory_space<vmem_shared>>)
        tpu.yield
      }) : () -> ()
    }
    %scan3A_19 = arith.constant 80 : i32
    %barrier3A_20 = arith.constant 0 : index
    tpu.barrier barrier_id(%barrier3A_20)
    %add3A_21 = arith.constant 0 : i32
    %add3A_22 = arith.addi %mul3A_2, %add3A_21 : i32
    "tpu.region"() ({
      %run_scoped3A = tpu.sem_alloc : memref<!tpu.dma_semaphore, #tpu.memory_space<semaphore_mem>>
      %dma_start3A = arith.constant 0 : i32
      %dma_start3A_31 = tpu.memref_slice %arg11[%add3A_22, %dma_start3A] : memref<10240x128xf32, #tpu.memory_space<vmem_shared>> -> memref<128x128xf32, #tpu.memory_space<vmem_shared>>
      %dma_start3A_32 = arith.constant 0 : i32
      %dma_start3A_33 = tpu.memref_slice %arg11[%add3A_22, %dma_start3A_32] : memref<10240x128xf32, #tpu.memory_space<vmem_shared>> -> memref<128x128xf32, #tpu.memory_space<vmem_shared>>
      tpu.enqueue_dma source(%dma_start3A_33 : memref<128x128xf32, #tpu.memory_space<vmem_shared>>) target(%arg9 : memref<128x128xf32, #tpu.memory_space<vmem>>) target_semaphore(%run_scoped3A : memref<!tpu.dma_semaphore, #tpu.memory_space<semaphore_mem>>)
      %dma_wait3A = arith.constant 0 : i32
      %dma_wait3A_34 = tpu.memref_slice %arg11[%add3A_22, %dma_wait3A] : memref<10240x128xf32, #tpu.memory_space<vmem_shared>> -> memref<128x128xf32, #tpu.memory_space<vmem_shared>>
      %dma_wait3A_35 = arith.constant 0 : i32
      %dma_wait3A_36 = tpu.memref_slice %arg11[%add3A_22, %dma_wait3A_35] : memref<10240x128xf32, #tpu.memory_space<vmem_shared>> -> memref<128x128xf32, #tpu.memory_space<vmem_shared>>
      tpu.wait_dma2 semaphore(%run_scoped3A : memref<!tpu.dma_semaphore, #tpu.memory_space<semaphore_mem>>) src(%dma_wait3A_36 : memref<128x128xf32, #tpu.memory_space<vmem_shared>>) dst(%arg9 : memref<128x128xf32, #tpu.memory_space<vmem>>)
      tpu.yield
    }) : () -> ()
    "tpu.region"() ({
      %run_scoped3A = tpu.sem_alloc : memref<!tpu.dma_semaphore, #tpu.memory_space<semaphore_mem>>
      %dma_start3A = arith.constant 0 : i32
      %dma_start3A_31 = tpu.memref_slice %arg6[%arg0, %add3A_22, %dma_start3A] : memref<2x10240x128xf32, #tpu.memory_space<hbm>> -> memref<1x128x128xf32, #tpu.memory_space<hbm>>
      %dma_start3A_32 = tpu.memref_squeeze %dma_start3A_31 : memref<1x128x128xf32, #tpu.memory_space<hbm>> -> memref<128x128xf32, #tpu.memory_space<hbm>>
      %dma_start3A_33 = arith.constant 0 : i32
      %dma_start3A_34 = tpu.memref_slice %arg6[%arg0, %add3A_22, %dma_start3A_33] : memref<2x10240x128xf32, #tpu.memory_space<hbm>> -> memref<1x128x128xf32, #tpu.memory_space<hbm>>
      %dma_start3A_35 = tpu.memref_squeeze %dma_start3A_34 : memref<1x128x128xf32, #tpu.memory_space<hbm>> -> memref<128x128xf32, #tpu.memory_space<hbm>>
      tpu.enqueue_dma source(%arg9 : memref<128x128xf32, #tpu.memory_space<vmem>>) target(%dma_start3A_35 : memref<128x128xf32, #tpu.memory_space<hbm>>) target_semaphore(%run_scoped3A : memref<!tpu.dma_semaphore, #tpu.memory_space<semaphore_mem>>)
      %dma_wait3A = arith.constant 0 : i32
      %dma_wait3A_36 = tpu.memref_slice %arg6[%arg0, %add3A_22, %dma_wait3A] : memref<2x10240x128xf32, #tpu.memory_space<hbm>> -> memref<1x128x128xf32, #tpu.memory_space<hbm>>
      %dma_wait3A_37 = tpu.memref_squeeze %dma_wait3A_36 : memref<1x128x128xf32, #tpu.memory_space<hbm>> -> memref<128x128xf32, #tpu.memory_space<hbm>>
      %dma_wait3A_38 = arith.constant 0 : i32
      %dma_wait3A_39 = tpu.memref_slice %arg6[%arg0, %add3A_22, %dma_wait3A_38] : memref<2x10240x128xf32, #tpu.memory_space<hbm>> -> memref<1x128x128xf32, #tpu.memory_space<hbm>>
      %dma_wait3A_40 = tpu.memref_squeeze %dma_wait3A_39 : memref<1x128x128xf32, #tpu.memory_space<hbm>> -> memref<128x128xf32, #tpu.memory_space<hbm>>
      tpu.wait_dma2 semaphore(%run_scoped3A : memref<!tpu.dma_semaphore, #tpu.memory_space<semaphore_mem>>) src(%arg9 : memref<128x128xf32, #tpu.memory_space<vmem>>) dst(%dma_wait3A_40 : memref<128x128xf32, #tpu.memory_space<hbm>>)
      tpu.yield
    }) : () -> ()
    %add3A_23 = arith.constant 128 : i32
    %add3A_24 = arith.addi %mul3A_2, %add3A_23 : i32
    "tpu.region"() ({
      %run_scoped3A = tpu.sem_alloc : memref<!tpu.dma_semaphore, #tpu.memory_space<semaphore_mem>>
      %dma_start3A = arith.constant 0 : i32
      %dma_start3A_31 = tpu.memref_slice %arg11[%add3A_24, %dma_start3A] : memref<10240x128xf32, #tpu.memory_space<vmem_shared>> -> memref<128x128xf32, #tpu.memory_space<vmem_shared>>
      %dma_start3A_32 = arith.constant 0 : i32
      %dma_start3A_33 = tpu.memref_slice %arg11[%add3A_24, %dma_start3A_32] : memref<10240x128xf32, #tpu.memory_space<vmem_shared>> -> memref<128x128xf32, #tpu.memory_space<vmem_shared>>
      tpu.enqueue_dma source(%dma_start3A_33 : memref<128x128xf32, #tpu.memory_space<vmem_shared>>) target(%arg9 : memref<128x128xf32, #tpu.memory_space<vmem>>) target_semaphore(%run_scoped3A : memref<!tpu.dma_semaphore, #tpu.memory_space<semaphore_mem>>)
      %dma_wait3A = arith.constant 0 : i32
      %dma_wait3A_34 = tpu.memref_slice %arg11[%add3A_24, %dma_wait3A] : memref<10240x128xf32, #tpu.memory_space<vmem_shared>> -> memref<128x128xf32, #tpu.memory_space<vmem_shared>>
      %dma_wait3A_35 = arith.constant 0 : i32
      %dma_wait3A_36 = tpu.memref_slice %arg11[%add3A_24, %dma_wait3A_35] : memref<10240x128xf32, #tpu.memory_space<vmem_shared>> -> memref<128x128xf32, #tpu.memory_space<vmem_shared>>
      tpu.wait_dma2 semaphore(%run_scoped3A : memref<!tpu.dma_semaphore, #tpu.memory_space<semaphore_mem>>) src(%dma_wait3A_36 : memref<128x128xf32, #tpu.memory_space<vmem_shared>>) dst(%arg9 : memref<128x128xf32, #tpu.memory_space<vmem>>)
      tpu.yield
    }) : () -> ()
    "tpu.region"() ({
      %run_scoped3A = tpu.sem_alloc : memref<!tpu.dma_semaphore, #tpu.memory_space<semaphore_mem>>
      %dma_start3A = arith.constant 0 : i32
      %dma_start3A_31 = tpu.memref_slice %arg6[%arg0, %add3A_24, %dma_start3A] : memref<2x10240x128xf32, #tpu.memory_space<hbm>> -> memref<1x128x128xf32, #tpu.memory_space<hbm>>
      %dma_start3A_32 = tpu.memref_squeeze %dma_start3A_31 : memref<1x128x128xf32, #tpu.memory_space<hbm>> -> memref<128x128xf32, #tpu.memory_space<hbm>>
      %dma_start3A_33 = arith.constant 0 : i32
      %dma_start3A_34 = tpu.memref_slice %arg6[%arg0, %add3A_24, %dma_start3A_33] : memref<2x10240x128xf32, #tpu.memory_space<hbm>> -> memref<1x128x128xf32, #tpu.memory_space<hbm>>
      %dma_start3A_35 = tpu.memref_squeeze %dma_start3A_34 : memref<1x128x128xf32, #tpu.memory_space<hbm>> -> memref<128x128xf32, #tpu.memory_space<hbm>>
      tpu.enqueue_dma source(%arg9 : memref<128x128xf32, #tpu.memory_space<vmem>>) target(%dma_start3A_35 : memref<128x128xf32, #tpu.memory_space<hbm>>) target_semaphore(%run_scoped3A : memref<!tpu.dma_semaphore, #tpu.memory_space<semaphore_mem>>)
      %dma_wait3A = arith.constant 0 : i32
      %dma_wait3A_36 = tpu.memref_slice %arg6[%arg0, %add3A_24, %dma_wait3A] : memref<2x10240x128xf32, #tpu.memory_space<hbm>> -> memref<1x128x128xf32, #tpu.memory_space<hbm>>
      %dma_wait3A_37 = tpu.memref_squeeze %dma_wait3A_36 : memref<1x128x128xf32, #tpu.memory_space<hbm>> -> memref<128x128xf32, #tpu.memory_space<hbm>>
      %dma_wait3A_38 = arith.constant 0 : i32
      %dma_wait3A_39 = tpu.memref_slice %arg6[%arg0, %add3A_24, %dma_wait3A_38] : memref<2x10240x128xf32, #tpu.memory_space<hbm>> -> memref<1x128x128xf32, #tpu.memory_space<hbm>>
      %dma_wait3A_40 = tpu.memref_squeeze %dma_wait3A_39 : memref<1x128x128xf32, #tpu.memory_space<hbm>> -> memref<128x128xf32, #tpu.memory_space<hbm>>
      tpu.wait_dma2 semaphore(%run_scoped3A : memref<!tpu.dma_semaphore, #tpu.memory_space<semaphore_mem>>) src(%arg9 : memref<128x128xf32, #tpu.memory_space<vmem>>) dst(%dma_wait3A_40 : memref<128x128xf32, #tpu.memory_space<hbm>>)
      tpu.yield
    }) : () -> ()
    %add3A_25 = arith.constant 256 : i32
    %add3A_26 = arith.addi %mul3A_2, %add3A_25 : i32
    "tpu.region"() ({
      %run_scoped3A = tpu.sem_alloc : memref<!tpu.dma_semaphore, #tpu.memory_space<semaphore_mem>>
      %dma_start3A = arith.constant 0 : i32
      %dma_start3A_31 = tpu.memref_slice %arg11[%add3A_26, %dma_start3A] : memref<10240x128xf32, #tpu.memory_space<vmem_shared>> -> memref<128x128xf32, #tpu.memory_space<vmem_shared>>
      %dma_start3A_32 = arith.constant 0 : i32
      %dma_start3A_33 = tpu.memref_slice %arg11[%add3A_26, %dma_start3A_32] : memref<10240x128xf32, #tpu.memory_space<vmem_shared>> -> memref<128x128xf32, #tpu.memory_space<vmem_shared>>
      tpu.enqueue_dma source(%dma_start3A_33 : memref<128x128xf32, #tpu.memory_space<vmem_shared>>) target(%arg9 : memref<128x128xf32, #tpu.memory_space<vmem>>) target_semaphore(%run_scoped3A : memref<!tpu.dma_semaphore, #tpu.memory_space<semaphore_mem>>)
      %dma_wait3A = arith.constant 0 : i32
      %dma_wait3A_34 = tpu.memref_slice %arg11[%add3A_26, %dma_wait3A] : memref<10240x128xf32, #tpu.memory_space<vmem_shared>> -> memref<128x128xf32, #tpu.memory_space<vmem_shared>>
      %dma_wait3A_35 = arith.constant 0 : i32
      %dma_wait3A_36 = tpu.memref_slice %arg11[%add3A_26, %dma_wait3A_35] : memref<10240x128xf32, #tpu.memory_space<vmem_shared>> -> memref<128x128xf32, #tpu.memory_space<vmem_shared>>
      tpu.wait_dma2 semaphore(%run_scoped3A : memref<!tpu.dma_semaphore, #tpu.memory_space<semaphore_mem>>) src(%dma_wait3A_36 : memref<128x128xf32, #tpu.memory_space<vmem_shared>>) dst(%arg9 : memref<128x128xf32, #tpu.memory_space<vmem>>)
      tpu.yield
    }) : () -> ()
    "tpu.region"() ({
      %run_scoped3A = tpu.sem_alloc : memref<!tpu.dma_semaphore, #tpu.memory_space<semaphore_mem>>
      %dma_start3A = arith.constant 0 : i32
      %dma_start3A_31 = tpu.memref_slice %arg6[%arg0, %add3A_26, %dma_start3A] : memref<2x10240x128xf32, #tpu.memory_space<hbm>> -> memref<1x128x128xf32, #tpu.memory_space<hbm>>
      %dma_start3A_32 = tpu.memref_squeeze %dma_start3A_31 : memref<1x128x128xf32, #tpu.memory_space<hbm>> -> memref<128x128xf32, #tpu.memory_space<hbm>>
      %dma_start3A_33 = arith.constant 0 : i32
      %dma_start3A_34 = tpu.memref_slice %arg6[%arg0, %add3A_26, %dma_start3A_33] : memref<2x10240x128xf32, #tpu.memory_space<hbm>> -> memref<1x128x128xf32, #tpu.memory_space<hbm>>
      %dma_start3A_35 = tpu.memref_squeeze %dma_start3A_34 : memref<1x128x128xf32, #tpu.memory_space<hbm>> -> memref<128x128xf32, #tpu.memory_space<hbm>>
      tpu.enqueue_dma source(%arg9 : memref<128x128xf32, #tpu.memory_space<vmem>>) target(%dma_start3A_35 : memref<128x128xf32, #tpu.memory_space<hbm>>) target_semaphore(%run_scoped3A : memref<!tpu.dma_semaphore, #tpu.memory_space<semaphore_mem>>)
      %dma_wait3A = arith.constant 0 : i32
      %dma_wait3A_36 = tpu.memref_slice %arg6[%arg0, %add3A_26, %dma_wait3A] : memref<2x10240x128xf32, #tpu.memory_space<hbm>> -> memref<1x128x128xf32, #tpu.memory_space<hbm>>
      %dma_wait3A_37 = tpu.memref_squeeze %dma_wait3A_36 : memref<1x128x128xf32, #tpu.memory_space<hbm>> -> memref<128x128xf32, #tpu.memory_space<hbm>>
      %dma_wait3A_38 = arith.constant 0 : i32
      %dma_wait3A_39 = tpu.memref_slice %arg6[%arg0, %add3A_26, %dma_wait3A_38] : memref<2x10240x128xf32, #tpu.memory_space<hbm>> -> memref<1x128x128xf32, #tpu.memory_space<hbm>>
      %dma_wait3A_40 = tpu.memref_squeeze %dma_wait3A_39 : memref<1x128x128xf32, #tpu.memory_space<hbm>> -> memref<128x128xf32, #tpu.memory_space<hbm>>
      tpu.wait_dma2 semaphore(%run_scoped3A : memref<!tpu.dma_semaphore, #tpu.memory_space<semaphore_mem>>) src(%arg9 : memref<128x128xf32, #tpu.memory_space<vmem>>) dst(%dma_wait3A_40 : memref<128x128xf32, #tpu.memory_space<hbm>>)
      tpu.yield
    }) : () -> ()
    %add3A_27 = arith.constant 384 : i32
    %add3A_28 = arith.addi %mul3A_2, %add3A_27 : i32
    "tpu.region"() ({
      %run_scoped3A = tpu.sem_alloc : memref<!tpu.dma_semaphore, #tpu.memory_space<semaphore_mem>>
      %dma_start3A = arith.constant 0 : i32
      %dma_start3A_31 = tpu.memref_slice %arg11[%add3A_28, %dma_start3A] : memref<10240x128xf32, #tpu.memory_space<vmem_shared>> -> memref<128x128xf32, #tpu.memory_space<vmem_shared>>
      %dma_start3A_32 = arith.constant 0 : i32
      %dma_start3A_33 = tpu.memref_slice %arg11[%add3A_28, %dma_start3A_32] : memref<10240x128xf32, #tpu.memory_space<vmem_shared>> -> memref<128x128xf32, #tpu.memory_space<vmem_shared>>
      tpu.enqueue_dma source(%dma_start3A_33 : memref<128x128xf32, #tpu.memory_space<vmem_shared>>) target(%arg9 : memref<128x128xf32, #tpu.memory_space<vmem>>) target_semaphore(%run_scoped3A : memref<!tpu.dma_semaphore, #tpu.memory_space<semaphore_mem>>)
      %dma_wait3A = arith.constant 0 : i32
      %dma_wait3A_34 = tpu.memref_slice %arg11[%add3A_28, %dma_wait3A] : memref<10240x128xf32, #tpu.memory_space<vmem_shared>> -> memref<128x128xf32, #tpu.memory_space<vmem_shared>>
      %dma_wait3A_35 = arith.constant 0 : i32
      %dma_wait3A_36 = tpu.memref_slice %arg11[%add3A_28, %dma_wait3A_35] : memref<10240x128xf32, #tpu.memory_space<vmem_shared>> -> memref<128x128xf32, #tpu.memory_space<vmem_shared>>
      tpu.wait_dma2 semaphore(%run_scoped3A : memref<!tpu.dma_semaphore, #tpu.memory_space<semaphore_mem>>) src(%dma_wait3A_36 : memref<128x128xf32, #tpu.memory_space<vmem_shared>>) dst(%arg9 : memref<128x128xf32, #tpu.memory_space<vmem>>)
      tpu.yield
    }) : () -> ()
    "tpu.region"() ({
      %run_scoped3A = tpu.sem_alloc : memref<!tpu.dma_semaphore, #tpu.memory_space<semaphore_mem>>
      %dma_start3A = arith.constant 0 : i32
      %dma_start3A_31 = tpu.memref_slice %arg6[%arg0, %add3A_28, %dma_start3A] : memref<2x10240x128xf32, #tpu.memory_space<hbm>> -> memref<1x128x128xf32, #tpu.memory_space<hbm>>
      %dma_start3A_32 = tpu.memref_squeeze %dma_start3A_31 : memref<1x128x128xf32, #tpu.memory_space<hbm>> -> memref<128x128xf32, #tpu.memory_space<hbm>>
      %dma_start3A_33 = arith.constant 0 : i32
      %dma_start3A_34 = tpu.memref_slice %arg6[%arg0, %add3A_28, %dma_start3A_33] : memref<2x10240x128xf32, #tpu.memory_space<hbm>> -> memref<1x128x128xf32, #tpu.memory_space<hbm>>
      %dma_start3A_35 = tpu.memref_squeeze %dma_start3A_34 : memref<1x128x128xf32, #tpu.memory_space<hbm>> -> memref<128x128xf32, #tpu.memory_space<hbm>>
      tpu.enqueue_dma source(%arg9 : memref<128x128xf32, #tpu.memory_space<vmem>>) target(%dma_start3A_35 : memref<128x128xf32, #tpu.memory_space<hbm>>) target_semaphore(%run_scoped3A : memref<!tpu.dma_semaphore, #tpu.memory_space<semaphore_mem>>)
      %dma_wait3A = arith.constant 0 : i32
      %dma_wait3A_36 = tpu.memref_slice %arg6[%arg0, %add3A_28, %dma_wait3A] : memref<2x10240x128xf32, #tpu.memory_space<hbm>> -> memref<1x128x128xf32, #tpu.memory_space<hbm>>
      %dma_wait3A_37 = tpu.memref_squeeze %dma_wait3A_36 : memref<1x128x128xf32, #tpu.memory_space<hbm>> -> memref<128x128xf32, #tpu.memory_space<hbm>>
      %dma_wait3A_38 = arith.constant 0 : i32
      %dma_wait3A_39 = tpu.memref_slice %arg6[%arg0, %add3A_28, %dma_wait3A_38] : memref<2x10240x128xf32, #tpu.memory_space<hbm>> -> memref<1x128x128xf32, #tpu.memory_space<hbm>>
      %dma_wait3A_40 = tpu.memref_squeeze %dma_wait3A_39 : memref<1x128x128xf32, #tpu.memory_space<hbm>> -> memref<128x128xf32, #tpu.memory_space<hbm>>
      tpu.wait_dma2 semaphore(%run_scoped3A : memref<!tpu.dma_semaphore, #tpu.memory_space<semaphore_mem>>) src(%arg9 : memref<128x128xf32, #tpu.memory_space<vmem>>) dst(%dma_wait3A_40 : memref<128x128xf32, #tpu.memory_space<hbm>>)
      tpu.yield
    }) : () -> ()
    %add3A_29 = arith.constant 512 : i32
    %add3A_30 = arith.addi %mul3A_2, %add3A_29 : i32
    "tpu.region"() ({
      %run_scoped3A = tpu.sem_alloc : memref<!tpu.dma_semaphore, #tpu.memory_space<semaphore_mem>>
      %dma_start3A = arith.constant 0 : i32
      %dma_start3A_31 = tpu.memref_slice %arg11[%add3A_30, %dma_start3A] : memref<10240x128xf32, #tpu.memory_space<vmem_shared>> -> memref<128x128xf32, #tpu.memory_space<vmem_shared>>
      %dma_start3A_32 = arith.constant 0 : i32
      %dma_start3A_33 = tpu.memref_slice %arg11[%add3A_30, %dma_start3A_32] : memref<10240x128xf32, #tpu.memory_space<vmem_shared>> -> memref<128x128xf32, #tpu.memory_space<vmem_shared>>
      tpu.enqueue_dma source(%dma_start3A_33 : memref<128x128xf32, #tpu.memory_space<vmem_shared>>) target(%arg9 : memref<128x128xf32, #tpu.memory_space<vmem>>) target_semaphore(%run_scoped3A : memref<!tpu.dma_semaphore, #tpu.memory_space<semaphore_mem>>)
      %dma_wait3A = arith.constant 0 : i32
      %dma_wait3A_34 = tpu.memref_slice %arg11[%add3A_30, %dma_wait3A] : memref<10240x128xf32, #tpu.memory_space<vmem_shared>> -> memref<128x128xf32, #tpu.memory_space<vmem_shared>>
      %dma_wait3A_35 = arith.constant 0 : i32
      %dma_wait3A_36 = tpu.memref_slice %arg11[%add3A_30, %dma_wait3A_35] : memref<10240x128xf32, #tpu.memory_space<vmem_shared>> -> memref<128x128xf32, #tpu.memory_space<vmem_shared>>
      tpu.wait_dma2 semaphore(%run_scoped3A : memref<!tpu.dma_semaphore, #tpu.memory_space<semaphore_mem>>) src(%dma_wait3A_36 : memref<128x128xf32, #tpu.memory_space<vmem_shared>>) dst(%arg9 : memref<128x128xf32, #tpu.memory_space<vmem>>)
      tpu.yield
    }) : () -> ()
    "tpu.region"() ({
      %run_scoped3A = tpu.sem_alloc : memref<!tpu.dma_semaphore, #tpu.memory_space<semaphore_mem>>
      %dma_start3A = arith.constant 0 : i32
      %dma_start3A_31 = tpu.memref_slice %arg6[%arg0, %add3A_30, %dma_start3A] : memref<2x10240x128xf32, #tpu.memory_space<hbm>> -> memref<1x128x128xf32, #tpu.memory_space<hbm>>
      %dma_start3A_32 = tpu.memref_squeeze %dma_start3A_31 : memref<1x128x128xf32, #tpu.memory_space<hbm>> -> memref<128x128xf32, #tpu.memory_space<hbm>>
      %dma_start3A_33 = arith.constant 0 : i32
      %dma_start3A_34 = tpu.memref_slice %arg6[%arg0, %add3A_30, %dma_start3A_33] : memref<2x10240x128xf32, #tpu.memory_space<hbm>> -> memref<1x128x128xf32, #tpu.memory_space<hbm>>
      %dma_start3A_35 = tpu.memref_squeeze %dma_start3A_34 : memref<1x128x128xf32, #tpu.memory_space<hbm>> -> memref<128x128xf32, #tpu.memory_space<hbm>>
      tpu.enqueue_dma source(%arg9 : memref<128x128xf32, #tpu.memory_space<vmem>>) target(%dma_start3A_35 : memref<128x128xf32, #tpu.memory_space<hbm>>) target_semaphore(%run_scoped3A : memref<!tpu.dma_semaphore, #tpu.memory_space<semaphore_mem>>)
      %dma_wait3A = arith.constant 0 : i32
      %dma_wait3A_36 = tpu.memref_slice %arg6[%arg0, %add3A_30, %dma_wait3A] : memref<2x10240x128xf32, #tpu.memory_space<hbm>> -> memref<1x128x128xf32, #tpu.memory_space<hbm>>
      %dma_wait3A_37 = tpu.memref_squeeze %dma_wait3A_36 : memref<1x128x128xf32, #tpu.memory_space<hbm>> -> memref<128x128xf32, #tpu.memory_space<hbm>>
      %dma_wait3A_38 = arith.constant 0 : i32
      %dma_wait3A_39 = tpu.memref_slice %arg6[%arg0, %add3A_30, %dma_wait3A_38] : memref<2x10240x128xf32, #tpu.memory_space<hbm>> -> memref<1x128x128xf32, #tpu.memory_space<hbm>>
      %dma_wait3A_40 = tpu.memref_squeeze %dma_wait3A_39 : memref<1x128x128xf32, #tpu.memory_space<hbm>> -> memref<128x128xf32, #tpu.memory_space<hbm>>
      tpu.wait_dma2 semaphore(%run_scoped3A : memref<!tpu.dma_semaphore, #tpu.memory_space<semaphore_mem>>) src(%arg9 : memref<128x128xf32, #tpu.memory_space<vmem>>) dst(%dma_wait3A_40 : memref<128x128xf32, #tpu.memory_space<hbm>>)
      tpu.yield
    }) : () -> ()
    return
  }
}

#map = affine_map<(d0, d1) -> (0)>
#map1 = affine_map<(d0, d1) -> (0, 0, 0)>
#map2 = affine_map<(d0, d1) -> (0, 0, 0, 0)>
module attributes {stable_mosaic.version = 14 : i64} {
  func.func @_deg_body(%arg0: i32, %arg1: i32, %arg2: memref<327680xi32, #tpu.memory_space<hbm>>, %arg3: memref<327680xi32, #tpu.memory_space<hbm>>, %arg4: memref<2x128x16xf32, #tpu.memory_space<hbm>>, %arg5: memref<2x2x10240x16xf32, #tpu.memory_space<hbm>>, %arg6: memref<128xi32, #tpu.memory_space<vmem>>, %arg7: memref<128xi32, #tpu.memory_space<vmem>>, %arg8: memref<128x16xf32, #tpu.memory_space<vmem>>, %arg9: memref<128x16xf32, #tpu.memory_space<vmem>>, %arg10: memref<10240x16xf32, #tpu.memory_space<vmem_shared>>, %arg11: memref<10240x16xf32, #tpu.memory_space<vmem_shared>>) attributes {dimension_semantics = [#tpu.dimension_semantics<core_parallel>, #tpu.dimension_semantics<subcore_parallel>], iteration_bounds = array<i64: 2, 16>, scalar_prefetch = 0 : i64, scratch_operands = 6 : i64, tpu.core_type = #tpu.core_type<sc_vector_subcore>, window_params = [{transform_indices = #map}, {transform_indices = #map}, {transform_indices = #map1}, {transform_indices = #map2}]} {
    %mul3A = arith.constant 2 : i32
    %mul3A_0 = arith.muli %arg1, %mul3A : i32
    %add3A = arith.addi %mul3A_0, %arg0 : i32
    %run_scoped3A = arith.constant 1 : i32
    "tpu.region"() ({
      %run_scoped3A_52 = tpu.sem_alloc : memref<!tpu.dma_semaphore, #tpu.memory_space<semaphore_mem>>
      %dma_start3A = arith.constant 0 : i32
      %dma_start3A_53 = arith.constant 0 : i32
      %dma_start3A_54 = tpu.memref_slice %arg4[%run_scoped3A, %dma_start3A, %dma_start3A_53] : memref<2x128x16xf32, #tpu.memory_space<hbm>> -> memref<1x128x16xf32, #tpu.memory_space<hbm>>
      %dma_start3A_55 = tpu.memref_squeeze %dma_start3A_54 : memref<1x128x16xf32, #tpu.memory_space<hbm>> -> memref<128x16xf32, #tpu.memory_space<hbm>>
      %dma_start3A_56 = arith.constant 0 : i32
      %dma_start3A_57 = arith.constant 0 : i32
      %dma_start3A_58 = tpu.memref_slice %arg4[%run_scoped3A, %dma_start3A_56, %dma_start3A_57] : memref<2x128x16xf32, #tpu.memory_space<hbm>> -> memref<1x128x16xf32, #tpu.memory_space<hbm>>
      %dma_start3A_59 = tpu.memref_squeeze %dma_start3A_58 : memref<1x128x16xf32, #tpu.memory_space<hbm>> -> memref<128x16xf32, #tpu.memory_space<hbm>>
      tpu.enqueue_dma source(%dma_start3A_59 : memref<128x16xf32, #tpu.memory_space<hbm>>) target(%arg8 : memref<128x16xf32, #tpu.memory_space<vmem>>) target_semaphore(%run_scoped3A_52 : memref<!tpu.dma_semaphore, #tpu.memory_space<semaphore_mem>>)
      %dma_wait3A = arith.constant 0 : i32
      %dma_wait3A_60 = arith.constant 0 : i32
      %dma_wait3A_61 = tpu.memref_slice %arg4[%run_scoped3A, %dma_wait3A, %dma_wait3A_60] : memref<2x128x16xf32, #tpu.memory_space<hbm>> -> memref<1x128x16xf32, #tpu.memory_space<hbm>>
      %dma_wait3A_62 = tpu.memref_squeeze %dma_wait3A_61 : memref<1x128x16xf32, #tpu.memory_space<hbm>> -> memref<128x16xf32, #tpu.memory_space<hbm>>
      %dma_wait3A_63 = arith.constant 0 : i32
      %dma_wait3A_64 = arith.constant 0 : i32
      %dma_wait3A_65 = tpu.memref_slice %arg4[%run_scoped3A, %dma_wait3A_63, %dma_wait3A_64] : memref<2x128x16xf32, #tpu.memory_space<hbm>> -> memref<1x128x16xf32, #tpu.memory_space<hbm>>
      %dma_wait3A_66 = tpu.memref_squeeze %dma_wait3A_65 : memref<1x128x16xf32, #tpu.memory_space<hbm>> -> memref<128x16xf32, #tpu.memory_space<hbm>>
      tpu.wait_dma2 semaphore(%run_scoped3A_52 : memref<!tpu.dma_semaphore, #tpu.memory_space<semaphore_mem>>) src(%dma_wait3A_66 : memref<128x16xf32, #tpu.memory_space<hbm>>) dst(%arg8 : memref<128x16xf32, #tpu.memory_space<vmem>>)
      tpu.yield
    }) : () -> ()
    %run_scoped3A_1 = arith.constant 0 : i32
    "tpu.region"() ({
      %run_scoped3A_52 = tpu.sem_alloc : memref<!tpu.dma_semaphore, #tpu.memory_space<semaphore_mem>>
      %dma_start3A = arith.constant 0 : i32
      %dma_start3A_53 = arith.constant 0 : i32
      %dma_start3A_54 = tpu.memref_slice %arg4[%run_scoped3A_1, %dma_start3A, %dma_start3A_53] : memref<2x128x16xf32, #tpu.memory_space<hbm>> -> memref<1x128x16xf32, #tpu.memory_space<hbm>>
      %dma_start3A_55 = tpu.memref_squeeze %dma_start3A_54 : memref<1x128x16xf32, #tpu.memory_space<hbm>> -> memref<128x16xf32, #tpu.memory_space<hbm>>
      %dma_start3A_56 = arith.constant 0 : i32
      %dma_start3A_57 = arith.constant 0 : i32
      %dma_start3A_58 = tpu.memref_slice %arg4[%run_scoped3A_1, %dma_start3A_56, %dma_start3A_57] : memref<2x128x16xf32, #tpu.memory_space<hbm>> -> memref<1x128x16xf32, #tpu.memory_space<hbm>>
      %dma_start3A_59 = tpu.memref_squeeze %dma_start3A_58 : memref<1x128x16xf32, #tpu.memory_space<hbm>> -> memref<128x16xf32, #tpu.memory_space<hbm>>
      tpu.enqueue_dma source(%dma_start3A_59 : memref<128x16xf32, #tpu.memory_space<hbm>>) target(%arg9 : memref<128x16xf32, #tpu.memory_space<vmem>>) target_semaphore(%run_scoped3A_52 : memref<!tpu.dma_semaphore, #tpu.memory_space<semaphore_mem>>)
      %dma_wait3A = arith.constant 0 : i32
      %dma_wait3A_60 = arith.constant 0 : i32
      %dma_wait3A_61 = tpu.memref_slice %arg4[%run_scoped3A_1, %dma_wait3A, %dma_wait3A_60] : memref<2x128x16xf32, #tpu.memory_space<hbm>> -> memref<1x128x16xf32, #tpu.memory_space<hbm>>
      %dma_wait3A_62 = tpu.memref_squeeze %dma_wait3A_61 : memref<1x128x16xf32, #tpu.memory_space<hbm>> -> memref<128x16xf32, #tpu.memory_space<hbm>>
      %dma_wait3A_63 = arith.constant 0 : i32
      %dma_wait3A_64 = arith.constant 0 : i32
      %dma_wait3A_65 = tpu.memref_slice %arg4[%run_scoped3A_1, %dma_wait3A_63, %dma_wait3A_64] : memref<2x128x16xf32, #tpu.memory_space<hbm>> -> memref<1x128x16xf32, #tpu.memory_space<hbm>>
      %dma_wait3A_66 = tpu.memref_squeeze %dma_wait3A_65 : memref<1x128x16xf32, #tpu.memory_space<hbm>> -> memref<128x16xf32, #tpu.memory_space<hbm>>
      tpu.wait_dma2 semaphore(%run_scoped3A_52 : memref<!tpu.dma_semaphore, #tpu.memory_space<semaphore_mem>>) src(%dma_wait3A_66 : memref<128x16xf32, #tpu.memory_space<hbm>>) dst(%arg9 : memref<128x16xf32, #tpu.memory_space<vmem>>)
      tpu.yield
    }) : () -> ()
    %mul3A_2 = arith.constant 640 : i32
    %mul3A_3 = arith.muli %arg1, %mul3A_2 : i32
    %add3A_4 = arith.constant 0 : i32
    %add3A_5 = arith.addi %mul3A_3, %add3A_4 : i32
    "tpu.region"() ({
      %run_scoped3A_52 = tpu.sem_alloc : memref<!tpu.dma_semaphore, #tpu.memory_space<semaphore_mem>>
      %dma_start3A = arith.constant 0 : i32
      %dma_start3A_53 = tpu.memref_slice %arg10[%add3A_5, %dma_start3A] : memref<10240x16xf32, #tpu.memory_space<vmem_shared>> -> memref<128x16xf32, #tpu.memory_space<vmem_shared>>
      %dma_start3A_54 = arith.constant 0 : i32
      %dma_start3A_55 = tpu.memref_slice %arg10[%add3A_5, %dma_start3A_54] : memref<10240x16xf32, #tpu.memory_space<vmem_shared>> -> memref<128x16xf32, #tpu.memory_space<vmem_shared>>
      tpu.enqueue_dma source(%arg9 : memref<128x16xf32, #tpu.memory_space<vmem>>) target(%dma_start3A_55 : memref<128x16xf32, #tpu.memory_space<vmem_shared>>) target_semaphore(%run_scoped3A_52 : memref<!tpu.dma_semaphore, #tpu.memory_space<semaphore_mem>>)
      %dma_wait3A = arith.constant 0 : i32
      %dma_wait3A_56 = tpu.memref_slice %arg10[%add3A_5, %dma_wait3A] : memref<10240x16xf32, #tpu.memory_space<vmem_shared>> -> memref<128x16xf32, #tpu.memory_space<vmem_shared>>
      %dma_wait3A_57 = arith.constant 0 : i32
      %dma_wait3A_58 = tpu.memref_slice %arg10[%add3A_5, %dma_wait3A_57] : memref<10240x16xf32, #tpu.memory_space<vmem_shared>> -> memref<128x16xf32, #tpu.memory_space<vmem_shared>>
      tpu.wait_dma2 semaphore(%run_scoped3A_52 : memref<!tpu.dma_semaphore, #tpu.memory_space<semaphore_mem>>) src(%arg9 : memref<128x16xf32, #tpu.memory_space<vmem>>) dst(%dma_wait3A_58 : memref<128x16xf32, #tpu.memory_space<vmem_shared>>)
      tpu.yield
    }) : () -> ()
    %add3A_6 = arith.constant 0 : i32
    %add3A_7 = arith.addi %mul3A_3, %add3A_6 : i32
    "tpu.region"() ({
      %run_scoped3A_52 = tpu.sem_alloc : memref<!tpu.dma_semaphore, #tpu.memory_space<semaphore_mem>>
      %dma_start3A = arith.constant 0 : i32
      %dma_start3A_53 = tpu.memref_slice %arg11[%add3A_7, %dma_start3A] : memref<10240x16xf32, #tpu.memory_space<vmem_shared>> -> memref<128x16xf32, #tpu.memory_space<vmem_shared>>
      %dma_start3A_54 = arith.constant 0 : i32
      %dma_start3A_55 = tpu.memref_slice %arg11[%add3A_7, %dma_start3A_54] : memref<10240x16xf32, #tpu.memory_space<vmem_shared>> -> memref<128x16xf32, #tpu.memory_space<vmem_shared>>
      tpu.enqueue_dma source(%arg9 : memref<128x16xf32, #tpu.memory_space<vmem>>) target(%dma_start3A_55 : memref<128x16xf32, #tpu.memory_space<vmem_shared>>) target_semaphore(%run_scoped3A_52 : memref<!tpu.dma_semaphore, #tpu.memory_space<semaphore_mem>>)
      %dma_wait3A = arith.constant 0 : i32
      %dma_wait3A_56 = tpu.memref_slice %arg11[%add3A_7, %dma_wait3A] : memref<10240x16xf32, #tpu.memory_space<vmem_shared>> -> memref<128x16xf32, #tpu.memory_space<vmem_shared>>
      %dma_wait3A_57 = arith.constant 0 : i32
      %dma_wait3A_58 = tpu.memref_slice %arg11[%add3A_7, %dma_wait3A_57] : memref<10240x16xf32, #tpu.memory_space<vmem_shared>> -> memref<128x16xf32, #tpu.memory_space<vmem_shared>>
      tpu.wait_dma2 semaphore(%run_scoped3A_52 : memref<!tpu.dma_semaphore, #tpu.memory_space<semaphore_mem>>) src(%arg9 : memref<128x16xf32, #tpu.memory_space<vmem>>) dst(%dma_wait3A_58 : memref<128x16xf32, #tpu.memory_space<vmem_shared>>)
      tpu.yield
    }) : () -> ()
    %add3A_8 = arith.constant 128 : i32
    %add3A_9 = arith.addi %mul3A_3, %add3A_8 : i32
    "tpu.region"() ({
      %run_scoped3A_52 = tpu.sem_alloc : memref<!tpu.dma_semaphore, #tpu.memory_space<semaphore_mem>>
      %dma_start3A = arith.constant 0 : i32
      %dma_start3A_53 = tpu.memref_slice %arg10[%add3A_9, %dma_start3A] : memref<10240x16xf32, #tpu.memory_space<vmem_shared>> -> memref<128x16xf32, #tpu.memory_space<vmem_shared>>
      %dma_start3A_54 = arith.constant 0 : i32
      %dma_start3A_55 = tpu.memref_slice %arg10[%add3A_9, %dma_start3A_54] : memref<10240x16xf32, #tpu.memory_space<vmem_shared>> -> memref<128x16xf32, #tpu.memory_space<vmem_shared>>
      tpu.enqueue_dma source(%arg9 : memref<128x16xf32, #tpu.memory_space<vmem>>) target(%dma_start3A_55 : memref<128x16xf32, #tpu.memory_space<vmem_shared>>) target_semaphore(%run_scoped3A_52 : memref<!tpu.dma_semaphore, #tpu.memory_space<semaphore_mem>>)
      %dma_wait3A = arith.constant 0 : i32
      %dma_wait3A_56 = tpu.memref_slice %arg10[%add3A_9, %dma_wait3A] : memref<10240x16xf32, #tpu.memory_space<vmem_shared>> -> memref<128x16xf32, #tpu.memory_space<vmem_shared>>
      %dma_wait3A_57 = arith.constant 0 : i32
      %dma_wait3A_58 = tpu.memref_slice %arg10[%add3A_9, %dma_wait3A_57] : memref<10240x16xf32, #tpu.memory_space<vmem_shared>> -> memref<128x16xf32, #tpu.memory_space<vmem_shared>>
      tpu.wait_dma2 semaphore(%run_scoped3A_52 : memref<!tpu.dma_semaphore, #tpu.memory_space<semaphore_mem>>) src(%arg9 : memref<128x16xf32, #tpu.memory_space<vmem>>) dst(%dma_wait3A_58 : memref<128x16xf32, #tpu.memory_space<vmem_shared>>)
      tpu.yield
    }) : () -> ()
    %add3A_10 = arith.constant 128 : i32
    %add3A_11 = arith.addi %mul3A_3, %add3A_10 : i32
    "tpu.region"() ({
      %run_scoped3A_52 = tpu.sem_alloc : memref<!tpu.dma_semaphore, #tpu.memory_space<semaphore_mem>>
      %dma_start3A = arith.constant 0 : i32
      %dma_start3A_53 = tpu.memref_slice %arg11[%add3A_11, %dma_start3A] : memref<10240x16xf32, #tpu.memory_space<vmem_shared>> -> memref<128x16xf32, #tpu.memory_space<vmem_shared>>
      %dma_start3A_54 = arith.constant 0 : i32
      %dma_start3A_55 = tpu.memref_slice %arg11[%add3A_11, %dma_start3A_54] : memref<10240x16xf32, #tpu.memory_space<vmem_shared>> -> memref<128x16xf32, #tpu.memory_space<vmem_shared>>
      tpu.enqueue_dma source(%arg9 : memref<128x16xf32, #tpu.memory_space<vmem>>) target(%dma_start3A_55 : memref<128x16xf32, #tpu.memory_space<vmem_shared>>) target_semaphore(%run_scoped3A_52 : memref<!tpu.dma_semaphore, #tpu.memory_space<semaphore_mem>>)
      %dma_wait3A = arith.constant 0 : i32
      %dma_wait3A_56 = tpu.memref_slice %arg11[%add3A_11, %dma_wait3A] : memref<10240x16xf32, #tpu.memory_space<vmem_shared>> -> memref<128x16xf32, #tpu.memory_space<vmem_shared>>
      %dma_wait3A_57 = arith.constant 0 : i32
      %dma_wait3A_58 = tpu.memref_slice %arg11[%add3A_11, %dma_wait3A_57] : memref<10240x16xf32, #tpu.memory_space<vmem_shared>> -> memref<128x16xf32, #tpu.memory_space<vmem_shared>>
      tpu.wait_dma2 semaphore(%run_scoped3A_52 : memref<!tpu.dma_semaphore, #tpu.memory_space<semaphore_mem>>) src(%arg9 : memref<128x16xf32, #tpu.memory_space<vmem>>) dst(%dma_wait3A_58 : memref<128x16xf32, #tpu.memory_space<vmem_shared>>)
      tpu.yield
    }) : () -> ()
    %add3A_12 = arith.constant 256 : i32
    %add3A_13 = arith.addi %mul3A_3, %add3A_12 : i32
    "tpu.region"() ({
      %run_scoped3A_52 = tpu.sem_alloc : memref<!tpu.dma_semaphore, #tpu.memory_space<semaphore_mem>>
      %dma_start3A = arith.constant 0 : i32
      %dma_start3A_53 = tpu.memref_slice %arg10[%add3A_13, %dma_start3A] : memref<10240x16xf32, #tpu.memory_space<vmem_shared>> -> memref<128x16xf32, #tpu.memory_space<vmem_shared>>
      %dma_start3A_54 = arith.constant 0 : i32
      %dma_start3A_55 = tpu.memref_slice %arg10[%add3A_13, %dma_start3A_54] : memref<10240x16xf32, #tpu.memory_space<vmem_shared>> -> memref<128x16xf32, #tpu.memory_space<vmem_shared>>
      tpu.enqueue_dma source(%arg9 : memref<128x16xf32, #tpu.memory_space<vmem>>) target(%dma_start3A_55 : memref<128x16xf32, #tpu.memory_space<vmem_shared>>) target_semaphore(%run_scoped3A_52 : memref<!tpu.dma_semaphore, #tpu.memory_space<semaphore_mem>>)
      %dma_wait3A = arith.constant 0 : i32
      %dma_wait3A_56 = tpu.memref_slice %arg10[%add3A_13, %dma_wait3A] : memref<10240x16xf32, #tpu.memory_space<vmem_shared>> -> memref<128x16xf32, #tpu.memory_space<vmem_shared>>
      %dma_wait3A_57 = arith.constant 0 : i32
      %dma_wait3A_58 = tpu.memref_slice %arg10[%add3A_13, %dma_wait3A_57] : memref<10240x16xf32, #tpu.memory_space<vmem_shared>> -> memref<128x16xf32, #tpu.memory_space<vmem_shared>>
      tpu.wait_dma2 semaphore(%run_scoped3A_52 : memref<!tpu.dma_semaphore, #tpu.memory_space<semaphore_mem>>) src(%arg9 : memref<128x16xf32, #tpu.memory_space<vmem>>) dst(%dma_wait3A_58 : memref<128x16xf32, #tpu.memory_space<vmem_shared>>)
      tpu.yield
    }) : () -> ()
    %add3A_14 = arith.constant 256 : i32
    %add3A_15 = arith.addi %mul3A_3, %add3A_14 : i32
    "tpu.region"() ({
      %run_scoped3A_52 = tpu.sem_alloc : memref<!tpu.dma_semaphore, #tpu.memory_space<semaphore_mem>>
      %dma_start3A = arith.constant 0 : i32
      %dma_start3A_53 = tpu.memref_slice %arg11[%add3A_15, %dma_start3A] : memref<10240x16xf32, #tpu.memory_space<vmem_shared>> -> memref<128x16xf32, #tpu.memory_space<vmem_shared>>
      %dma_start3A_54 = arith.constant 0 : i32
      %dma_start3A_55 = tpu.memref_slice %arg11[%add3A_15, %dma_start3A_54] : memref<10240x16xf32, #tpu.memory_space<vmem_shared>> -> memref<128x16xf32, #tpu.memory_space<vmem_shared>>
      tpu.enqueue_dma source(%arg9 : memref<128x16xf32, #tpu.memory_space<vmem>>) target(%dma_start3A_55 : memref<128x16xf32, #tpu.memory_space<vmem_shared>>) target_semaphore(%run_scoped3A_52 : memref<!tpu.dma_semaphore, #tpu.memory_space<semaphore_mem>>)
      %dma_wait3A = arith.constant 0 : i32
      %dma_wait3A_56 = tpu.memref_slice %arg11[%add3A_15, %dma_wait3A] : memref<10240x16xf32, #tpu.memory_space<vmem_shared>> -> memref<128x16xf32, #tpu.memory_space<vmem_shared>>
      %dma_wait3A_57 = arith.constant 0 : i32
      %dma_wait3A_58 = tpu.memref_slice %arg11[%add3A_15, %dma_wait3A_57] : memref<10240x16xf32, #tpu.memory_space<vmem_shared>> -> memref<128x16xf32, #tpu.memory_space<vmem_shared>>
      tpu.wait_dma2 semaphore(%run_scoped3A_52 : memref<!tpu.dma_semaphore, #tpu.memory_space<semaphore_mem>>) src(%arg9 : memref<128x16xf32, #tpu.memory_space<vmem>>) dst(%dma_wait3A_58 : memref<128x16xf32, #tpu.memory_space<vmem_shared>>)
      tpu.yield
    }) : () -> ()
    %add3A_16 = arith.constant 384 : i32
    %add3A_17 = arith.addi %mul3A_3, %add3A_16 : i32
    "tpu.region"() ({
      %run_scoped3A_52 = tpu.sem_alloc : memref<!tpu.dma_semaphore, #tpu.memory_space<semaphore_mem>>
      %dma_start3A = arith.constant 0 : i32
      %dma_start3A_53 = tpu.memref_slice %arg10[%add3A_17, %dma_start3A] : memref<10240x16xf32, #tpu.memory_space<vmem_shared>> -> memref<128x16xf32, #tpu.memory_space<vmem_shared>>
      %dma_start3A_54 = arith.constant 0 : i32
      %dma_start3A_55 = tpu.memref_slice %arg10[%add3A_17, %dma_start3A_54] : memref<10240x16xf32, #tpu.memory_space<vmem_shared>> -> memref<128x16xf32, #tpu.memory_space<vmem_shared>>
      tpu.enqueue_dma source(%arg9 : memref<128x16xf32, #tpu.memory_space<vmem>>) target(%dma_start3A_55 : memref<128x16xf32, #tpu.memory_space<vmem_shared>>) target_semaphore(%run_scoped3A_52 : memref<!tpu.dma_semaphore, #tpu.memory_space<semaphore_mem>>)
      %dma_wait3A = arith.constant 0 : i32
      %dma_wait3A_56 = tpu.memref_slice %arg10[%add3A_17, %dma_wait3A] : memref<10240x16xf32, #tpu.memory_space<vmem_shared>> -> memref<128x16xf32, #tpu.memory_space<vmem_shared>>
      %dma_wait3A_57 = arith.constant 0 : i32
      %dma_wait3A_58 = tpu.memref_slice %arg10[%add3A_17, %dma_wait3A_57] : memref<10240x16xf32, #tpu.memory_space<vmem_shared>> -> memref<128x16xf32, #tpu.memory_space<vmem_shared>>
      tpu.wait_dma2 semaphore(%run_scoped3A_52 : memref<!tpu.dma_semaphore, #tpu.memory_space<semaphore_mem>>) src(%arg9 : memref<128x16xf32, #tpu.memory_space<vmem>>) dst(%dma_wait3A_58 : memref<128x16xf32, #tpu.memory_space<vmem_shared>>)
      tpu.yield
    }) : () -> ()
    %add3A_18 = arith.constant 384 : i32
    %add3A_19 = arith.addi %mul3A_3, %add3A_18 : i32
    "tpu.region"() ({
      %run_scoped3A_52 = tpu.sem_alloc : memref<!tpu.dma_semaphore, #tpu.memory_space<semaphore_mem>>
      %dma_start3A = arith.constant 0 : i32
      %dma_start3A_53 = tpu.memref_slice %arg11[%add3A_19, %dma_start3A] : memref<10240x16xf32, #tpu.memory_space<vmem_shared>> -> memref<128x16xf32, #tpu.memory_space<vmem_shared>>
      %dma_start3A_54 = arith.constant 0 : i32
      %dma_start3A_55 = tpu.memref_slice %arg11[%add3A_19, %dma_start3A_54] : memref<10240x16xf32, #tpu.memory_space<vmem_shared>> -> memref<128x16xf32, #tpu.memory_space<vmem_shared>>
      tpu.enqueue_dma source(%arg9 : memref<128x16xf32, #tpu.memory_space<vmem>>) target(%dma_start3A_55 : memref<128x16xf32, #tpu.memory_space<vmem_shared>>) target_semaphore(%run_scoped3A_52 : memref<!tpu.dma_semaphore, #tpu.memory_space<semaphore_mem>>)
      %dma_wait3A = arith.constant 0 : i32
      %dma_wait3A_56 = tpu.memref_slice %arg11[%add3A_19, %dma_wait3A] : memref<10240x16xf32, #tpu.memory_space<vmem_shared>> -> memref<128x16xf32, #tpu.memory_space<vmem_shared>>
      %dma_wait3A_57 = arith.constant 0 : i32
      %dma_wait3A_58 = tpu.memref_slice %arg11[%add3A_19, %dma_wait3A_57] : memref<10240x16xf32, #tpu.memory_space<vmem_shared>> -> memref<128x16xf32, #tpu.memory_space<vmem_shared>>
      tpu.wait_dma2 semaphore(%run_scoped3A_52 : memref<!tpu.dma_semaphore, #tpu.memory_space<semaphore_mem>>) src(%arg9 : memref<128x16xf32, #tpu.memory_space<vmem>>) dst(%dma_wait3A_58 : memref<128x16xf32, #tpu.memory_space<vmem_shared>>)
      tpu.yield
    }) : () -> ()
    %add3A_20 = arith.constant 512 : i32
    %add3A_21 = arith.addi %mul3A_3, %add3A_20 : i32
    "tpu.region"() ({
      %run_scoped3A_52 = tpu.sem_alloc : memref<!tpu.dma_semaphore, #tpu.memory_space<semaphore_mem>>
      %dma_start3A = arith.constant 0 : i32
      %dma_start3A_53 = tpu.memref_slice %arg10[%add3A_21, %dma_start3A] : memref<10240x16xf32, #tpu.memory_space<vmem_shared>> -> memref<128x16xf32, #tpu.memory_space<vmem_shared>>
      %dma_start3A_54 = arith.constant 0 : i32
      %dma_start3A_55 = tpu.memref_slice %arg10[%add3A_21, %dma_start3A_54] : memref<10240x16xf32, #tpu.memory_space<vmem_shared>> -> memref<128x16xf32, #tpu.memory_space<vmem_shared>>
      tpu.enqueue_dma source(%arg9 : memref<128x16xf32, #tpu.memory_space<vmem>>) target(%dma_start3A_55 : memref<128x16xf32, #tpu.memory_space<vmem_shared>>) target_semaphore(%run_scoped3A_52 : memref<!tpu.dma_semaphore, #tpu.memory_space<semaphore_mem>>)
      %dma_wait3A = arith.constant 0 : i32
      %dma_wait3A_56 = tpu.memref_slice %arg10[%add3A_21, %dma_wait3A] : memref<10240x16xf32, #tpu.memory_space<vmem_shared>> -> memref<128x16xf32, #tpu.memory_space<vmem_shared>>
      %dma_wait3A_57 = arith.constant 0 : i32
      %dma_wait3A_58 = tpu.memref_slice %arg10[%add3A_21, %dma_wait3A_57] : memref<10240x16xf32, #tpu.memory_space<vmem_shared>> -> memref<128x16xf32, #tpu.memory_space<vmem_shared>>
      tpu.wait_dma2 semaphore(%run_scoped3A_52 : memref<!tpu.dma_semaphore, #tpu.memory_space<semaphore_mem>>) src(%arg9 : memref<128x16xf32, #tpu.memory_space<vmem>>) dst(%dma_wait3A_58 : memref<128x16xf32, #tpu.memory_space<vmem_shared>>)
      tpu.yield
    }) : () -> ()
    %add3A_22 = arith.constant 512 : i32
    %add3A_23 = arith.addi %mul3A_3, %add3A_22 : i32
    "tpu.region"() ({
      %run_scoped3A_52 = tpu.sem_alloc : memref<!tpu.dma_semaphore, #tpu.memory_space<semaphore_mem>>
      %dma_start3A = arith.constant 0 : i32
      %dma_start3A_53 = tpu.memref_slice %arg11[%add3A_23, %dma_start3A] : memref<10240x16xf32, #tpu.memory_space<vmem_shared>> -> memref<128x16xf32, #tpu.memory_space<vmem_shared>>
      %dma_start3A_54 = arith.constant 0 : i32
      %dma_start3A_55 = tpu.memref_slice %arg11[%add3A_23, %dma_start3A_54] : memref<10240x16xf32, #tpu.memory_space<vmem_shared>> -> memref<128x16xf32, #tpu.memory_space<vmem_shared>>
      tpu.enqueue_dma source(%arg9 : memref<128x16xf32, #tpu.memory_space<vmem>>) target(%dma_start3A_55 : memref<128x16xf32, #tpu.memory_space<vmem_shared>>) target_semaphore(%run_scoped3A_52 : memref<!tpu.dma_semaphore, #tpu.memory_space<semaphore_mem>>)
      %dma_wait3A = arith.constant 0 : i32
      %dma_wait3A_56 = tpu.memref_slice %arg11[%add3A_23, %dma_wait3A] : memref<10240x16xf32, #tpu.memory_space<vmem_shared>> -> memref<128x16xf32, #tpu.memory_space<vmem_shared>>
      %dma_wait3A_57 = arith.constant 0 : i32
      %dma_wait3A_58 = tpu.memref_slice %arg11[%add3A_23, %dma_wait3A_57] : memref<10240x16xf32, #tpu.memory_space<vmem_shared>> -> memref<128x16xf32, #tpu.memory_space<vmem_shared>>
      tpu.wait_dma2 semaphore(%run_scoped3A_52 : memref<!tpu.dma_semaphore, #tpu.memory_space<semaphore_mem>>) src(%arg9 : memref<128x16xf32, #tpu.memory_space<vmem>>) dst(%dma_wait3A_58 : memref<128x16xf32, #tpu.memory_space<vmem_shared>>)
      tpu.yield
    }) : () -> ()
    %barrier3A = arith.constant 0 : index
    tpu.barrier barrier_id(%barrier3A)
    %mul3A_24 = arith.constant 10240 : i32
    %mul3A_25 = arith.muli %add3A, %mul3A_24 : i32
    %scan3A = arith.constant 0 : i32
    %scan3A_26 = arith.constant 0 : i32
    %scan3A_27 = arith.constant 80 : i32
    %scan3A_28 = arith.addi %scan3A_26, %scan3A_27 : i32
    %scan3A_29 = arith.constant 1 : i32
    scf.for %scan3A_52 = %scan3A_26 to %scan3A_28 step %scan3A_29  : i32 {
      %mul3A_53 = arith.constant 128 : i32
      %mul3A_54 = arith.muli %scan3A_52, %mul3A_53 : i32
      %add3A_55 = arith.addi %mul3A_25, %mul3A_54 : i32
      "tpu.region"() ({
        %run_scoped3A_56 = tpu.sem_alloc : memref<!tpu.dma_semaphore, #tpu.memory_space<semaphore_mem>>
        %dma_start3A = tpu.memref_slice %arg2[%add3A_55] : memref<327680xi32, #tpu.memory_space<hbm>> -> memref<128xi32, #tpu.memory_space<hbm>>
        %dma_start3A_57 = tpu.memref_slice %arg2[%add3A_55] : memref<327680xi32, #tpu.memory_space<hbm>> -> memref<128xi32, #tpu.memory_space<hbm>>
        tpu.enqueue_dma source(%dma_start3A_57 : memref<128xi32, #tpu.memory_space<hbm>>) target(%arg6 : memref<128xi32, #tpu.memory_space<vmem>>) target_semaphore(%run_scoped3A_56 : memref<!tpu.dma_semaphore, #tpu.memory_space<semaphore_mem>>)
        %dma_wait3A = tpu.memref_slice %arg2[%add3A_55] : memref<327680xi32, #tpu.memory_space<hbm>> -> memref<128xi32, #tpu.memory_space<hbm>>
        %dma_wait3A_58 = tpu.memref_slice %arg2[%add3A_55] : memref<327680xi32, #tpu.memory_space<hbm>> -> memref<128xi32, #tpu.memory_space<hbm>>
        tpu.wait_dma2 semaphore(%run_scoped3A_56 : memref<!tpu.dma_semaphore, #tpu.memory_space<semaphore_mem>>) src(%dma_wait3A_58 : memref<128xi32, #tpu.memory_space<hbm>>) dst(%arg6 : memref<128xi32, #tpu.memory_space<vmem>>)
        tpu.yield
      }) : () -> ()
      "tpu.region"() ({
        %run_scoped3A_56 = tpu.sem_alloc : memref<!tpu.dma_semaphore, #tpu.memory_space<semaphore_mem>>
        %dma_start3A = tpu.memref_slice %arg3[%add3A_55] : memref<327680xi32, #tpu.memory_space<hbm>> -> memref<128xi32, #tpu.memory_space<hbm>>
        %dma_start3A_57 = tpu.memref_slice %arg3[%add3A_55] : memref<327680xi32, #tpu.memory_space<hbm>> -> memref<128xi32, #tpu.memory_space<hbm>>
        tpu.enqueue_dma source(%dma_start3A_57 : memref<128xi32, #tpu.memory_space<hbm>>) target(%arg7 : memref<128xi32, #tpu.memory_space<vmem>>) target_semaphore(%run_scoped3A_56 : memref<!tpu.dma_semaphore, #tpu.memory_space<semaphore_mem>>)
        %dma_wait3A = tpu.memref_slice %arg3[%add3A_55] : memref<327680xi32, #tpu.memory_space<hbm>> -> memref<128xi32, #tpu.memory_space<hbm>>
        %dma_wait3A_58 = tpu.memref_slice %arg3[%add3A_55] : memref<327680xi32, #tpu.memory_space<hbm>> -> memref<128xi32, #tpu.memory_space<hbm>>
        tpu.wait_dma2 semaphore(%run_scoped3A_56 : memref<!tpu.dma_semaphore, #tpu.memory_space<semaphore_mem>>) src(%dma_wait3A_58 : memref<128xi32, #tpu.memory_space<hbm>>) dst(%arg7 : memref<128xi32, #tpu.memory_space<vmem>>)
        tpu.yield
      }) : () -> ()
      "tpu.region"() ({
        %run_scoped3A_56 = tpu.sem_alloc : memref<!tpu.dma_semaphore, #tpu.memory_space<semaphore_mem>>
        %dma_start3A = arith.constant 0 : i32
        %dma_start3A_57 = arith.constant 0 : i32
        %dma_start3A_58 = tpu.memref_slice %arg10[%dma_start3A, %dma_start3A_57] : memref<10240x16xf32, #tpu.memory_space<vmem_shared>> -> memref<10240x16xf32, #tpu.memory_space<vmem_shared>>
        tpu.enqueue_indirect_dma source(%arg8 : memref<128x16xf32, #tpu.memory_space<vmem>>) target(%dma_start3A_58 : memref<10240x16xf32, #tpu.memory_space<vmem_shared>>) offsets(%arg6 : memref<128xi32, #tpu.memory_space<vmem>>) semaphore(%run_scoped3A_56 : memref<!tpu.dma_semaphore, #tpu.memory_space<semaphore_mem>>) {add = true}
        %dma_wait3A = arith.constant 0 : i32
        %dma_wait3A_59 = arith.constant 0 : i32
        %dma_wait3A_60 = tpu.memref_slice %arg10[%dma_wait3A, %dma_wait3A_59] : memref<10240x16xf32, #tpu.memory_space<vmem_shared>> -> memref<10240x16xf32, #tpu.memory_space<vmem_shared>>
        tpu.wait_indirect_dma semaphore(%run_scoped3A_56 : memref<!tpu.dma_semaphore, #tpu.memory_space<semaphore_mem>>) src(%arg8 : memref<128x16xf32, #tpu.memory_space<vmem>>) dst(%dma_wait3A_60 : memref<10240x16xf32, #tpu.memory_space<vmem_shared>>)
        tpu.yield
      }) : () -> ()
      "tpu.region"() ({
        %run_scoped3A_56 = tpu.sem_alloc : memref<!tpu.dma_semaphore, #tpu.memory_space<semaphore_mem>>
        %dma_start3A = arith.constant 0 : i32
        %dma_start3A_57 = arith.constant 0 : i32
        %dma_start3A_58 = tpu.memref_slice %arg11[%dma_start3A, %dma_start3A_57] : memref<10240x16xf32, #tpu.memory_space<vmem_shared>> -> memref<10240x16xf32, #tpu.memory_space<vmem_shared>>
        tpu.enqueue_indirect_dma source(%arg8 : memref<128x16xf32, #tpu.memory_space<vmem>>) target(%dma_start3A_58 : memref<10240x16xf32, #tpu.memory_space<vmem_shared>>) offsets(%arg7 : memref<128xi32, #tpu.memory_space<vmem>>) semaphore(%run_scoped3A_56 : memref<!tpu.dma_semaphore, #tpu.memory_space<semaphore_mem>>) {add = true}
        %dma_wait3A = arith.constant 0 : i32
        %dma_wait3A_59 = arith.constant 0 : i32
        %dma_wait3A_60 = tpu.memref_slice %arg11[%dma_wait3A, %dma_wait3A_59] : memref<10240x16xf32, #tpu.memory_space<vmem_shared>> -> memref<10240x16xf32, #tpu.memory_space<vmem_shared>>
        tpu.wait_indirect_dma semaphore(%run_scoped3A_56 : memref<!tpu.dma_semaphore, #tpu.memory_space<semaphore_mem>>) src(%arg8 : memref<128x16xf32, #tpu.memory_space<vmem>>) dst(%dma_wait3A_60 : memref<10240x16xf32, #tpu.memory_space<vmem_shared>>)
        tpu.yield
      }) : () -> ()
    }
    %scan3A_30 = arith.constant 80 : i32
    %barrier3A_31 = arith.constant 0 : index
    tpu.barrier barrier_id(%barrier3A_31)
    %add3A_32 = arith.constant 0 : i32
    %add3A_33 = arith.addi %mul3A_3, %add3A_32 : i32
    "tpu.region"() ({
      %run_scoped3A_52 = tpu.sem_alloc : memref<!tpu.dma_semaphore, #tpu.memory_space<semaphore_mem>>
      %dma_start3A = arith.constant 0 : i32
      %dma_start3A_53 = tpu.memref_slice %arg10[%add3A_33, %dma_start3A] : memref<10240x16xf32, #tpu.memory_space<vmem_shared>> -> memref<128x16xf32, #tpu.memory_space<vmem_shared>>
      %dma_start3A_54 = arith.constant 0 : i32
      %dma_start3A_55 = tpu.memref_slice %arg10[%add3A_33, %dma_start3A_54] : memref<10240x16xf32, #tpu.memory_space<vmem_shared>> -> memref<128x16xf32, #tpu.memory_space<vmem_shared>>
      tpu.enqueue_dma source(%dma_start3A_55 : memref<128x16xf32, #tpu.memory_space<vmem_shared>>) target(%arg9 : memref<128x16xf32, #tpu.memory_space<vmem>>) target_semaphore(%run_scoped3A_52 : memref<!tpu.dma_semaphore, #tpu.memory_space<semaphore_mem>>)
      %dma_wait3A = arith.constant 0 : i32
      %dma_wait3A_56 = tpu.memref_slice %arg10[%add3A_33, %dma_wait3A] : memref<10240x16xf32, #tpu.memory_space<vmem_shared>> -> memref<128x16xf32, #tpu.memory_space<vmem_shared>>
      %dma_wait3A_57 = arith.constant 0 : i32
      %dma_wait3A_58 = tpu.memref_slice %arg10[%add3A_33, %dma_wait3A_57] : memref<10240x16xf32, #tpu.memory_space<vmem_shared>> -> memref<128x16xf32, #tpu.memory_space<vmem_shared>>
      tpu.wait_dma2 semaphore(%run_scoped3A_52 : memref<!tpu.dma_semaphore, #tpu.memory_space<semaphore_mem>>) src(%dma_wait3A_58 : memref<128x16xf32, #tpu.memory_space<vmem_shared>>) dst(%arg9 : memref<128x16xf32, #tpu.memory_space<vmem>>)
      tpu.yield
    }) : () -> ()
    %run_scoped3A_34 = arith.constant 0 : i32
    "tpu.region"() ({
      %run_scoped3A_52 = tpu.sem_alloc : memref<!tpu.dma_semaphore, #tpu.memory_space<semaphore_mem>>
      %dma_start3A = arith.constant 0 : i32
      %dma_start3A_53 = tpu.memref_slice %arg5[%arg0, %run_scoped3A_34, %add3A_33, %dma_start3A] : memref<2x2x10240x16xf32, #tpu.memory_space<hbm>> -> memref<1x1x128x16xf32, #tpu.memory_space<hbm>>
      %dma_start3A_54 = tpu.memref_squeeze %dma_start3A_53 : memref<1x1x128x16xf32, #tpu.memory_space<hbm>> -> memref<128x16xf32, #tpu.memory_space<hbm>>
      %dma_start3A_55 = arith.constant 0 : i32
      %dma_start3A_56 = tpu.memref_slice %arg5[%arg0, %run_scoped3A_34, %add3A_33, %dma_start3A_55] : memref<2x2x10240x16xf32, #tpu.memory_space<hbm>> -> memref<1x1x128x16xf32, #tpu.memory_space<hbm>>
      %dma_start3A_57 = tpu.memref_squeeze %dma_start3A_56 : memref<1x1x128x16xf32, #tpu.memory_space<hbm>> -> memref<128x16xf32, #tpu.memory_space<hbm>>
      tpu.enqueue_dma source(%arg9 : memref<128x16xf32, #tpu.memory_space<vmem>>) target(%dma_start3A_57 : memref<128x16xf32, #tpu.memory_space<hbm>>) target_semaphore(%run_scoped3A_52 : memref<!tpu.dma_semaphore, #tpu.memory_space<semaphore_mem>>)
      %dma_wait3A = arith.constant 0 : i32
      %dma_wait3A_58 = tpu.memref_slice %arg5[%arg0, %run_scoped3A_34, %add3A_33, %dma_wait3A] : memref<2x2x10240x16xf32, #tpu.memory_space<hbm>> -> memref<1x1x128x16xf32, #tpu.memory_space<hbm>>
      %dma_wait3A_59 = tpu.memref_squeeze %dma_wait3A_58 : memref<1x1x128x16xf32, #tpu.memory_space<hbm>> -> memref<128x16xf32, #tpu.memory_space<hbm>>
      %dma_wait3A_60 = arith.constant 0 : i32
      %dma_wait3A_61 = tpu.memref_slice %arg5[%arg0, %run_scoped3A_34, %add3A_33, %dma_wait3A_60] : memref<2x2x10240x16xf32, #tpu.memory_space<hbm>> -> memref<1x1x128x16xf32, #tpu.memory_space<hbm>>
      %dma_wait3A_62 = tpu.memref_squeeze %dma_wait3A_61 : memref<1x1x128x16xf32, #tpu.memory_space<hbm>> -> memref<128x16xf32, #tpu.memory_space<hbm>>
      tpu.wait_dma2 semaphore(%run_scoped3A_52 : memref<!tpu.dma_semaphore, #tpu.memory_space<semaphore_mem>>) src(%arg9 : memref<128x16xf32, #tpu.memory_space<vmem>>) dst(%dma_wait3A_62 : memref<128x16xf32, #tpu.memory_space<hbm>>)
      tpu.yield
    }) : () -> ()
    "tpu.region"() ({
      %run_scoped3A_52 = tpu.sem_alloc : memref<!tpu.dma_semaphore, #tpu.memory_space<semaphore_mem>>
      %dma_start3A = arith.constant 0 : i32
      %dma_start3A_53 = tpu.memref_slice %arg11[%add3A_33, %dma_start3A] : memref<10240x16xf32, #tpu.memory_space<vmem_shared>> -> memref<128x16xf32, #tpu.memory_space<vmem_shared>>
      %dma_start3A_54 = arith.constant 0 : i32
      %dma_start3A_55 = tpu.memref_slice %arg11[%add3A_33, %dma_start3A_54] : memref<10240x16xf32, #tpu.memory_space<vmem_shared>> -> memref<128x16xf32, #tpu.memory_space<vmem_shared>>
      tpu.enqueue_dma source(%dma_start3A_55 : memref<128x16xf32, #tpu.memory_space<vmem_shared>>) target(%arg9 : memref<128x16xf32, #tpu.memory_space<vmem>>) target_semaphore(%run_scoped3A_52 : memref<!tpu.dma_semaphore, #tpu.memory_space<semaphore_mem>>)
      %dma_wait3A = arith.constant 0 : i32
      %dma_wait3A_56 = tpu.memref_slice %arg11[%add3A_33, %dma_wait3A] : memref<10240x16xf32, #tpu.memory_space<vmem_shared>> -> memref<128x16xf32, #tpu.memory_space<vmem_shared>>
      %dma_wait3A_57 = arith.constant 0 : i32
      %dma_wait3A_58 = tpu.memref_slice %arg11[%add3A_33, %dma_wait3A_57] : memref<10240x16xf32, #tpu.memory_space<vmem_shared>> -> memref<128x16xf32, #tpu.memory_space<vmem_shared>>
      tpu.wait_dma2 semaphore(%run_scoped3A_52 : memref<!tpu.dma_semaphore, #tpu.memory_space<semaphore_mem>>) src(%dma_wait3A_58 : memref<128x16xf32, #tpu.memory_space<vmem_shared>>) dst(%arg9 : memref<128x16xf32, #tpu.memory_space<vmem>>)
      tpu.yield
    }) : () -> ()
    %run_scoped3A_35 = arith.constant 1 : i32
    "tpu.region"() ({
      %run_scoped3A_52 = tpu.sem_alloc : memref<!tpu.dma_semaphore, #tpu.memory_space<semaphore_mem>>
      %dma_start3A = arith.constant 0 : i32
      %dma_start3A_53 = tpu.memref_slice %arg5[%arg0, %run_scoped3A_35, %add3A_33, %dma_start3A] : memref<2x2x10240x16xf32, #tpu.memory_space<hbm>> -> memref<1x1x128x16xf32, #tpu.memory_space<hbm>>
      %dma_start3A_54 = tpu.memref_squeeze %dma_start3A_53 : memref<1x1x128x16xf32, #tpu.memory_space<hbm>> -> memref<128x16xf32, #tpu.memory_space<hbm>>
      %dma_start3A_55 = arith.constant 0 : i32
      %dma_start3A_56 = tpu.memref_slice %arg5[%arg0, %run_scoped3A_35, %add3A_33, %dma_start3A_55] : memref<2x2x10240x16xf32, #tpu.memory_space<hbm>> -> memref<1x1x128x16xf32, #tpu.memory_space<hbm>>
      %dma_start3A_57 = tpu.memref_squeeze %dma_start3A_56 : memref<1x1x128x16xf32, #tpu.memory_space<hbm>> -> memref<128x16xf32, #tpu.memory_space<hbm>>
      tpu.enqueue_dma source(%arg9 : memref<128x16xf32, #tpu.memory_space<vmem>>) target(%dma_start3A_57 : memref<128x16xf32, #tpu.memory_space<hbm>>) target_semaphore(%run_scoped3A_52 : memref<!tpu.dma_semaphore, #tpu.memory_space<semaphore_mem>>)
      %dma_wait3A = arith.constant 0 : i32
      %dma_wait3A_58 = tpu.memref_slice %arg5[%arg0, %run_scoped3A_35, %add3A_33, %dma_wait3A] : memref<2x2x10240x16xf32, #tpu.memory_space<hbm>> -> memref<1x1x128x16xf32, #tpu.memory_space<hbm>>
      %dma_wait3A_59 = tpu.memref_squeeze %dma_wait3A_58 : memref<1x1x128x16xf32, #tpu.memory_space<hbm>> -> memref<128x16xf32, #tpu.memory_space<hbm>>
      %dma_wait3A_60 = arith.constant 0 : i32
      %dma_wait3A_61 = tpu.memref_slice %arg5[%arg0, %run_scoped3A_35, %add3A_33, %dma_wait3A_60] : memref<2x2x10240x16xf32, #tpu.memory_space<hbm>> -> memref<1x1x128x16xf32, #tpu.memory_space<hbm>>
      %dma_wait3A_62 = tpu.memref_squeeze %dma_wait3A_61 : memref<1x1x128x16xf32, #tpu.memory_space<hbm>> -> memref<128x16xf32, #tpu.memory_space<hbm>>
      tpu.wait_dma2 semaphore(%run_scoped3A_52 : memref<!tpu.dma_semaphore, #tpu.memory_space<semaphore_mem>>) src(%arg9 : memref<128x16xf32, #tpu.memory_space<vmem>>) dst(%dma_wait3A_62 : memref<128x16xf32, #tpu.memory_space<hbm>>)
      tpu.yield
    }) : () -> ()
    %add3A_36 = arith.constant 128 : i32
    %add3A_37 = arith.addi %mul3A_3, %add3A_36 : i32
    "tpu.region"() ({
      %run_scoped3A_52 = tpu.sem_alloc : memref<!tpu.dma_semaphore, #tpu.memory_space<semaphore_mem>>
      %dma_start3A = arith.constant 0 : i32
      %dma_start3A_53 = tpu.memref_slice %arg10[%add3A_37, %dma_start3A] : memref<10240x16xf32, #tpu.memory_space<vmem_shared>> -> memref<128x16xf32, #tpu.memory_space<vmem_shared>>
      %dma_start3A_54 = arith.constant 0 : i32
      %dma_start3A_55 = tpu.memref_slice %arg10[%add3A_37, %dma_start3A_54] : memref<10240x16xf32, #tpu.memory_space<vmem_shared>> -> memref<128x16xf32, #tpu.memory_space<vmem_shared>>
      tpu.enqueue_dma source(%dma_start3A_55 : memref<128x16xf32, #tpu.memory_space<vmem_shared>>) target(%arg9 : memref<128x16xf32, #tpu.memory_space<vmem>>) target_semaphore(%run_scoped3A_52 : memref<!tpu.dma_semaphore, #tpu.memory_space<semaphore_mem>>)
      %dma_wait3A = arith.constant 0 : i32
      %dma_wait3A_56 = tpu.memref_slice %arg10[%add3A_37, %dma_wait3A] : memref<10240x16xf32, #tpu.memory_space<vmem_shared>> -> memref<128x16xf32, #tpu.memory_space<vmem_shared>>
      %dma_wait3A_57 = arith.constant 0 : i32
      %dma_wait3A_58 = tpu.memref_slice %arg10[%add3A_37, %dma_wait3A_57] : memref<10240x16xf32, #tpu.memory_space<vmem_shared>> -> memref<128x16xf32, #tpu.memory_space<vmem_shared>>
      tpu.wait_dma2 semaphore(%run_scoped3A_52 : memref<!tpu.dma_semaphore, #tpu.memory_space<semaphore_mem>>) src(%dma_wait3A_58 : memref<128x16xf32, #tpu.memory_space<vmem_shared>>) dst(%arg9 : memref<128x16xf32, #tpu.memory_space<vmem>>)
      tpu.yield
    }) : () -> ()
    %run_scoped3A_38 = arith.constant 0 : i32
    "tpu.region"() ({
      %run_scoped3A_52 = tpu.sem_alloc : memref<!tpu.dma_semaphore, #tpu.memory_space<semaphore_mem>>
      %dma_start3A = arith.constant 0 : i32
      %dma_start3A_53 = tpu.memref_slice %arg5[%arg0, %run_scoped3A_38, %add3A_37, %dma_start3A] : memref<2x2x10240x16xf32, #tpu.memory_space<hbm>> -> memref<1x1x128x16xf32, #tpu.memory_space<hbm>>
      %dma_start3A_54 = tpu.memref_squeeze %dma_start3A_53 : memref<1x1x128x16xf32, #tpu.memory_space<hbm>> -> memref<128x16xf32, #tpu.memory_space<hbm>>
      %dma_start3A_55 = arith.constant 0 : i32
      %dma_start3A_56 = tpu.memref_slice %arg5[%arg0, %run_scoped3A_38, %add3A_37, %dma_start3A_55] : memref<2x2x10240x16xf32, #tpu.memory_space<hbm>> -> memref<1x1x128x16xf32, #tpu.memory_space<hbm>>
      %dma_start3A_57 = tpu.memref_squeeze %dma_start3A_56 : memref<1x1x128x16xf32, #tpu.memory_space<hbm>> -> memref<128x16xf32, #tpu.memory_space<hbm>>
      tpu.enqueue_dma source(%arg9 : memref<128x16xf32, #tpu.memory_space<vmem>>) target(%dma_start3A_57 : memref<128x16xf32, #tpu.memory_space<hbm>>) target_semaphore(%run_scoped3A_52 : memref<!tpu.dma_semaphore, #tpu.memory_space<semaphore_mem>>)
      %dma_wait3A = arith.constant 0 : i32
      %dma_wait3A_58 = tpu.memref_slice %arg5[%arg0, %run_scoped3A_38, %add3A_37, %dma_wait3A] : memref<2x2x10240x16xf32, #tpu.memory_space<hbm>> -> memref<1x1x128x16xf32, #tpu.memory_space<hbm>>
      %dma_wait3A_59 = tpu.memref_squeeze %dma_wait3A_58 : memref<1x1x128x16xf32, #tpu.memory_space<hbm>> -> memref<128x16xf32, #tpu.memory_space<hbm>>
      %dma_wait3A_60 = arith.constant 0 : i32
      %dma_wait3A_61 = tpu.memref_slice %arg5[%arg0, %run_scoped3A_38, %add3A_37, %dma_wait3A_60] : memref<2x2x10240x16xf32, #tpu.memory_space<hbm>> -> memref<1x1x128x16xf32, #tpu.memory_space<hbm>>
      %dma_wait3A_62 = tpu.memref_squeeze %dma_wait3A_61 : memref<1x1x128x16xf32, #tpu.memory_space<hbm>> -> memref<128x16xf32, #tpu.memory_space<hbm>>
      tpu.wait_dma2 semaphore(%run_scoped3A_52 : memref<!tpu.dma_semaphore, #tpu.memory_space<semaphore_mem>>) src(%arg9 : memref<128x16xf32, #tpu.memory_space<vmem>>) dst(%dma_wait3A_62 : memref<128x16xf32, #tpu.memory_space<hbm>>)
      tpu.yield
    }) : () -> ()
    "tpu.region"() ({
      %run_scoped3A_52 = tpu.sem_alloc : memref<!tpu.dma_semaphore, #tpu.memory_space<semaphore_mem>>
      %dma_start3A = arith.constant 0 : i32
      %dma_start3A_53 = tpu.memref_slice %arg11[%add3A_37, %dma_start3A] : memref<10240x16xf32, #tpu.memory_space<vmem_shared>> -> memref<128x16xf32, #tpu.memory_space<vmem_shared>>
      %dma_start3A_54 = arith.constant 0 : i32
      %dma_start3A_55 = tpu.memref_slice %arg11[%add3A_37, %dma_start3A_54] : memref<10240x16xf32, #tpu.memory_space<vmem_shared>> -> memref<128x16xf32, #tpu.memory_space<vmem_shared>>
      tpu.enqueue_dma source(%dma_start3A_55 : memref<128x16xf32, #tpu.memory_space<vmem_shared>>) target(%arg9 : memref<128x16xf32, #tpu.memory_space<vmem>>) target_semaphore(%run_scoped3A_52 : memref<!tpu.dma_semaphore, #tpu.memory_space<semaphore_mem>>)
      %dma_wait3A = arith.constant 0 : i32
      %dma_wait3A_56 = tpu.memref_slice %arg11[%add3A_37, %dma_wait3A] : memref<10240x16xf32, #tpu.memory_space<vmem_shared>> -> memref<128x16xf32, #tpu.memory_space<vmem_shared>>
      %dma_wait3A_57 = arith.constant 0 : i32
      %dma_wait3A_58 = tpu.memref_slice %arg11[%add3A_37, %dma_wait3A_57] : memref<10240x16xf32, #tpu.memory_space<vmem_shared>> -> memref<128x16xf32, #tpu.memory_space<vmem_shared>>
      tpu.wait_dma2 semaphore(%run_scoped3A_52 : memref<!tpu.dma_semaphore, #tpu.memory_space<semaphore_mem>>) src(%dma_wait3A_58 : memref<128x16xf32, #tpu.memory_space<vmem_shared>>) dst(%arg9 : memref<128x16xf32, #tpu.memory_space<vmem>>)
      tpu.yield
    }) : () -> ()
    %run_scoped3A_39 = arith.constant 1 : i32
    "tpu.region"() ({
      %run_scoped3A_52 = tpu.sem_alloc : memref<!tpu.dma_semaphore, #tpu.memory_space<semaphore_mem>>
      %dma_start3A = arith.constant 0 : i32
      %dma_start3A_53 = tpu.memref_slice %arg5[%arg0, %run_scoped3A_39, %add3A_37, %dma_start3A] : memref<2x2x10240x16xf32, #tpu.memory_space<hbm>> -> memref<1x1x128x16xf32, #tpu.memory_space<hbm>>
      %dma_start3A_54 = tpu.memref_squeeze %dma_start3A_53 : memref<1x1x128x16xf32, #tpu.memory_space<hbm>> -> memref<128x16xf32, #tpu.memory_space<hbm>>
      %dma_start3A_55 = arith.constant 0 : i32
      %dma_start3A_56 = tpu.memref_slice %arg5[%arg0, %run_scoped3A_39, %add3A_37, %dma_start3A_55] : memref<2x2x10240x16xf32, #tpu.memory_space<hbm>> -> memref<1x1x128x16xf32, #tpu.memory_space<hbm>>
      %dma_start3A_57 = tpu.memref_squeeze %dma_start3A_56 : memref<1x1x128x16xf32, #tpu.memory_space<hbm>> -> memref<128x16xf32, #tpu.memory_space<hbm>>
      tpu.enqueue_dma source(%arg9 : memref<128x16xf32, #tpu.memory_space<vmem>>) target(%dma_start3A_57 : memref<128x16xf32, #tpu.memory_space<hbm>>) target_semaphore(%run_scoped3A_52 : memref<!tpu.dma_semaphore, #tpu.memory_space<semaphore_mem>>)
      %dma_wait3A = arith.constant 0 : i32
      %dma_wait3A_58 = tpu.memref_slice %arg5[%arg0, %run_scoped3A_39, %add3A_37, %dma_wait3A] : memref<2x2x10240x16xf32, #tpu.memory_space<hbm>> -> memref<1x1x128x16xf32, #tpu.memory_space<hbm>>
      %dma_wait3A_59 = tpu.memref_squeeze %dma_wait3A_58 : memref<1x1x128x16xf32, #tpu.memory_space<hbm>> -> memref<128x16xf32, #tpu.memory_space<hbm>>
      %dma_wait3A_60 = arith.constant 0 : i32
      %dma_wait3A_61 = tpu.memref_slice %arg5[%arg0, %run_scoped3A_39, %add3A_37, %dma_wait3A_60] : memref<2x2x10240x16xf32, #tpu.memory_space<hbm>> -> memref<1x1x128x16xf32, #tpu.memory_space<hbm>>
      %dma_wait3A_62 = tpu.memref_squeeze %dma_wait3A_61 : memref<1x1x128x16xf32, #tpu.memory_space<hbm>> -> memref<128x16xf32, #tpu.memory_space<hbm>>
      tpu.wait_dma2 semaphore(%run_scoped3A_52 : memref<!tpu.dma_semaphore, #tpu.memory_space<semaphore_mem>>) src(%arg9 : memref<128x16xf32, #tpu.memory_space<vmem>>) dst(%dma_wait3A_62 : memref<128x16xf32, #tpu.memory_space<hbm>>)
      tpu.yield
    }) : () -> ()
    %add3A_40 = arith.constant 256 : i32
    %add3A_41 = arith.addi %mul3A_3, %add3A_40 : i32
    "tpu.region"() ({
      %run_scoped3A_52 = tpu.sem_alloc : memref<!tpu.dma_semaphore, #tpu.memory_space<semaphore_mem>>
      %dma_start3A = arith.constant 0 : i32
      %dma_start3A_53 = tpu.memref_slice %arg10[%add3A_41, %dma_start3A] : memref<10240x16xf32, #tpu.memory_space<vmem_shared>> -> memref<128x16xf32, #tpu.memory_space<vmem_shared>>
      %dma_start3A_54 = arith.constant 0 : i32
      %dma_start3A_55 = tpu.memref_slice %arg10[%add3A_41, %dma_start3A_54] : memref<10240x16xf32, #tpu.memory_space<vmem_shared>> -> memref<128x16xf32, #tpu.memory_space<vmem_shared>>
      tpu.enqueue_dma source(%dma_start3A_55 : memref<128x16xf32, #tpu.memory_space<vmem_shared>>) target(%arg9 : memref<128x16xf32, #tpu.memory_space<vmem>>) target_semaphore(%run_scoped3A_52 : memref<!tpu.dma_semaphore, #tpu.memory_space<semaphore_mem>>)
      %dma_wait3A = arith.constant 0 : i32
      %dma_wait3A_56 = tpu.memref_slice %arg10[%add3A_41, %dma_wait3A] : memref<10240x16xf32, #tpu.memory_space<vmem_shared>> -> memref<128x16xf32, #tpu.memory_space<vmem_shared>>
      %dma_wait3A_57 = arith.constant 0 : i32
      %dma_wait3A_58 = tpu.memref_slice %arg10[%add3A_41, %dma_wait3A_57] : memref<10240x16xf32, #tpu.memory_space<vmem_shared>> -> memref<128x16xf32, #tpu.memory_space<vmem_shared>>
      tpu.wait_dma2 semaphore(%run_scoped3A_52 : memref<!tpu.dma_semaphore, #tpu.memory_space<semaphore_mem>>) src(%dma_wait3A_58 : memref<128x16xf32, #tpu.memory_space<vmem_shared>>) dst(%arg9 : memref<128x16xf32, #tpu.memory_space<vmem>>)
      tpu.yield
    }) : () -> ()
    %run_scoped3A_42 = arith.constant 0 : i32
    "tpu.region"() ({
      %run_scoped3A_52 = tpu.sem_alloc : memref<!tpu.dma_semaphore, #tpu.memory_space<semaphore_mem>>
      %dma_start3A = arith.constant 0 : i32
      %dma_start3A_53 = tpu.memref_slice %arg5[%arg0, %run_scoped3A_42, %add3A_41, %dma_start3A] : memref<2x2x10240x16xf32, #tpu.memory_space<hbm>> -> memref<1x1x128x16xf32, #tpu.memory_space<hbm>>
      %dma_start3A_54 = tpu.memref_squeeze %dma_start3A_53 : memref<1x1x128x16xf32, #tpu.memory_space<hbm>> -> memref<128x16xf32, #tpu.memory_space<hbm>>
      %dma_start3A_55 = arith.constant 0 : i32
      %dma_start3A_56 = tpu.memref_slice %arg5[%arg0, %run_scoped3A_42, %add3A_41, %dma_start3A_55] : memref<2x2x10240x16xf32, #tpu.memory_space<hbm>> -> memref<1x1x128x16xf32, #tpu.memory_space<hbm>>
      %dma_start3A_57 = tpu.memref_squeeze %dma_start3A_56 : memref<1x1x128x16xf32, #tpu.memory_space<hbm>> -> memref<128x16xf32, #tpu.memory_space<hbm>>
      tpu.enqueue_dma source(%arg9 : memref<128x16xf32, #tpu.memory_space<vmem>>) target(%dma_start3A_57 : memref<128x16xf32, #tpu.memory_space<hbm>>) target_semaphore(%run_scoped3A_52 : memref<!tpu.dma_semaphore, #tpu.memory_space<semaphore_mem>>)
      %dma_wait3A = arith.constant 0 : i32
      %dma_wait3A_58 = tpu.memref_slice %arg5[%arg0, %run_scoped3A_42, %add3A_41, %dma_wait3A] : memref<2x2x10240x16xf32, #tpu.memory_space<hbm>> -> memref<1x1x128x16xf32, #tpu.memory_space<hbm>>
      %dma_wait3A_59 = tpu.memref_squeeze %dma_wait3A_58 : memref<1x1x128x16xf32, #tpu.memory_space<hbm>> -> memref<128x16xf32, #tpu.memory_space<hbm>>
      %dma_wait3A_60 = arith.constant 0 : i32
      %dma_wait3A_61 = tpu.memref_slice %arg5[%arg0, %run_scoped3A_42, %add3A_41, %dma_wait3A_60] : memref<2x2x10240x16xf32, #tpu.memory_space<hbm>> -> memref<1x1x128x16xf32, #tpu.memory_space<hbm>>
      %dma_wait3A_62 = tpu.memref_squeeze %dma_wait3A_61 : memref<1x1x128x16xf32, #tpu.memory_space<hbm>> -> memref<128x16xf32, #tpu.memory_space<hbm>>
      tpu.wait_dma2 semaphore(%run_scoped3A_52 : memref<!tpu.dma_semaphore, #tpu.memory_space<semaphore_mem>>) src(%arg9 : memref<128x16xf32, #tpu.memory_space<vmem>>) dst(%dma_wait3A_62 : memref<128x16xf32, #tpu.memory_space<hbm>>)
      tpu.yield
    }) : () -> ()
    "tpu.region"() ({
      %run_scoped3A_52 = tpu.sem_alloc : memref<!tpu.dma_semaphore, #tpu.memory_space<semaphore_mem>>
      %dma_start3A = arith.constant 0 : i32
      %dma_start3A_53 = tpu.memref_slice %arg11[%add3A_41, %dma_start3A] : memref<10240x16xf32, #tpu.memory_space<vmem_shared>> -> memref<128x16xf32, #tpu.memory_space<vmem_shared>>
      %dma_start3A_54 = arith.constant 0 : i32
      %dma_start3A_55 = tpu.memref_slice %arg11[%add3A_41, %dma_start3A_54] : memref<10240x16xf32, #tpu.memory_space<vmem_shared>> -> memref<128x16xf32, #tpu.memory_space<vmem_shared>>
      tpu.enqueue_dma source(%dma_start3A_55 : memref<128x16xf32, #tpu.memory_space<vmem_shared>>) target(%arg9 : memref<128x16xf32, #tpu.memory_space<vmem>>) target_semaphore(%run_scoped3A_52 : memref<!tpu.dma_semaphore, #tpu.memory_space<semaphore_mem>>)
      %dma_wait3A = arith.constant 0 : i32
      %dma_wait3A_56 = tpu.memref_slice %arg11[%add3A_41, %dma_wait3A] : memref<10240x16xf32, #tpu.memory_space<vmem_shared>> -> memref<128x16xf32, #tpu.memory_space<vmem_shared>>
      %dma_wait3A_57 = arith.constant 0 : i32
      %dma_wait3A_58 = tpu.memref_slice %arg11[%add3A_41, %dma_wait3A_57] : memref<10240x16xf32, #tpu.memory_space<vmem_shared>> -> memref<128x16xf32, #tpu.memory_space<vmem_shared>>
      tpu.wait_dma2 semaphore(%run_scoped3A_52 : memref<!tpu.dma_semaphore, #tpu.memory_space<semaphore_mem>>) src(%dma_wait3A_58 : memref<128x16xf32, #tpu.memory_space<vmem_shared>>) dst(%arg9 : memref<128x16xf32, #tpu.memory_space<vmem>>)
      tpu.yield
    }) : () -> ()
    %run_scoped3A_43 = arith.constant 1 : i32
    "tpu.region"() ({
      %run_scoped3A_52 = tpu.sem_alloc : memref<!tpu.dma_semaphore, #tpu.memory_space<semaphore_mem>>
      %dma_start3A = arith.constant 0 : i32
      %dma_start3A_53 = tpu.memref_slice %arg5[%arg0, %run_scoped3A_43, %add3A_41, %dma_start3A] : memref<2x2x10240x16xf32, #tpu.memory_space<hbm>> -> memref<1x1x128x16xf32, #tpu.memory_space<hbm>>
      %dma_start3A_54 = tpu.memref_squeeze %dma_start3A_53 : memref<1x1x128x16xf32, #tpu.memory_space<hbm>> -> memref<128x16xf32, #tpu.memory_space<hbm>>
      %dma_start3A_55 = arith.constant 0 : i32
      %dma_start3A_56 = tpu.memref_slice %arg5[%arg0, %run_scoped3A_43, %add3A_41, %dma_start3A_55] : memref<2x2x10240x16xf32, #tpu.memory_space<hbm>> -> memref<1x1x128x16xf32, #tpu.memory_space<hbm>>
      %dma_start3A_57 = tpu.memref_squeeze %dma_start3A_56 : memref<1x1x128x16xf32, #tpu.memory_space<hbm>> -> memref<128x16xf32, #tpu.memory_space<hbm>>
      tpu.enqueue_dma source(%arg9 : memref<128x16xf32, #tpu.memory_space<vmem>>) target(%dma_start3A_57 : memref<128x16xf32, #tpu.memory_space<hbm>>) target_semaphore(%run_scoped3A_52 : memref<!tpu.dma_semaphore, #tpu.memory_space<semaphore_mem>>)
      %dma_wait3A = arith.constant 0 : i32
      %dma_wait3A_58 = tpu.memref_slice %arg5[%arg0, %run_scoped3A_43, %add3A_41, %dma_wait3A] : memref<2x2x10240x16xf32, #tpu.memory_space<hbm>> -> memref<1x1x128x16xf32, #tpu.memory_space<hbm>>
      %dma_wait3A_59 = tpu.memref_squeeze %dma_wait3A_58 : memref<1x1x128x16xf32, #tpu.memory_space<hbm>> -> memref<128x16xf32, #tpu.memory_space<hbm>>
      %dma_wait3A_60 = arith.constant 0 : i32
      %dma_wait3A_61 = tpu.memref_slice %arg5[%arg0, %run_scoped3A_43, %add3A_41, %dma_wait3A_60] : memref<2x2x10240x16xf32, #tpu.memory_space<hbm>> -> memref<1x1x128x16xf32, #tpu.memory_space<hbm>>
      %dma_wait3A_62 = tpu.memref_squeeze %dma_wait3A_61 : memref<1x1x128x16xf32, #tpu.memory_space<hbm>> -> memref<128x16xf32, #tpu.memory_space<hbm>>
      tpu.wait_dma2 semaphore(%run_scoped3A_52 : memref<!tpu.dma_semaphore, #tpu.memory_space<semaphore_mem>>) src(%arg9 : memref<128x16xf32, #tpu.memory_space<vmem>>) dst(%dma_wait3A_62 : memref<128x16xf32, #tpu.memory_space<hbm>>)
      tpu.yield
    }) : () -> ()
    %add3A_44 = arith.constant 384 : i32
    %add3A_45 = arith.addi %mul3A_3, %add3A_44 : i32
    "tpu.region"() ({
      %run_scoped3A_52 = tpu.sem_alloc : memref<!tpu.dma_semaphore, #tpu.memory_space<semaphore_mem>>
      %dma_start3A = arith.constant 0 : i32
      %dma_start3A_53 = tpu.memref_slice %arg10[%add3A_45, %dma_start3A] : memref<10240x16xf32, #tpu.memory_space<vmem_shared>> -> memref<128x16xf32, #tpu.memory_space<vmem_shared>>
      %dma_start3A_54 = arith.constant 0 : i32
      %dma_start3A_55 = tpu.memref_slice %arg10[%add3A_45, %dma_start3A_54] : memref<10240x16xf32, #tpu.memory_space<vmem_shared>> -> memref<128x16xf32, #tpu.memory_space<vmem_shared>>
      tpu.enqueue_dma source(%dma_start3A_55 : memref<128x16xf32, #tpu.memory_space<vmem_shared>>) target(%arg9 : memref<128x16xf32, #tpu.memory_space<vmem>>) target_semaphore(%run_scoped3A_52 : memref<!tpu.dma_semaphore, #tpu.memory_space<semaphore_mem>>)
      %dma_wait3A = arith.constant 0 : i32
      %dma_wait3A_56 = tpu.memref_slice %arg10[%add3A_45, %dma_wait3A] : memref<10240x16xf32, #tpu.memory_space<vmem_shared>> -> memref<128x16xf32, #tpu.memory_space<vmem_shared>>
      %dma_wait3A_57 = arith.constant 0 : i32
      %dma_wait3A_58 = tpu.memref_slice %arg10[%add3A_45, %dma_wait3A_57] : memref<10240x16xf32, #tpu.memory_space<vmem_shared>> -> memref<128x16xf32, #tpu.memory_space<vmem_shared>>
      tpu.wait_dma2 semaphore(%run_scoped3A_52 : memref<!tpu.dma_semaphore, #tpu.memory_space<semaphore_mem>>) src(%dma_wait3A_58 : memref<128x16xf32, #tpu.memory_space<vmem_shared>>) dst(%arg9 : memref<128x16xf32, #tpu.memory_space<vmem>>)
      tpu.yield
    }) : () -> ()
    %run_scoped3A_46 = arith.constant 0 : i32
    "tpu.region"() ({
      %run_scoped3A_52 = tpu.sem_alloc : memref<!tpu.dma_semaphore, #tpu.memory_space<semaphore_mem>>
      %dma_start3A = arith.constant 0 : i32
      %dma_start3A_53 = tpu.memref_slice %arg5[%arg0, %run_scoped3A_46, %add3A_45, %dma_start3A] : memref<2x2x10240x16xf32, #tpu.memory_space<hbm>> -> memref<1x1x128x16xf32, #tpu.memory_space<hbm>>
      %dma_start3A_54 = tpu.memref_squeeze %dma_start3A_53 : memref<1x1x128x16xf32, #tpu.memory_space<hbm>> -> memref<128x16xf32, #tpu.memory_space<hbm>>
      %dma_start3A_55 = arith.constant 0 : i32
      %dma_start3A_56 = tpu.memref_slice %arg5[%arg0, %run_scoped3A_46, %add3A_45, %dma_start3A_55] : memref<2x2x10240x16xf32, #tpu.memory_space<hbm>> -> memref<1x1x128x16xf32, #tpu.memory_space<hbm>>
      %dma_start3A_57 = tpu.memref_squeeze %dma_start3A_56 : memref<1x1x128x16xf32, #tpu.memory_space<hbm>> -> memref<128x16xf32, #tpu.memory_space<hbm>>
      tpu.enqueue_dma source(%arg9 : memref<128x16xf32, #tpu.memory_space<vmem>>) target(%dma_start3A_57 : memref<128x16xf32, #tpu.memory_space<hbm>>) target_semaphore(%run_scoped3A_52 : memref<!tpu.dma_semaphore, #tpu.memory_space<semaphore_mem>>)
      %dma_wait3A = arith.constant 0 : i32
      %dma_wait3A_58 = tpu.memref_slice %arg5[%arg0, %run_scoped3A_46, %add3A_45, %dma_wait3A] : memref<2x2x10240x16xf32, #tpu.memory_space<hbm>> -> memref<1x1x128x16xf32, #tpu.memory_space<hbm>>
      %dma_wait3A_59 = tpu.memref_squeeze %dma_wait3A_58 : memref<1x1x128x16xf32, #tpu.memory_space<hbm>> -> memref<128x16xf32, #tpu.memory_space<hbm>>
      %dma_wait3A_60 = arith.constant 0 : i32
      %dma_wait3A_61 = tpu.memref_slice %arg5[%arg0, %run_scoped3A_46, %add3A_45, %dma_wait3A_60] : memref<2x2x10240x16xf32, #tpu.memory_space<hbm>> -> memref<1x1x128x16xf32, #tpu.memory_space<hbm>>
      %dma_wait3A_62 = tpu.memref_squeeze %dma_wait3A_61 : memref<1x1x128x16xf32, #tpu.memory_space<hbm>> -> memref<128x16xf32, #tpu.memory_space<hbm>>
      tpu.wait_dma2 semaphore(%run_scoped3A_52 : memref<!tpu.dma_semaphore, #tpu.memory_space<semaphore_mem>>) src(%arg9 : memref<128x16xf32, #tpu.memory_space<vmem>>) dst(%dma_wait3A_62 : memref<128x16xf32, #tpu.memory_space<hbm>>)
      tpu.yield
    }) : () -> ()
    "tpu.region"() ({
      %run_scoped3A_52 = tpu.sem_alloc : memref<!tpu.dma_semaphore, #tpu.memory_space<semaphore_mem>>
      %dma_start3A = arith.constant 0 : i32
      %dma_start3A_53 = tpu.memref_slice %arg11[%add3A_45, %dma_start3A] : memref<10240x16xf32, #tpu.memory_space<vmem_shared>> -> memref<128x16xf32, #tpu.memory_space<vmem_shared>>
      %dma_start3A_54 = arith.constant 0 : i32
      %dma_start3A_55 = tpu.memref_slice %arg11[%add3A_45, %dma_start3A_54] : memref<10240x16xf32, #tpu.memory_space<vmem_shared>> -> memref<128x16xf32, #tpu.memory_space<vmem_shared>>
      tpu.enqueue_dma source(%dma_start3A_55 : memref<128x16xf32, #tpu.memory_space<vmem_shared>>) target(%arg9 : memref<128x16xf32, #tpu.memory_space<vmem>>) target_semaphore(%run_scoped3A_52 : memref<!tpu.dma_semaphore, #tpu.memory_space<semaphore_mem>>)
      %dma_wait3A = arith.constant 0 : i32
      %dma_wait3A_56 = tpu.memref_slice %arg11[%add3A_45, %dma_wait3A] : memref<10240x16xf32, #tpu.memory_space<vmem_shared>> -> memref<128x16xf32, #tpu.memory_space<vmem_shared>>
      %dma_wait3A_57 = arith.constant 0 : i32
      %dma_wait3A_58 = tpu.memref_slice %arg11[%add3A_45, %dma_wait3A_57] : memref<10240x16xf32, #tpu.memory_space<vmem_shared>> -> memref<128x16xf32, #tpu.memory_space<vmem_shared>>
      tpu.wait_dma2 semaphore(%run_scoped3A_52 : memref<!tpu.dma_semaphore, #tpu.memory_space<semaphore_mem>>) src(%dma_wait3A_58 : memref<128x16xf32, #tpu.memory_space<vmem_shared>>) dst(%arg9 : memref<128x16xf32, #tpu.memory_space<vmem>>)
      tpu.yield
    }) : () -> ()
    %run_scoped3A_47 = arith.constant 1 : i32
    "tpu.region"() ({
      %run_scoped3A_52 = tpu.sem_alloc : memref<!tpu.dma_semaphore, #tpu.memory_space<semaphore_mem>>
      %dma_start3A = arith.constant 0 : i32
      %dma_start3A_53 = tpu.memref_slice %arg5[%arg0, %run_scoped3A_47, %add3A_45, %dma_start3A] : memref<2x2x10240x16xf32, #tpu.memory_space<hbm>> -> memref<1x1x128x16xf32, #tpu.memory_space<hbm>>
      %dma_start3A_54 = tpu.memref_squeeze %dma_start3A_53 : memref<1x1x128x16xf32, #tpu.memory_space<hbm>> -> memref<128x16xf32, #tpu.memory_space<hbm>>
      %dma_start3A_55 = arith.constant 0 : i32
      %dma_start3A_56 = tpu.memref_slice %arg5[%arg0, %run_scoped3A_47, %add3A_45, %dma_start3A_55] : memref<2x2x10240x16xf32, #tpu.memory_space<hbm>> -> memref<1x1x128x16xf32, #tpu.memory_space<hbm>>
      %dma_start3A_57 = tpu.memref_squeeze %dma_start3A_56 : memref<1x1x128x16xf32, #tpu.memory_space<hbm>> -> memref<128x16xf32, #tpu.memory_space<hbm>>
      tpu.enqueue_dma source(%arg9 : memref<128x16xf32, #tpu.memory_space<vmem>>) target(%dma_start3A_57 : memref<128x16xf32, #tpu.memory_space<hbm>>) target_semaphore(%run_scoped3A_52 : memref<!tpu.dma_semaphore, #tpu.memory_space<semaphore_mem>>)
      %dma_wait3A = arith.constant 0 : i32
      %dma_wait3A_58 = tpu.memref_slice %arg5[%arg0, %run_scoped3A_47, %add3A_45, %dma_wait3A] : memref<2x2x10240x16xf32, #tpu.memory_space<hbm>> -> memref<1x1x128x16xf32, #tpu.memory_space<hbm>>
      %dma_wait3A_59 = tpu.memref_squeeze %dma_wait3A_58 : memref<1x1x128x16xf32, #tpu.memory_space<hbm>> -> memref<128x16xf32, #tpu.memory_space<hbm>>
      %dma_wait3A_60 = arith.constant 0 : i32
      %dma_wait3A_61 = tpu.memref_slice %arg5[%arg0, %run_scoped3A_47, %add3A_45, %dma_wait3A_60] : memref<2x2x10240x16xf32, #tpu.memory_space<hbm>> -> memref<1x1x128x16xf32, #tpu.memory_space<hbm>>
      %dma_wait3A_62 = tpu.memref_squeeze %dma_wait3A_61 : memref<1x1x128x16xf32, #tpu.memory_space<hbm>> -> memref<128x16xf32, #tpu.memory_space<hbm>>
      tpu.wait_dma2 semaphore(%run_scoped3A_52 : memref<!tpu.dma_semaphore, #tpu.memory_space<semaphore_mem>>) src(%arg9 : memref<128x16xf32, #tpu.memory_space<vmem>>) dst(%dma_wait3A_62 : memref<128x16xf32, #tpu.memory_space<hbm>>)
      tpu.yield
    }) : () -> ()
    %add3A_48 = arith.constant 512 : i32
    %add3A_49 = arith.addi %mul3A_3, %add3A_48 : i32
    "tpu.region"() ({
      %run_scoped3A_52 = tpu.sem_alloc : memref<!tpu.dma_semaphore, #tpu.memory_space<semaphore_mem>>
      %dma_start3A = arith.constant 0 : i32
      %dma_start3A_53 = tpu.memref_slice %arg10[%add3A_49, %dma_start3A] : memref<10240x16xf32, #tpu.memory_space<vmem_shared>> -> memref<128x16xf32, #tpu.memory_space<vmem_shared>>
      %dma_start3A_54 = arith.constant 0 : i32
      %dma_start3A_55 = tpu.memref_slice %arg10[%add3A_49, %dma_start3A_54] : memref<10240x16xf32, #tpu.memory_space<vmem_shared>> -> memref<128x16xf32, #tpu.memory_space<vmem_shared>>
      tpu.enqueue_dma source(%dma_start3A_55 : memref<128x16xf32, #tpu.memory_space<vmem_shared>>) target(%arg9 : memref<128x16xf32, #tpu.memory_space<vmem>>) target_semaphore(%run_scoped3A_52 : memref<!tpu.dma_semaphore, #tpu.memory_space<semaphore_mem>>)
      %dma_wait3A = arith.constant 0 : i32
      %dma_wait3A_56 = tpu.memref_slice %arg10[%add3A_49, %dma_wait3A] : memref<10240x16xf32, #tpu.memory_space<vmem_shared>> -> memref<128x16xf32, #tpu.memory_space<vmem_shared>>
      %dma_wait3A_57 = arith.constant 0 : i32
      %dma_wait3A_58 = tpu.memref_slice %arg10[%add3A_49, %dma_wait3A_57] : memref<10240x16xf32, #tpu.memory_space<vmem_shared>> -> memref<128x16xf32, #tpu.memory_space<vmem_shared>>
      tpu.wait_dma2 semaphore(%run_scoped3A_52 : memref<!tpu.dma_semaphore, #tpu.memory_space<semaphore_mem>>) src(%dma_wait3A_58 : memref<128x16xf32, #tpu.memory_space<vmem_shared>>) dst(%arg9 : memref<128x16xf32, #tpu.memory_space<vmem>>)
      tpu.yield
    }) : () -> ()
    %run_scoped3A_50 = arith.constant 0 : i32
    "tpu.region"() ({
      %run_scoped3A_52 = tpu.sem_alloc : memref<!tpu.dma_semaphore, #tpu.memory_space<semaphore_mem>>
      %dma_start3A = arith.constant 0 : i32
      %dma_start3A_53 = tpu.memref_slice %arg5[%arg0, %run_scoped3A_50, %add3A_49, %dma_start3A] : memref<2x2x10240x16xf32, #tpu.memory_space<hbm>> -> memref<1x1x128x16xf32, #tpu.memory_space<hbm>>
      %dma_start3A_54 = tpu.memref_squeeze %dma_start3A_53 : memref<1x1x128x16xf32, #tpu.memory_space<hbm>> -> memref<128x16xf32, #tpu.memory_space<hbm>>
      %dma_start3A_55 = arith.constant 0 : i32
      %dma_start3A_56 = tpu.memref_slice %arg5[%arg0, %run_scoped3A_50, %add3A_49, %dma_start3A_55] : memref<2x2x10240x16xf32, #tpu.memory_space<hbm>> -> memref<1x1x128x16xf32, #tpu.memory_space<hbm>>
      %dma_start3A_57 = tpu.memref_squeeze %dma_start3A_56 : memref<1x1x128x16xf32, #tpu.memory_space<hbm>> -> memref<128x16xf32, #tpu.memory_space<hbm>>
      tpu.enqueue_dma source(%arg9 : memref<128x16xf32, #tpu.memory_space<vmem>>) target(%dma_start3A_57 : memref<128x16xf32, #tpu.memory_space<hbm>>) target_semaphore(%run_scoped3A_52 : memref<!tpu.dma_semaphore, #tpu.memory_space<semaphore_mem>>)
      %dma_wait3A = arith.constant 0 : i32
      %dma_wait3A_58 = tpu.memref_slice %arg5[%arg0, %run_scoped3A_50, %add3A_49, %dma_wait3A] : memref<2x2x10240x16xf32, #tpu.memory_space<hbm>> -> memref<1x1x128x16xf32, #tpu.memory_space<hbm>>
      %dma_wait3A_59 = tpu.memref_squeeze %dma_wait3A_58 : memref<1x1x128x16xf32, #tpu.memory_space<hbm>> -> memref<128x16xf32, #tpu.memory_space<hbm>>
      %dma_wait3A_60 = arith.constant 0 : i32
      %dma_wait3A_61 = tpu.memref_slice %arg5[%arg0, %run_scoped3A_50, %add3A_49, %dma_wait3A_60] : memref<2x2x10240x16xf32, #tpu.memory_space<hbm>> -> memref<1x1x128x16xf32, #tpu.memory_space<hbm>>
      %dma_wait3A_62 = tpu.memref_squeeze %dma_wait3A_61 : memref<1x1x128x16xf32, #tpu.memory_space<hbm>> -> memref<128x16xf32, #tpu.memory_space<hbm>>
      tpu.wait_dma2 semaphore(%run_scoped3A_52 : memref<!tpu.dma_semaphore, #tpu.memory_space<semaphore_mem>>) src(%arg9 : memref<128x16xf32, #tpu.memory_space<vmem>>) dst(%dma_wait3A_62 : memref<128x16xf32, #tpu.memory_space<hbm>>)
      tpu.yield
    }) : () -> ()
    "tpu.region"() ({
      %run_scoped3A_52 = tpu.sem_alloc : memref<!tpu.dma_semaphore, #tpu.memory_space<semaphore_mem>>
      %dma_start3A = arith.constant 0 : i32
      %dma_start3A_53 = tpu.memref_slice %arg11[%add3A_49, %dma_start3A] : memref<10240x16xf32, #tpu.memory_space<vmem_shared>> -> memref<128x16xf32, #tpu.memory_space<vmem_shared>>
      %dma_start3A_54 = arith.constant 0 : i32
      %dma_start3A_55 = tpu.memref_slice %arg11[%add3A_49, %dma_start3A_54] : memref<10240x16xf32, #tpu.memory_space<vmem_shared>> -> memref<128x16xf32, #tpu.memory_space<vmem_shared>>
      tpu.enqueue_dma source(%dma_start3A_55 : memref<128x16xf32, #tpu.memory_space<vmem_shared>>) target(%arg9 : memref<128x16xf32, #tpu.memory_space<vmem>>) target_semaphore(%run_scoped3A_52 : memref<!tpu.dma_semaphore, #tpu.memory_space<semaphore_mem>>)
      %dma_wait3A = arith.constant 0 : i32
      %dma_wait3A_56 = tpu.memref_slice %arg11[%add3A_49, %dma_wait3A] : memref<10240x16xf32, #tpu.memory_space<vmem_shared>> -> memref<128x16xf32, #tpu.memory_space<vmem_shared>>
      %dma_wait3A_57 = arith.constant 0 : i32
      %dma_wait3A_58 = tpu.memref_slice %arg11[%add3A_49, %dma_wait3A_57] : memref<10240x16xf32, #tpu.memory_space<vmem_shared>> -> memref<128x16xf32, #tpu.memory_space<vmem_shared>>
      tpu.wait_dma2 semaphore(%run_scoped3A_52 : memref<!tpu.dma_semaphore, #tpu.memory_space<semaphore_mem>>) src(%dma_wait3A_58 : memref<128x16xf32, #tpu.memory_space<vmem_shared>>) dst(%arg9 : memref<128x16xf32, #tpu.memory_space<vmem>>)
      tpu.yield
    }) : () -> ()
    %run_scoped3A_51 = arith.constant 1 : i32
    "tpu.region"() ({
      %run_scoped3A_52 = tpu.sem_alloc : memref<!tpu.dma_semaphore, #tpu.memory_space<semaphore_mem>>
      %dma_start3A = arith.constant 0 : i32
      %dma_start3A_53 = tpu.memref_slice %arg5[%arg0, %run_scoped3A_51, %add3A_49, %dma_start3A] : memref<2x2x10240x16xf32, #tpu.memory_space<hbm>> -> memref<1x1x128x16xf32, #tpu.memory_space<hbm>>
      %dma_start3A_54 = tpu.memref_squeeze %dma_start3A_53 : memref<1x1x128x16xf32, #tpu.memory_space<hbm>> -> memref<128x16xf32, #tpu.memory_space<hbm>>
      %dma_start3A_55 = arith.constant 0 : i32
      %dma_start3A_56 = tpu.memref_slice %arg5[%arg0, %run_scoped3A_51, %add3A_49, %dma_start3A_55] : memref<2x2x10240x16xf32, #tpu.memory_space<hbm>> -> memref<1x1x128x16xf32, #tpu.memory_space<hbm>>
      %dma_start3A_57 = tpu.memref_squeeze %dma_start3A_56 : memref<1x1x128x16xf32, #tpu.memory_space<hbm>> -> memref<128x16xf32, #tpu.memory_space<hbm>>
      tpu.enqueue_dma source(%arg9 : memref<128x16xf32, #tpu.memory_space<vmem>>) target(%dma_start3A_57 : memref<128x16xf32, #tpu.memory_space<hbm>>) target_semaphore(%run_scoped3A_52 : memref<!tpu.dma_semaphore, #tpu.memory_space<semaphore_mem>>)
      %dma_wait3A = arith.constant 0 : i32
      %dma_wait3A_58 = tpu.memref_slice %arg5[%arg0, %run_scoped3A_51, %add3A_49, %dma_wait3A] : memref<2x2x10240x16xf32, #tpu.memory_space<hbm>> -> memref<1x1x128x16xf32, #tpu.memory_space<hbm>>
      %dma_wait3A_59 = tpu.memref_squeeze %dma_wait3A_58 : memref<1x1x128x16xf32, #tpu.memory_space<hbm>> -> memref<128x16xf32, #tpu.memory_space<hbm>>
      %dma_wait3A_60 = arith.constant 0 : i32
      %dma_wait3A_61 = tpu.memref_slice %arg5[%arg0, %run_scoped3A_51, %add3A_49, %dma_wait3A_60] : memref<2x2x10240x16xf32, #tpu.memory_space<hbm>> -> memref<1x1x128x16xf32, #tpu.memory_space<hbm>>
      %dma_wait3A_62 = tpu.memref_squeeze %dma_wait3A_61 : memref<1x1x128x16xf32, #tpu.memory_space<hbm>> -> memref<128x16xf32, #tpu.memory_space<hbm>>
      tpu.wait_dma2 semaphore(%run_scoped3A_52 : memref<!tpu.dma_semaphore, #tpu.memory_space<semaphore_mem>>) src(%arg9 : memref<128x16xf32, #tpu.memory_space<vmem>>) dst(%dma_wait3A_62 : memref<128x16xf32, #tpu.memory_space<hbm>>)
      tpu.yield
    }) : () -> ()
    return
  }
}

#map = affine_map<(d0, d1) -> (0, 0)>
#map1 = affine_map<(d0, d1) -> (0)>
#map2 = affine_map<(d0, d1) -> (0, 0, 0)>
module attributes {stable_mosaic.version = 14 : i64} {
  func.func @_agg_body(%arg0: i32, %arg1: i32, %arg2: memref<10240x128xf32, #tpu.memory_space<hbm>>, %arg3: memref<327680xi32, #tpu.memory_space<hbm>>, %arg4: memref<327680xi32, #tpu.memory_space<hbm>>, %arg5: memref<128x128xf32, #tpu.memory_space<hbm>>, %arg6: memref<2x10240x128xf32, #tpu.memory_space<hbm>>, %arg7: memref<128xi32, #tpu.memory_space<vmem>>, %arg8: memref<128xi32, #tpu.memory_space<vmem>>, %arg9: memref<128x128xf32, #tpu.memory_space<vmem>>, %arg10: memref<128x128xf32, #tpu.memory_space<vmem>>, %arg11: memref<10240x128xf32, #tpu.memory_space<vmem_shared>>, %arg12: memref<!tpu.dma_semaphore, #tpu.memory_space<semaphore_mem>>) attributes {dimension_semantics = [#tpu.dimension_semantics<core_parallel>, #tpu.dimension_semantics<subcore_parallel>], iteration_bounds = array<i64: 2, 16>, scalar_prefetch = 0 : i64, scratch_operands = 6 : i64, tpu.core_type = #tpu.core_type<sc_vector_subcore>, window_params = [{transform_indices = #map}, {transform_indices = #map1}, {transform_indices = #map1}, {transform_indices = #map}, {transform_indices = #map2}]} {
    %mul3A = arith.constant 2 : i32
    %mul3A_0 = arith.muli %arg1, %mul3A : i32
    %add3A = arith.addi %mul3A_0, %arg0 : i32
    "tpu.region"() ({
      %run_scoped3A = tpu.sem_alloc : memref<!tpu.dma_semaphore, #tpu.memory_space<semaphore_mem>>
      tpu.enqueue_dma source(%arg5 : memref<128x128xf32, #tpu.memory_space<hbm>>) target(%arg10 : memref<128x128xf32, #tpu.memory_space<vmem>>) target_semaphore(%run_scoped3A : memref<!tpu.dma_semaphore, #tpu.memory_space<semaphore_mem>>)
      tpu.wait_dma2 semaphore(%run_scoped3A : memref<!tpu.dma_semaphore, #tpu.memory_space<semaphore_mem>>) src(%arg5 : memref<128x128xf32, #tpu.memory_space<hbm>>) dst(%arg10 : memref<128x128xf32, #tpu.memory_space<vmem>>)
      tpu.yield
    }) : () -> ()
    %mul3A_1 = arith.constant 640 : i32
    %mul3A_2 = arith.muli %arg1, %mul3A_1 : i32
    %add3A_3 = arith.constant 0 : i32
    %add3A_4 = arith.addi %mul3A_2, %add3A_3 : i32
    "tpu.region"() ({
      %run_scoped3A = tpu.sem_alloc : memref<!tpu.dma_semaphore, #tpu.memory_space<semaphore_mem>>
      %dma_start3A = arith.constant 0 : i32
      %dma_start3A_31 = tpu.memref_slice %arg11[%add3A_4, %dma_start3A] : memref<10240x128xf32, #tpu.memory_space<vmem_shared>> -> memref<128x128xf32, #tpu.memory_space<vmem_shared>>
      %dma_start3A_32 = arith.constant 0 : i32
      %dma_start3A_33 = tpu.memref_slice %arg11[%add3A_4, %dma_start3A_32] : memref<10240x128xf32, #tpu.memory_space<vmem_shared>> -> memref<128x128xf32, #tpu.memory_space<vmem_shared>>
      tpu.enqueue_dma source(%arg10 : memref<128x128xf32, #tpu.memory_space<vmem>>) target(%dma_start3A_33 : memref<128x128xf32, #tpu.memory_space<vmem_shared>>) target_semaphore(%run_scoped3A : memref<!tpu.dma_semaphore, #tpu.memory_space<semaphore_mem>>)
      %dma_wait3A = arith.constant 0 : i32
      %dma_wait3A_34 = tpu.memref_slice %arg11[%add3A_4, %dma_wait3A] : memref<10240x128xf32, #tpu.memory_space<vmem_shared>> -> memref<128x128xf32, #tpu.memory_space<vmem_shared>>
      %dma_wait3A_35 = arith.constant 0 : i32
      %dma_wait3A_36 = tpu.memref_slice %arg11[%add3A_4, %dma_wait3A_35] : memref<10240x128xf32, #tpu.memory_space<vmem_shared>> -> memref<128x128xf32, #tpu.memory_space<vmem_shared>>
      tpu.wait_dma2 semaphore(%run_scoped3A : memref<!tpu.dma_semaphore, #tpu.memory_space<semaphore_mem>>) src(%arg10 : memref<128x128xf32, #tpu.memory_space<vmem>>) dst(%dma_wait3A_36 : memref<128x128xf32, #tpu.memory_space<vmem_shared>>)
      tpu.yield
    }) : () -> ()
    %add3A_5 = arith.constant 128 : i32
    %add3A_6 = arith.addi %mul3A_2, %add3A_5 : i32
    "tpu.region"() ({
      %run_scoped3A = tpu.sem_alloc : memref<!tpu.dma_semaphore, #tpu.memory_space<semaphore_mem>>
      %dma_start3A = arith.constant 0 : i32
      %dma_start3A_31 = tpu.memref_slice %arg11[%add3A_6, %dma_start3A] : memref<10240x128xf32, #tpu.memory_space<vmem_shared>> -> memref<128x128xf32, #tpu.memory_space<vmem_shared>>
      %dma_start3A_32 = arith.constant 0 : i32
      %dma_start3A_33 = tpu.memref_slice %arg11[%add3A_6, %dma_start3A_32] : memref<10240x128xf32, #tpu.memory_space<vmem_shared>> -> memref<128x128xf32, #tpu.memory_space<vmem_shared>>
      tpu.enqueue_dma source(%arg10 : memref<128x128xf32, #tpu.memory_space<vmem>>) target(%dma_start3A_33 : memref<128x128xf32, #tpu.memory_space<vmem_shared>>) target_semaphore(%run_scoped3A : memref<!tpu.dma_semaphore, #tpu.memory_space<semaphore_mem>>)
      %dma_wait3A = arith.constant 0 : i32
      %dma_wait3A_34 = tpu.memref_slice %arg11[%add3A_6, %dma_wait3A] : memref<10240x128xf32, #tpu.memory_space<vmem_shared>> -> memref<128x128xf32, #tpu.memory_space<vmem_shared>>
      %dma_wait3A_35 = arith.constant 0 : i32
      %dma_wait3A_36 = tpu.memref_slice %arg11[%add3A_6, %dma_wait3A_35] : memref<10240x128xf32, #tpu.memory_space<vmem_shared>> -> memref<128x128xf32, #tpu.memory_space<vmem_shared>>
      tpu.wait_dma2 semaphore(%run_scoped3A : memref<!tpu.dma_semaphore, #tpu.memory_space<semaphore_mem>>) src(%arg10 : memref<128x128xf32, #tpu.memory_space<vmem>>) dst(%dma_wait3A_36 : memref<128x128xf32, #tpu.memory_space<vmem_shared>>)
      tpu.yield
    }) : () -> ()
    %add3A_7 = arith.constant 256 : i32
    %add3A_8 = arith.addi %mul3A_2, %add3A_7 : i32
    "tpu.region"() ({
      %run_scoped3A = tpu.sem_alloc : memref<!tpu.dma_semaphore, #tpu.memory_space<semaphore_mem>>
      %dma_start3A = arith.constant 0 : i32
      %dma_start3A_31 = tpu.memref_slice %arg11[%add3A_8, %dma_start3A] : memref<10240x128xf32, #tpu.memory_space<vmem_shared>> -> memref<128x128xf32, #tpu.memory_space<vmem_shared>>
      %dma_start3A_32 = arith.constant 0 : i32
      %dma_start3A_33 = tpu.memref_slice %arg11[%add3A_8, %dma_start3A_32] : memref<10240x128xf32, #tpu.memory_space<vmem_shared>> -> memref<128x128xf32, #tpu.memory_space<vmem_shared>>
      tpu.enqueue_dma source(%arg10 : memref<128x128xf32, #tpu.memory_space<vmem>>) target(%dma_start3A_33 : memref<128x128xf32, #tpu.memory_space<vmem_shared>>) target_semaphore(%run_scoped3A : memref<!tpu.dma_semaphore, #tpu.memory_space<semaphore_mem>>)
      %dma_wait3A = arith.constant 0 : i32
      %dma_wait3A_34 = tpu.memref_slice %arg11[%add3A_8, %dma_wait3A] : memref<10240x128xf32, #tpu.memory_space<vmem_shared>> -> memref<128x128xf32, #tpu.memory_space<vmem_shared>>
      %dma_wait3A_35 = arith.constant 0 : i32
      %dma_wait3A_36 = tpu.memref_slice %arg11[%add3A_8, %dma_wait3A_35] : memref<10240x128xf32, #tpu.memory_space<vmem_shared>> -> memref<128x128xf32, #tpu.memory_space<vmem_shared>>
      tpu.wait_dma2 semaphore(%run_scoped3A : memref<!tpu.dma_semaphore, #tpu.memory_space<semaphore_mem>>) src(%arg10 : memref<128x128xf32, #tpu.memory_space<vmem>>) dst(%dma_wait3A_36 : memref<128x128xf32, #tpu.memory_space<vmem_shared>>)
      tpu.yield
    }) : () -> ()
    %add3A_9 = arith.constant 384 : i32
    %add3A_10 = arith.addi %mul3A_2, %add3A_9 : i32
    "tpu.region"() ({
      %run_scoped3A = tpu.sem_alloc : memref<!tpu.dma_semaphore, #tpu.memory_space<semaphore_mem>>
      %dma_start3A = arith.constant 0 : i32
      %dma_start3A_31 = tpu.memref_slice %arg11[%add3A_10, %dma_start3A] : memref<10240x128xf32, #tpu.memory_space<vmem_shared>> -> memref<128x128xf32, #tpu.memory_space<vmem_shared>>
      %dma_start3A_32 = arith.constant 0 : i32
      %dma_start3A_33 = tpu.memref_slice %arg11[%add3A_10, %dma_start3A_32] : memref<10240x128xf32, #tpu.memory_space<vmem_shared>> -> memref<128x128xf32, #tpu.memory_space<vmem_shared>>
      tpu.enqueue_dma source(%arg10 : memref<128x128xf32, #tpu.memory_space<vmem>>) target(%dma_start3A_33 : memref<128x128xf32, #tpu.memory_space<vmem_shared>>) target_semaphore(%run_scoped3A : memref<!tpu.dma_semaphore, #tpu.memory_space<semaphore_mem>>)
      %dma_wait3A = arith.constant 0 : i32
      %dma_wait3A_34 = tpu.memref_slice %arg11[%add3A_10, %dma_wait3A] : memref<10240x128xf32, #tpu.memory_space<vmem_shared>> -> memref<128x128xf32, #tpu.memory_space<vmem_shared>>
      %dma_wait3A_35 = arith.constant 0 : i32
      %dma_wait3A_36 = tpu.memref_slice %arg11[%add3A_10, %dma_wait3A_35] : memref<10240x128xf32, #tpu.memory_space<vmem_shared>> -> memref<128x128xf32, #tpu.memory_space<vmem_shared>>
      tpu.wait_dma2 semaphore(%run_scoped3A : memref<!tpu.dma_semaphore, #tpu.memory_space<semaphore_mem>>) src(%arg10 : memref<128x128xf32, #tpu.memory_space<vmem>>) dst(%dma_wait3A_36 : memref<128x128xf32, #tpu.memory_space<vmem_shared>>)
      tpu.yield
    }) : () -> ()
    %add3A_11 = arith.constant 512 : i32
    %add3A_12 = arith.addi %mul3A_2, %add3A_11 : i32
    "tpu.region"() ({
      %run_scoped3A = tpu.sem_alloc : memref<!tpu.dma_semaphore, #tpu.memory_space<semaphore_mem>>
      %dma_start3A = arith.constant 0 : i32
      %dma_start3A_31 = tpu.memref_slice %arg11[%add3A_12, %dma_start3A] : memref<10240x128xf32, #tpu.memory_space<vmem_shared>> -> memref<128x128xf32, #tpu.memory_space<vmem_shared>>
      %dma_start3A_32 = arith.constant 0 : i32
      %dma_start3A_33 = tpu.memref_slice %arg11[%add3A_12, %dma_start3A_32] : memref<10240x128xf32, #tpu.memory_space<vmem_shared>> -> memref<128x128xf32, #tpu.memory_space<vmem_shared>>
      tpu.enqueue_dma source(%arg10 : memref<128x128xf32, #tpu.memory_space<vmem>>) target(%dma_start3A_33 : memref<128x128xf32, #tpu.memory_space<vmem_shared>>) target_semaphore(%run_scoped3A : memref<!tpu.dma_semaphore, #tpu.memory_space<semaphore_mem>>)
      %dma_wait3A = arith.constant 0 : i32
      %dma_wait3A_34 = tpu.memref_slice %arg11[%add3A_12, %dma_wait3A] : memref<10240x128xf32, #tpu.memory_space<vmem_shared>> -> memref<128x128xf32, #tpu.memory_space<vmem_shared>>
      %dma_wait3A_35 = arith.constant 0 : i32
      %dma_wait3A_36 = tpu.memref_slice %arg11[%add3A_12, %dma_wait3A_35] : memref<10240x128xf32, #tpu.memory_space<vmem_shared>> -> memref<128x128xf32, #tpu.memory_space<vmem_shared>>
      tpu.wait_dma2 semaphore(%run_scoped3A : memref<!tpu.dma_semaphore, #tpu.memory_space<semaphore_mem>>) src(%arg10 : memref<128x128xf32, #tpu.memory_space<vmem>>) dst(%dma_wait3A_36 : memref<128x128xf32, #tpu.memory_space<vmem_shared>>)
      tpu.yield
    }) : () -> ()
    %barrier3A = arith.constant 0 : index
    tpu.barrier barrier_id(%barrier3A)
    %mul3A_13 = arith.constant 10240 : i32
    %mul3A_14 = arith.muli %add3A, %mul3A_13 : i32
    %scan3A = arith.constant 0 : i32
    %scan3A_15 = arith.constant 0 : i32
    %scan3A_16 = arith.constant 80 : i32
    %scan3A_17 = arith.addi %scan3A_15, %scan3A_16 : i32
    %scan3A_18 = arith.constant 1 : i32
    scf.for %scan3A_31 = %scan3A_15 to %scan3A_17 step %scan3A_18  : i32 {
      %mul3A_32 = arith.constant 128 : i32
      %mul3A_33 = arith.muli %scan3A_31, %mul3A_32 : i32
      %add3A_34 = arith.addi %mul3A_14, %mul3A_33 : i32
      "tpu.region"() ({
        %run_scoped3A = tpu.sem_alloc : memref<!tpu.dma_semaphore, #tpu.memory_space<semaphore_mem>>
        %dma_start3A_39 = tpu.memref_slice %arg3[%add3A_34] : memref<327680xi32, #tpu.memory_space<hbm>> -> memref<128xi32, #tpu.memory_space<hbm>>
        %dma_start3A_40 = tpu.memref_slice %arg3[%add3A_34] : memref<327680xi32, #tpu.memory_space<hbm>> -> memref<128xi32, #tpu.memory_space<hbm>>
        tpu.enqueue_dma source(%dma_start3A_40 : memref<128xi32, #tpu.memory_space<hbm>>) target(%arg7 : memref<128xi32, #tpu.memory_space<vmem>>) target_semaphore(%run_scoped3A : memref<!tpu.dma_semaphore, #tpu.memory_space<semaphore_mem>>)
        %dma_wait3A_41 = tpu.memref_slice %arg3[%add3A_34] : memref<327680xi32, #tpu.memory_space<hbm>> -> memref<128xi32, #tpu.memory_space<hbm>>
        %dma_wait3A_42 = tpu.memref_slice %arg3[%add3A_34] : memref<327680xi32, #tpu.memory_space<hbm>> -> memref<128xi32, #tpu.memory_space<hbm>>
        tpu.wait_dma2 semaphore(%run_scoped3A : memref<!tpu.dma_semaphore, #tpu.memory_space<semaphore_mem>>) src(%dma_wait3A_42 : memref<128xi32, #tpu.memory_space<hbm>>) dst(%arg7 : memref<128xi32, #tpu.memory_space<vmem>>)
        tpu.yield
      }) : () -> ()
      %dma_start3A = arith.constant 0 : i32
      %dma_start3A_35 = arith.constant 0 : i32
      %dma_start3A_36 = tpu.memref_slice %arg2[%dma_start3A, %dma_start3A_35] : memref<10240x128xf32, #tpu.memory_space<hbm>> -> memref<10240x128xf32, #tpu.memory_space<hbm>>
      tpu.enqueue_indirect_dma source(%dma_start3A_36 : memref<10240x128xf32, #tpu.memory_space<hbm>>) target(%arg9 : memref<128x128xf32, #tpu.memory_space<vmem>>) offsets(%arg7 : memref<128xi32, #tpu.memory_space<vmem>>) semaphore(%arg12 : memref<!tpu.dma_semaphore, #tpu.memory_space<semaphore_mem>>)
      %dma_wait3A = arith.constant 0 : i32
      %dma_wait3A_37 = arith.constant 0 : i32
      %dma_wait3A_38 = tpu.memref_slice %arg2[%dma_wait3A, %dma_wait3A_37] : memref<10240x128xf32, #tpu.memory_space<hbm>> -> memref<10240x128xf32, #tpu.memory_space<hbm>>
      tpu.wait_indirect_dma semaphore(%arg12 : memref<!tpu.dma_semaphore, #tpu.memory_space<semaphore_mem>>) src(%dma_wait3A_38 : memref<10240x128xf32, #tpu.memory_space<hbm>>) dst(%arg9 : memref<128x128xf32, #tpu.memory_space<vmem>>)
      "tpu.region"() ({
        %run_scoped3A = tpu.sem_alloc : memref<!tpu.dma_semaphore, #tpu.memory_space<semaphore_mem>>
        %dma_start3A_39 = tpu.memref_slice %arg4[%add3A_34] : memref<327680xi32, #tpu.memory_space<hbm>> -> memref<128xi32, #tpu.memory_space<hbm>>
        %dma_start3A_40 = tpu.memref_slice %arg4[%add3A_34] : memref<327680xi32, #tpu.memory_space<hbm>> -> memref<128xi32, #tpu.memory_space<hbm>>
        tpu.enqueue_dma source(%dma_start3A_40 : memref<128xi32, #tpu.memory_space<hbm>>) target(%arg8 : memref<128xi32, #tpu.memory_space<vmem>>) target_semaphore(%run_scoped3A : memref<!tpu.dma_semaphore, #tpu.memory_space<semaphore_mem>>)
        %dma_wait3A_41 = tpu.memref_slice %arg4[%add3A_34] : memref<327680xi32, #tpu.memory_space<hbm>> -> memref<128xi32, #tpu.memory_space<hbm>>
        %dma_wait3A_42 = tpu.memref_slice %arg4[%add3A_34] : memref<327680xi32, #tpu.memory_space<hbm>> -> memref<128xi32, #tpu.memory_space<hbm>>
        tpu.wait_dma2 semaphore(%run_scoped3A : memref<!tpu.dma_semaphore, #tpu.memory_space<semaphore_mem>>) src(%dma_wait3A_42 : memref<128xi32, #tpu.memory_space<hbm>>) dst(%arg8 : memref<128xi32, #tpu.memory_space<vmem>>)
        tpu.yield
      }) : () -> ()
      "tpu.region"() ({
        %run_scoped3A = tpu.sem_alloc : memref<!tpu.dma_semaphore, #tpu.memory_space<semaphore_mem>>
        %dma_start3A_39 = arith.constant 0 : i32
        %dma_start3A_40 = arith.constant 0 : i32
        %dma_start3A_41 = tpu.memref_slice %arg11[%dma_start3A_39, %dma_start3A_40] : memref<10240x128xf32, #tpu.memory_space<vmem_shared>> -> memref<10240x128xf32, #tpu.memory_space<vmem_shared>>
        tpu.enqueue_indirect_dma source(%arg9 : memref<128x128xf32, #tpu.memory_space<vmem>>) target(%dma_start3A_41 : memref<10240x128xf32, #tpu.memory_space<vmem_shared>>) offsets(%arg8 : memref<128xi32, #tpu.memory_space<vmem>>) semaphore(%run_scoped3A : memref<!tpu.dma_semaphore, #tpu.memory_space<semaphore_mem>>) {add = true}
        %dma_wait3A_42 = arith.constant 0 : i32
        %dma_wait3A_43 = arith.constant 0 : i32
        %dma_wait3A_44 = tpu.memref_slice %arg11[%dma_wait3A_42, %dma_wait3A_43] : memref<10240x128xf32, #tpu.memory_space<vmem_shared>> -> memref<10240x128xf32, #tpu.memory_space<vmem_shared>>
        tpu.wait_indirect_dma semaphore(%run_scoped3A : memref<!tpu.dma_semaphore, #tpu.memory_space<semaphore_mem>>) src(%arg9 : memref<128x128xf32, #tpu.memory_space<vmem>>) dst(%dma_wait3A_44 : memref<10240x128xf32, #tpu.memory_space<vmem_shared>>)
        tpu.yield
      }) : () -> ()
    }
    %scan3A_19 = arith.constant 80 : i32
    %barrier3A_20 = arith.constant 0 : index
    tpu.barrier barrier_id(%barrier3A_20)
    %add3A_21 = arith.constant 0 : i32
    %add3A_22 = arith.addi %mul3A_2, %add3A_21 : i32
    "tpu.region"() ({
      %run_scoped3A = tpu.sem_alloc : memref<!tpu.dma_semaphore, #tpu.memory_space<semaphore_mem>>
      %dma_start3A = arith.constant 0 : i32
      %dma_start3A_31 = tpu.memref_slice %arg11[%add3A_22, %dma_start3A] : memref<10240x128xf32, #tpu.memory_space<vmem_shared>> -> memref<128x128xf32, #tpu.memory_space<vmem_shared>>
      %dma_start3A_32 = arith.constant 0 : i32
      %dma_start3A_33 = tpu.memref_slice %arg11[%add3A_22, %dma_start3A_32] : memref<10240x128xf32, #tpu.memory_space<vmem_shared>> -> memref<128x128xf32, #tpu.memory_space<vmem_shared>>
      tpu.enqueue_dma source(%dma_start3A_33 : memref<128x128xf32, #tpu.memory_space<vmem_shared>>) target(%arg9 : memref<128x128xf32, #tpu.memory_space<vmem>>) target_semaphore(%run_scoped3A : memref<!tpu.dma_semaphore, #tpu.memory_space<semaphore_mem>>)
      %dma_wait3A = arith.constant 0 : i32
      %dma_wait3A_34 = tpu.memref_slice %arg11[%add3A_22, %dma_wait3A] : memref<10240x128xf32, #tpu.memory_space<vmem_shared>> -> memref<128x128xf32, #tpu.memory_space<vmem_shared>>
      %dma_wait3A_35 = arith.constant 0 : i32
      %dma_wait3A_36 = tpu.memref_slice %arg11[%add3A_22, %dma_wait3A_35] : memref<10240x128xf32, #tpu.memory_space<vmem_shared>> -> memref<128x128xf32, #tpu.memory_space<vmem_shared>>
      tpu.wait_dma2 semaphore(%run_scoped3A : memref<!tpu.dma_semaphore, #tpu.memory_space<semaphore_mem>>) src(%dma_wait3A_36 : memref<128x128xf32, #tpu.memory_space<vmem_shared>>) dst(%arg9 : memref<128x128xf32, #tpu.memory_space<vmem>>)
      tpu.yield
    }) : () -> ()
    "tpu.region"() ({
      %run_scoped3A = tpu.sem_alloc : memref<!tpu.dma_semaphore, #tpu.memory_space<semaphore_mem>>
      %dma_start3A = arith.constant 0 : i32
      %dma_start3A_31 = tpu.memref_slice %arg6[%arg0, %add3A_22, %dma_start3A] : memref<2x10240x128xf32, #tpu.memory_space<hbm>> -> memref<1x128x128xf32, #tpu.memory_space<hbm>>
      %dma_start3A_32 = tpu.memref_squeeze %dma_start3A_31 : memref<1x128x128xf32, #tpu.memory_space<hbm>> -> memref<128x128xf32, #tpu.memory_space<hbm>>
      %dma_start3A_33 = arith.constant 0 : i32
      %dma_start3A_34 = tpu.memref_slice %arg6[%arg0, %add3A_22, %dma_start3A_33] : memref<2x10240x128xf32, #tpu.memory_space<hbm>> -> memref<1x128x128xf32, #tpu.memory_space<hbm>>
      %dma_start3A_35 = tpu.memref_squeeze %dma_start3A_34 : memref<1x128x128xf32, #tpu.memory_space<hbm>> -> memref<128x128xf32, #tpu.memory_space<hbm>>
      tpu.enqueue_dma source(%arg9 : memref<128x128xf32, #tpu.memory_space<vmem>>) target(%dma_start3A_35 : memref<128x128xf32, #tpu.memory_space<hbm>>) target_semaphore(%run_scoped3A : memref<!tpu.dma_semaphore, #tpu.memory_space<semaphore_mem>>)
      %dma_wait3A = arith.constant 0 : i32
      %dma_wait3A_36 = tpu.memref_slice %arg6[%arg0, %add3A_22, %dma_wait3A] : memref<2x10240x128xf32, #tpu.memory_space<hbm>> -> memref<1x128x128xf32, #tpu.memory_space<hbm>>
      %dma_wait3A_37 = tpu.memref_squeeze %dma_wait3A_36 : memref<1x128x128xf32, #tpu.memory_space<hbm>> -> memref<128x128xf32, #tpu.memory_space<hbm>>
      %dma_wait3A_38 = arith.constant 0 : i32
      %dma_wait3A_39 = tpu.memref_slice %arg6[%arg0, %add3A_22, %dma_wait3A_38] : memref<2x10240x128xf32, #tpu.memory_space<hbm>> -> memref<1x128x128xf32, #tpu.memory_space<hbm>>
      %dma_wait3A_40 = tpu.memref_squeeze %dma_wait3A_39 : memref<1x128x128xf32, #tpu.memory_space<hbm>> -> memref<128x128xf32, #tpu.memory_space<hbm>>
      tpu.wait_dma2 semaphore(%run_scoped3A : memref<!tpu.dma_semaphore, #tpu.memory_space<semaphore_mem>>) src(%arg9 : memref<128x128xf32, #tpu.memory_space<vmem>>) dst(%dma_wait3A_40 : memref<128x128xf32, #tpu.memory_space<hbm>>)
      tpu.yield
    }) : () -> ()
    %add3A_23 = arith.constant 128 : i32
    %add3A_24 = arith.addi %mul3A_2, %add3A_23 : i32
    "tpu.region"() ({
      %run_scoped3A = tpu.sem_alloc : memref<!tpu.dma_semaphore, #tpu.memory_space<semaphore_mem>>
      %dma_start3A = arith.constant 0 : i32
      %dma_start3A_31 = tpu.memref_slice %arg11[%add3A_24, %dma_start3A] : memref<10240x128xf32, #tpu.memory_space<vmem_shared>> -> memref<128x128xf32, #tpu.memory_space<vmem_shared>>
      %dma_start3A_32 = arith.constant 0 : i32
      %dma_start3A_33 = tpu.memref_slice %arg11[%add3A_24, %dma_start3A_32] : memref<10240x128xf32, #tpu.memory_space<vmem_shared>> -> memref<128x128xf32, #tpu.memory_space<vmem_shared>>
      tpu.enqueue_dma source(%dma_start3A_33 : memref<128x128xf32, #tpu.memory_space<vmem_shared>>) target(%arg9 : memref<128x128xf32, #tpu.memory_space<vmem>>) target_semaphore(%run_scoped3A : memref<!tpu.dma_semaphore, #tpu.memory_space<semaphore_mem>>)
      %dma_wait3A = arith.constant 0 : i32
      %dma_wait3A_34 = tpu.memref_slice %arg11[%add3A_24, %dma_wait3A] : memref<10240x128xf32, #tpu.memory_space<vmem_shared>> -> memref<128x128xf32, #tpu.memory_space<vmem_shared>>
      %dma_wait3A_35 = arith.constant 0 : i32
      %dma_wait3A_36 = tpu.memref_slice %arg11[%add3A_24, %dma_wait3A_35] : memref<10240x128xf32, #tpu.memory_space<vmem_shared>> -> memref<128x128xf32, #tpu.memory_space<vmem_shared>>
      tpu.wait_dma2 semaphore(%run_scoped3A : memref<!tpu.dma_semaphore, #tpu.memory_space<semaphore_mem>>) src(%dma_wait3A_36 : memref<128x128xf32, #tpu.memory_space<vmem_shared>>) dst(%arg9 : memref<128x128xf32, #tpu.memory_space<vmem>>)
      tpu.yield
    }) : () -> ()
    "tpu.region"() ({
      %run_scoped3A = tpu.sem_alloc : memref<!tpu.dma_semaphore, #tpu.memory_space<semaphore_mem>>
      %dma_start3A = arith.constant 0 : i32
      %dma_start3A_31 = tpu.memref_slice %arg6[%arg0, %add3A_24, %dma_start3A] : memref<2x10240x128xf32, #tpu.memory_space<hbm>> -> memref<1x128x128xf32, #tpu.memory_space<hbm>>
      %dma_start3A_32 = tpu.memref_squeeze %dma_start3A_31 : memref<1x128x128xf32, #tpu.memory_space<hbm>> -> memref<128x128xf32, #tpu.memory_space<hbm>>
      %dma_start3A_33 = arith.constant 0 : i32
      %dma_start3A_34 = tpu.memref_slice %arg6[%arg0, %add3A_24, %dma_start3A_33] : memref<2x10240x128xf32, #tpu.memory_space<hbm>> -> memref<1x128x128xf32, #tpu.memory_space<hbm>>
      %dma_start3A_35 = tpu.memref_squeeze %dma_start3A_34 : memref<1x128x128xf32, #tpu.memory_space<hbm>> -> memref<128x128xf32, #tpu.memory_space<hbm>>
      tpu.enqueue_dma source(%arg9 : memref<128x128xf32, #tpu.memory_space<vmem>>) target(%dma_start3A_35 : memref<128x128xf32, #tpu.memory_space<hbm>>) target_semaphore(%run_scoped3A : memref<!tpu.dma_semaphore, #tpu.memory_space<semaphore_mem>>)
      %dma_wait3A = arith.constant 0 : i32
      %dma_wait3A_36 = tpu.memref_slice %arg6[%arg0, %add3A_24, %dma_wait3A] : memref<2x10240x128xf32, #tpu.memory_space<hbm>> -> memref<1x128x128xf32, #tpu.memory_space<hbm>>
      %dma_wait3A_37 = tpu.memref_squeeze %dma_wait3A_36 : memref<1x128x128xf32, #tpu.memory_space<hbm>> -> memref<128x128xf32, #tpu.memory_space<hbm>>
      %dma_wait3A_38 = arith.constant 0 : i32
      %dma_wait3A_39 = tpu.memref_slice %arg6[%arg0, %add3A_24, %dma_wait3A_38] : memref<2x10240x128xf32, #tpu.memory_space<hbm>> -> memref<1x128x128xf32, #tpu.memory_space<hbm>>
      %dma_wait3A_40 = tpu.memref_squeeze %dma_wait3A_39 : memref<1x128x128xf32, #tpu.memory_space<hbm>> -> memref<128x128xf32, #tpu.memory_space<hbm>>
      tpu.wait_dma2 semaphore(%run_scoped3A : memref<!tpu.dma_semaphore, #tpu.memory_space<semaphore_mem>>) src(%arg9 : memref<128x128xf32, #tpu.memory_space<vmem>>) dst(%dma_wait3A_40 : memref<128x128xf32, #tpu.memory_space<hbm>>)
      tpu.yield
    }) : () -> ()
    %add3A_25 = arith.constant 256 : i32
    %add3A_26 = arith.addi %mul3A_2, %add3A_25 : i32
    "tpu.region"() ({
      %run_scoped3A = tpu.sem_alloc : memref<!tpu.dma_semaphore, #tpu.memory_space<semaphore_mem>>
      %dma_start3A = arith.constant 0 : i32
      %dma_start3A_31 = tpu.memref_slice %arg11[%add3A_26, %dma_start3A] : memref<10240x128xf32, #tpu.memory_space<vmem_shared>> -> memref<128x128xf32, #tpu.memory_space<vmem_shared>>
      %dma_start3A_32 = arith.constant 0 : i32
      %dma_start3A_33 = tpu.memref_slice %arg11[%add3A_26, %dma_start3A_32] : memref<10240x128xf32, #tpu.memory_space<vmem_shared>> -> memref<128x128xf32, #tpu.memory_space<vmem_shared>>
      tpu.enqueue_dma source(%dma_start3A_33 : memref<128x128xf32, #tpu.memory_space<vmem_shared>>) target(%arg9 : memref<128x128xf32, #tpu.memory_space<vmem>>) target_semaphore(%run_scoped3A : memref<!tpu.dma_semaphore, #tpu.memory_space<semaphore_mem>>)
      %dma_wait3A = arith.constant 0 : i32
      %dma_wait3A_34 = tpu.memref_slice %arg11[%add3A_26, %dma_wait3A] : memref<10240x128xf32, #tpu.memory_space<vmem_shared>> -> memref<128x128xf32, #tpu.memory_space<vmem_shared>>
      %dma_wait3A_35 = arith.constant 0 : i32
      %dma_wait3A_36 = tpu.memref_slice %arg11[%add3A_26, %dma_wait3A_35] : memref<10240x128xf32, #tpu.memory_space<vmem_shared>> -> memref<128x128xf32, #tpu.memory_space<vmem_shared>>
      tpu.wait_dma2 semaphore(%run_scoped3A : memref<!tpu.dma_semaphore, #tpu.memory_space<semaphore_mem>>) src(%dma_wait3A_36 : memref<128x128xf32, #tpu.memory_space<vmem_shared>>) dst(%arg9 : memref<128x128xf32, #tpu.memory_space<vmem>>)
      tpu.yield
    }) : () -> ()
    "tpu.region"() ({
      %run_scoped3A = tpu.sem_alloc : memref<!tpu.dma_semaphore, #tpu.memory_space<semaphore_mem>>
      %dma_start3A = arith.constant 0 : i32
      %dma_start3A_31 = tpu.memref_slice %arg6[%arg0, %add3A_26, %dma_start3A] : memref<2x10240x128xf32, #tpu.memory_space<hbm>> -> memref<1x128x128xf32, #tpu.memory_space<hbm>>
      %dma_start3A_32 = tpu.memref_squeeze %dma_start3A_31 : memref<1x128x128xf32, #tpu.memory_space<hbm>> -> memref<128x128xf32, #tpu.memory_space<hbm>>
      %dma_start3A_33 = arith.constant 0 : i32
      %dma_start3A_34 = tpu.memref_slice %arg6[%arg0, %add3A_26, %dma_start3A_33] : memref<2x10240x128xf32, #tpu.memory_space<hbm>> -> memref<1x128x128xf32, #tpu.memory_space<hbm>>
      %dma_start3A_35 = tpu.memref_squeeze %dma_start3A_34 : memref<1x128x128xf32, #tpu.memory_space<hbm>> -> memref<128x128xf32, #tpu.memory_space<hbm>>
      tpu.enqueue_dma source(%arg9 : memref<128x128xf32, #tpu.memory_space<vmem>>) target(%dma_start3A_35 : memref<128x128xf32, #tpu.memory_space<hbm>>) target_semaphore(%run_scoped3A : memref<!tpu.dma_semaphore, #tpu.memory_space<semaphore_mem>>)
      %dma_wait3A = arith.constant 0 : i32
      %dma_wait3A_36 = tpu.memref_slice %arg6[%arg0, %add3A_26, %dma_wait3A] : memref<2x10240x128xf32, #tpu.memory_space<hbm>> -> memref<1x128x128xf32, #tpu.memory_space<hbm>>
      %dma_wait3A_37 = tpu.memref_squeeze %dma_wait3A_36 : memref<1x128x128xf32, #tpu.memory_space<hbm>> -> memref<128x128xf32, #tpu.memory_space<hbm>>
      %dma_wait3A_38 = arith.constant 0 : i32
      %dma_wait3A_39 = tpu.memref_slice %arg6[%arg0, %add3A_26, %dma_wait3A_38] : memref<2x10240x128xf32, #tpu.memory_space<hbm>> -> memref<1x128x128xf32, #tpu.memory_space<hbm>>
      %dma_wait3A_40 = tpu.memref_squeeze %dma_wait3A_39 : memref<1x128x128xf32, #tpu.memory_space<hbm>> -> memref<128x128xf32, #tpu.memory_space<hbm>>
      tpu.wait_dma2 semaphore(%run_scoped3A : memref<!tpu.dma_semaphore, #tpu.memory_space<semaphore_mem>>) src(%arg9 : memref<128x128xf32, #tpu.memory_space<vmem>>) dst(%dma_wait3A_40 : memref<128x128xf32, #tpu.memory_space<hbm>>)
      tpu.yield
    }) : () -> ()
    %add3A_27 = arith.constant 384 : i32
    %add3A_28 = arith.addi %mul3A_2, %add3A_27 : i32
    "tpu.region"() ({
      %run_scoped3A = tpu.sem_alloc : memref<!tpu.dma_semaphore, #tpu.memory_space<semaphore_mem>>
      %dma_start3A = arith.constant 0 : i32
      %dma_start3A_31 = tpu.memref_slice %arg11[%add3A_28, %dma_start3A] : memref<10240x128xf32, #tpu.memory_space<vmem_shared>> -> memref<128x128xf32, #tpu.memory_space<vmem_shared>>
      %dma_start3A_32 = arith.constant 0 : i32
      %dma_start3A_33 = tpu.memref_slice %arg11[%add3A_28, %dma_start3A_32] : memref<10240x128xf32, #tpu.memory_space<vmem_shared>> -> memref<128x128xf32, #tpu.memory_space<vmem_shared>>
      tpu.enqueue_dma source(%dma_start3A_33 : memref<128x128xf32, #tpu.memory_space<vmem_shared>>) target(%arg9 : memref<128x128xf32, #tpu.memory_space<vmem>>) target_semaphore(%run_scoped3A : memref<!tpu.dma_semaphore, #tpu.memory_space<semaphore_mem>>)
      %dma_wait3A = arith.constant 0 : i32
      %dma_wait3A_34 = tpu.memref_slice %arg11[%add3A_28, %dma_wait3A] : memref<10240x128xf32, #tpu.memory_space<vmem_shared>> -> memref<128x128xf32, #tpu.memory_space<vmem_shared>>
      %dma_wait3A_35 = arith.constant 0 : i32
      %dma_wait3A_36 = tpu.memref_slice %arg11[%add3A_28, %dma_wait3A_35] : memref<10240x128xf32, #tpu.memory_space<vmem_shared>> -> memref<128x128xf32, #tpu.memory_space<vmem_shared>>
      tpu.wait_dma2 semaphore(%run_scoped3A : memref<!tpu.dma_semaphore, #tpu.memory_space<semaphore_mem>>) src(%dma_wait3A_36 : memref<128x128xf32, #tpu.memory_space<vmem_shared>>) dst(%arg9 : memref<128x128xf32, #tpu.memory_space<vmem>>)
      tpu.yield
    }) : () -> ()
    "tpu.region"() ({
      %run_scoped3A = tpu.sem_alloc : memref<!tpu.dma_semaphore, #tpu.memory_space<semaphore_mem>>
      %dma_start3A = arith.constant 0 : i32
      %dma_start3A_31 = tpu.memref_slice %arg6[%arg0, %add3A_28, %dma_start3A] : memref<2x10240x128xf32, #tpu.memory_space<hbm>> -> memref<1x128x128xf32, #tpu.memory_space<hbm>>
      %dma_start3A_32 = tpu.memref_squeeze %dma_start3A_31 : memref<1x128x128xf32, #tpu.memory_space<hbm>> -> memref<128x128xf32, #tpu.memory_space<hbm>>
      %dma_start3A_33 = arith.constant 0 : i32
      %dma_start3A_34 = tpu.memref_slice %arg6[%arg0, %add3A_28, %dma_start3A_33] : memref<2x10240x128xf32, #tpu.memory_space<hbm>> -> memref<1x128x128xf32, #tpu.memory_space<hbm>>
      %dma_start3A_35 = tpu.memref_squeeze %dma_start3A_34 : memref<1x128x128xf32, #tpu.memory_space<hbm>> -> memref<128x128xf32, #tpu.memory_space<hbm>>
      tpu.enqueue_dma source(%arg9 : memref<128x128xf32, #tpu.memory_space<vmem>>) target(%dma_start3A_35 : memref<128x128xf32, #tpu.memory_space<hbm>>) target_semaphore(%run_scoped3A : memref<!tpu.dma_semaphore, #tpu.memory_space<semaphore_mem>>)
      %dma_wait3A = arith.constant 0 : i32
      %dma_wait3A_36 = tpu.memref_slice %arg6[%arg0, %add3A_28, %dma_wait3A] : memref<2x10240x128xf32, #tpu.memory_space<hbm>> -> memref<1x128x128xf32, #tpu.memory_space<hbm>>
      %dma_wait3A_37 = tpu.memref_squeeze %dma_wait3A_36 : memref<1x128x128xf32, #tpu.memory_space<hbm>> -> memref<128x128xf32, #tpu.memory_space<hbm>>
      %dma_wait3A_38 = arith.constant 0 : i32
      %dma_wait3A_39 = tpu.memref_slice %arg6[%arg0, %add3A_28, %dma_wait3A_38] : memref<2x10240x128xf32, #tpu.memory_space<hbm>> -> memref<1x128x128xf32, #tpu.memory_space<hbm>>
      %dma_wait3A_40 = tpu.memref_squeeze %dma_wait3A_39 : memref<1x128x128xf32, #tpu.memory_space<hbm>> -> memref<128x128xf32, #tpu.memory_space<hbm>>
      tpu.wait_dma2 semaphore(%run_scoped3A : memref<!tpu.dma_semaphore, #tpu.memory_space<semaphore_mem>>) src(%arg9 : memref<128x128xf32, #tpu.memory_space<vmem>>) dst(%dma_wait3A_40 : memref<128x128xf32, #tpu.memory_space<hbm>>)
      tpu.yield
    }) : () -> ()
    %add3A_29 = arith.constant 512 : i32
    %add3A_30 = arith.addi %mul3A_2, %add3A_29 : i32
    "tpu.region"() ({
      %run_scoped3A = tpu.sem_alloc : memref<!tpu.dma_semaphore, #tpu.memory_space<semaphore_mem>>
      %dma_start3A = arith.constant 0 : i32
      %dma_start3A_31 = tpu.memref_slice %arg11[%add3A_30, %dma_start3A] : memref<10240x128xf32, #tpu.memory_space<vmem_shared>> -> memref<128x128xf32, #tpu.memory_space<vmem_shared>>
      %dma_start3A_32 = arith.constant 0 : i32
      %dma_start3A_33 = tpu.memref_slice %arg11[%add3A_30, %dma_start3A_32] : memref<10240x128xf32, #tpu.memory_space<vmem_shared>> -> memref<128x128xf32, #tpu.memory_space<vmem_shared>>
      tpu.enqueue_dma source(%dma_start3A_33 : memref<128x128xf32, #tpu.memory_space<vmem_shared>>) target(%arg9 : memref<128x128xf32, #tpu.memory_space<vmem>>) target_semaphore(%run_scoped3A : memref<!tpu.dma_semaphore, #tpu.memory_space<semaphore_mem>>)
      %dma_wait3A = arith.constant 0 : i32
      %dma_wait3A_34 = tpu.memref_slice %arg11[%add3A_30, %dma_wait3A] : memref<10240x128xf32, #tpu.memory_space<vmem_shared>> -> memref<128x128xf32, #tpu.memory_space<vmem_shared>>
      %dma_wait3A_35 = arith.constant 0 : i32
      %dma_wait3A_36 = tpu.memref_slice %arg11[%add3A_30, %dma_wait3A_35] : memref<10240x128xf32, #tpu.memory_space<vmem_shared>> -> memref<128x128xf32, #tpu.memory_space<vmem_shared>>
      tpu.wait_dma2 semaphore(%run_scoped3A : memref<!tpu.dma_semaphore, #tpu.memory_space<semaphore_mem>>) src(%dma_wait3A_36 : memref<128x128xf32, #tpu.memory_space<vmem_shared>>) dst(%arg9 : memref<128x128xf32, #tpu.memory_space<vmem>>)
      tpu.yield
    }) : () -> ()
    "tpu.region"() ({
      %run_scoped3A = tpu.sem_alloc : memref<!tpu.dma_semaphore, #tpu.memory_space<semaphore_mem>>
      %dma_start3A = arith.constant 0 : i32
      %dma_start3A_31 = tpu.memref_slice %arg6[%arg0, %add3A_30, %dma_start3A] : memref<2x10240x128xf32, #tpu.memory_space<hbm>> -> memref<1x128x128xf32, #tpu.memory_space<hbm>>
      %dma_start3A_32 = tpu.memref_squeeze %dma_start3A_31 : memref<1x128x128xf32, #tpu.memory_space<hbm>> -> memref<128x128xf32, #tpu.memory_space<hbm>>
      %dma_start3A_33 = arith.constant 0 : i32
      %dma_start3A_34 = tpu.memref_slice %arg6[%arg0, %add3A_30, %dma_start3A_33] : memref<2x10240x128xf32, #tpu.memory_space<hbm>> -> memref<1x128x128xf32, #tpu.memory_space<hbm>>
      %dma_start3A_35 = tpu.memref_squeeze %dma_start3A_34 : memref<1x128x128xf32, #tpu.memory_space<hbm>> -> memref<128x128xf32, #tpu.memory_space<hbm>>
      tpu.enqueue_dma source(%arg9 : memref<128x128xf32, #tpu.memory_space<vmem>>) target(%dma_start3A_35 : memref<128x128xf32, #tpu.memory_space<hbm>>) target_semaphore(%run_scoped3A : memref<!tpu.dma_semaphore, #tpu.memory_space<semaphore_mem>>)
      %dma_wait3A = arith.constant 0 : i32
      %dma_wait3A_36 = tpu.memref_slice %arg6[%arg0, %add3A_30, %dma_wait3A] : memref<2x10240x128xf32, #tpu.memory_space<hbm>> -> memref<1x128x128xf32, #tpu.memory_space<hbm>>
      %dma_wait3A_37 = tpu.memref_squeeze %dma_wait3A_36 : memref<1x128x128xf32, #tpu.memory_space<hbm>> -> memref<128x128xf32, #tpu.memory_space<hbm>>
      %dma_wait3A_38 = arith.constant 0 : i32
      %dma_wait3A_39 = tpu.memref_slice %arg6[%arg0, %add3A_30, %dma_wait3A_38] : memref<2x10240x128xf32, #tpu.memory_space<hbm>> -> memref<1x128x128xf32, #tpu.memory_space<hbm>>
      %dma_wait3A_40 = tpu.memref_squeeze %dma_wait3A_39 : memref<1x128x128xf32, #tpu.memory_space<hbm>> -> memref<128x128xf32, #tpu.memory_space<hbm>>
      tpu.wait_dma2 semaphore(%run_scoped3A : memref<!tpu.dma_semaphore, #tpu.memory_space<semaphore_mem>>) src(%arg9 : memref<128x128xf32, #tpu.memory_space<vmem>>) dst(%dma_wait3A_40 : memref<128x128xf32, #tpu.memory_space<hbm>>)
      tpu.yield
    }) : () -> ()
    return
  }
}

#map = affine_map<(d0, d1) -> (0, 0)>
#map1 = affine_map<(d0, d1) -> (0)>
#map2 = affine_map<(d0, d1) -> (0, 0, 0)>
module attributes {stable_mosaic.version = 14 : i64} {
  func.func @_agg_body(%arg0: i32, %arg1: i32, %arg2: memref<10240x128xf32, #tpu.memory_space<hbm>>, %arg3: memref<327680xi32, #tpu.memory_space<hbm>>, %arg4: memref<327680xi32, #tpu.memory_space<hbm>>, %arg5: memref<128x128xf32, #tpu.memory_space<hbm>>, %arg6: memref<2x10240x128xf32, #tpu.memory_space<hbm>>, %arg7: memref<128xi32, #tpu.memory_space<vmem>>, %arg8: memref<128xi32, #tpu.memory_space<vmem>>, %arg9: memref<128x128xf32, #tpu.memory_space<vmem>>, %arg10: memref<128x128xf32, #tpu.memory_space<vmem>>, %arg11: memref<10240x128xf32, #tpu.memory_space<vmem_shared>>, %arg12: memref<!tpu.dma_semaphore, #tpu.memory_space<semaphore_mem>>) attributes {dimension_semantics = [#tpu.dimension_semantics<core_parallel>, #tpu.dimension_semantics<subcore_parallel>], iteration_bounds = array<i64: 2, 16>, scalar_prefetch = 0 : i64, scratch_operands = 6 : i64, tpu.core_type = #tpu.core_type<sc_vector_subcore>, window_params = [{transform_indices = #map}, {transform_indices = #map1}, {transform_indices = #map1}, {transform_indices = #map}, {transform_indices = #map2}]} {
    %mul3A = arith.constant 2 : i32
    %mul3A_0 = arith.muli %arg1, %mul3A : i32
    %add3A = arith.addi %mul3A_0, %arg0 : i32
    "tpu.region"() ({
      %run_scoped3A = tpu.sem_alloc : memref<!tpu.dma_semaphore, #tpu.memory_space<semaphore_mem>>
      tpu.enqueue_dma source(%arg5 : memref<128x128xf32, #tpu.memory_space<hbm>>) target(%arg10 : memref<128x128xf32, #tpu.memory_space<vmem>>) target_semaphore(%run_scoped3A : memref<!tpu.dma_semaphore, #tpu.memory_space<semaphore_mem>>)
      tpu.wait_dma2 semaphore(%run_scoped3A : memref<!tpu.dma_semaphore, #tpu.memory_space<semaphore_mem>>) src(%arg5 : memref<128x128xf32, #tpu.memory_space<hbm>>) dst(%arg10 : memref<128x128xf32, #tpu.memory_space<vmem>>)
      tpu.yield
    }) : () -> ()
    %mul3A_1 = arith.constant 640 : i32
    %mul3A_2 = arith.muli %arg1, %mul3A_1 : i32
    %add3A_3 = arith.constant 0 : i32
    %add3A_4 = arith.addi %mul3A_2, %add3A_3 : i32
    "tpu.region"() ({
      %run_scoped3A = tpu.sem_alloc : memref<!tpu.dma_semaphore, #tpu.memory_space<semaphore_mem>>
      %dma_start3A = arith.constant 0 : i32
      %dma_start3A_31 = tpu.memref_slice %arg11[%add3A_4, %dma_start3A] : memref<10240x128xf32, #tpu.memory_space<vmem_shared>> -> memref<128x128xf32, #tpu.memory_space<vmem_shared>>
      %dma_start3A_32 = arith.constant 0 : i32
      %dma_start3A_33 = tpu.memref_slice %arg11[%add3A_4, %dma_start3A_32] : memref<10240x128xf32, #tpu.memory_space<vmem_shared>> -> memref<128x128xf32, #tpu.memory_space<vmem_shared>>
      tpu.enqueue_dma source(%arg10 : memref<128x128xf32, #tpu.memory_space<vmem>>) target(%dma_start3A_33 : memref<128x128xf32, #tpu.memory_space<vmem_shared>>) target_semaphore(%run_scoped3A : memref<!tpu.dma_semaphore, #tpu.memory_space<semaphore_mem>>)
      %dma_wait3A = arith.constant 0 : i32
      %dma_wait3A_34 = tpu.memref_slice %arg11[%add3A_4, %dma_wait3A] : memref<10240x128xf32, #tpu.memory_space<vmem_shared>> -> memref<128x128xf32, #tpu.memory_space<vmem_shared>>
      %dma_wait3A_35 = arith.constant 0 : i32
      %dma_wait3A_36 = tpu.memref_slice %arg11[%add3A_4, %dma_wait3A_35] : memref<10240x128xf32, #tpu.memory_space<vmem_shared>> -> memref<128x128xf32, #tpu.memory_space<vmem_shared>>
      tpu.wait_dma2 semaphore(%run_scoped3A : memref<!tpu.dma_semaphore, #tpu.memory_space<semaphore_mem>>) src(%arg10 : memref<128x128xf32, #tpu.memory_space<vmem>>) dst(%dma_wait3A_36 : memref<128x128xf32, #tpu.memory_space<vmem_shared>>)
      tpu.yield
    }) : () -> ()
    %add3A_5 = arith.constant 128 : i32
    %add3A_6 = arith.addi %mul3A_2, %add3A_5 : i32
    "tpu.region"() ({
      %run_scoped3A = tpu.sem_alloc : memref<!tpu.dma_semaphore, #tpu.memory_space<semaphore_mem>>
      %dma_start3A = arith.constant 0 : i32
      %dma_start3A_31 = tpu.memref_slice %arg11[%add3A_6, %dma_start3A] : memref<10240x128xf32, #tpu.memory_space<vmem_shared>> -> memref<128x128xf32, #tpu.memory_space<vmem_shared>>
      %dma_start3A_32 = arith.constant 0 : i32
      %dma_start3A_33 = tpu.memref_slice %arg11[%add3A_6, %dma_start3A_32] : memref<10240x128xf32, #tpu.memory_space<vmem_shared>> -> memref<128x128xf32, #tpu.memory_space<vmem_shared>>
      tpu.enqueue_dma source(%arg10 : memref<128x128xf32, #tpu.memory_space<vmem>>) target(%dma_start3A_33 : memref<128x128xf32, #tpu.memory_space<vmem_shared>>) target_semaphore(%run_scoped3A : memref<!tpu.dma_semaphore, #tpu.memory_space<semaphore_mem>>)
      %dma_wait3A = arith.constant 0 : i32
      %dma_wait3A_34 = tpu.memref_slice %arg11[%add3A_6, %dma_wait3A] : memref<10240x128xf32, #tpu.memory_space<vmem_shared>> -> memref<128x128xf32, #tpu.memory_space<vmem_shared>>
      %dma_wait3A_35 = arith.constant 0 : i32
      %dma_wait3A_36 = tpu.memref_slice %arg11[%add3A_6, %dma_wait3A_35] : memref<10240x128xf32, #tpu.memory_space<vmem_shared>> -> memref<128x128xf32, #tpu.memory_space<vmem_shared>>
      tpu.wait_dma2 semaphore(%run_scoped3A : memref<!tpu.dma_semaphore, #tpu.memory_space<semaphore_mem>>) src(%arg10 : memref<128x128xf32, #tpu.memory_space<vmem>>) dst(%dma_wait3A_36 : memref<128x128xf32, #tpu.memory_space<vmem_shared>>)
      tpu.yield
    }) : () -> ()
    %add3A_7 = arith.constant 256 : i32
    %add3A_8 = arith.addi %mul3A_2, %add3A_7 : i32
    "tpu.region"() ({
      %run_scoped3A = tpu.sem_alloc : memref<!tpu.dma_semaphore, #tpu.memory_space<semaphore_mem>>
      %dma_start3A = arith.constant 0 : i32
      %dma_start3A_31 = tpu.memref_slice %arg11[%add3A_8, %dma_start3A] : memref<10240x128xf32, #tpu.memory_space<vmem_shared>> -> memref<128x128xf32, #tpu.memory_space<vmem_shared>>
      %dma_start3A_32 = arith.constant 0 : i32
      %dma_start3A_33 = tpu.memref_slice %arg11[%add3A_8, %dma_start3A_32] : memref<10240x128xf32, #tpu.memory_space<vmem_shared>> -> memref<128x128xf32, #tpu.memory_space<vmem_shared>>
      tpu.enqueue_dma source(%arg10 : memref<128x128xf32, #tpu.memory_space<vmem>>) target(%dma_start3A_33 : memref<128x128xf32, #tpu.memory_space<vmem_shared>>) target_semaphore(%run_scoped3A : memref<!tpu.dma_semaphore, #tpu.memory_space<semaphore_mem>>)
      %dma_wait3A = arith.constant 0 : i32
      %dma_wait3A_34 = tpu.memref_slice %arg11[%add3A_8, %dma_wait3A] : memref<10240x128xf32, #tpu.memory_space<vmem_shared>> -> memref<128x128xf32, #tpu.memory_space<vmem_shared>>
      %dma_wait3A_35 = arith.constant 0 : i32
      %dma_wait3A_36 = tpu.memref_slice %arg11[%add3A_8, %dma_wait3A_35] : memref<10240x128xf32, #tpu.memory_space<vmem_shared>> -> memref<128x128xf32, #tpu.memory_space<vmem_shared>>
      tpu.wait_dma2 semaphore(%run_scoped3A : memref<!tpu.dma_semaphore, #tpu.memory_space<semaphore_mem>>) src(%arg10 : memref<128x128xf32, #tpu.memory_space<vmem>>) dst(%dma_wait3A_36 : memref<128x128xf32, #tpu.memory_space<vmem_shared>>)
      tpu.yield
    }) : () -> ()
    %add3A_9 = arith.constant 384 : i32
    %add3A_10 = arith.addi %mul3A_2, %add3A_9 : i32
    "tpu.region"() ({
      %run_scoped3A = tpu.sem_alloc : memref<!tpu.dma_semaphore, #tpu.memory_space<semaphore_mem>>
      %dma_start3A = arith.constant 0 : i32
      %dma_start3A_31 = tpu.memref_slice %arg11[%add3A_10, %dma_start3A] : memref<10240x128xf32, #tpu.memory_space<vmem_shared>> -> memref<128x128xf32, #tpu.memory_space<vmem_shared>>
      %dma_start3A_32 = arith.constant 0 : i32
      %dma_start3A_33 = tpu.memref_slice %arg11[%add3A_10, %dma_start3A_32] : memref<10240x128xf32, #tpu.memory_space<vmem_shared>> -> memref<128x128xf32, #tpu.memory_space<vmem_shared>>
      tpu.enqueue_dma source(%arg10 : memref<128x128xf32, #tpu.memory_space<vmem>>) target(%dma_start3A_33 : memref<128x128xf32, #tpu.memory_space<vmem_shared>>) target_semaphore(%run_scoped3A : memref<!tpu.dma_semaphore, #tpu.memory_space<semaphore_mem>>)
      %dma_wait3A = arith.constant 0 : i32
      %dma_wait3A_34 = tpu.memref_slice %arg11[%add3A_10, %dma_wait3A] : memref<10240x128xf32, #tpu.memory_space<vmem_shared>> -> memref<128x128xf32, #tpu.memory_space<vmem_shared>>
      %dma_wait3A_35 = arith.constant 0 : i32
      %dma_wait3A_36 = tpu.memref_slice %arg11[%add3A_10, %dma_wait3A_35] : memref<10240x128xf32, #tpu.memory_space<vmem_shared>> -> memref<128x128xf32, #tpu.memory_space<vmem_shared>>
      tpu.wait_dma2 semaphore(%run_scoped3A : memref<!tpu.dma_semaphore, #tpu.memory_space<semaphore_mem>>) src(%arg10 : memref<128x128xf32, #tpu.memory_space<vmem>>) dst(%dma_wait3A_36 : memref<128x128xf32, #tpu.memory_space<vmem_shared>>)
      tpu.yield
    }) : () -> ()
    %add3A_11 = arith.constant 512 : i32
    %add3A_12 = arith.addi %mul3A_2, %add3A_11 : i32
    "tpu.region"() ({
      %run_scoped3A = tpu.sem_alloc : memref<!tpu.dma_semaphore, #tpu.memory_space<semaphore_mem>>
      %dma_start3A = arith.constant 0 : i32
      %dma_start3A_31 = tpu.memref_slice %arg11[%add3A_12, %dma_start3A] : memref<10240x128xf32, #tpu.memory_space<vmem_shared>> -> memref<128x128xf32, #tpu.memory_space<vmem_shared>>
      %dma_start3A_32 = arith.constant 0 : i32
      %dma_start3A_33 = tpu.memref_slice %arg11[%add3A_12, %dma_start3A_32] : memref<10240x128xf32, #tpu.memory_space<vmem_shared>> -> memref<128x128xf32, #tpu.memory_space<vmem_shared>>
      tpu.enqueue_dma source(%arg10 : memref<128x128xf32, #tpu.memory_space<vmem>>) target(%dma_start3A_33 : memref<128x128xf32, #tpu.memory_space<vmem_shared>>) target_semaphore(%run_scoped3A : memref<!tpu.dma_semaphore, #tpu.memory_space<semaphore_mem>>)
      %dma_wait3A = arith.constant 0 : i32
      %dma_wait3A_34 = tpu.memref_slice %arg11[%add3A_12, %dma_wait3A] : memref<10240x128xf32, #tpu.memory_space<vmem_shared>> -> memref<128x128xf32, #tpu.memory_space<vmem_shared>>
      %dma_wait3A_35 = arith.constant 0 : i32
      %dma_wait3A_36 = tpu.memref_slice %arg11[%add3A_12, %dma_wait3A_35] : memref<10240x128xf32, #tpu.memory_space<vmem_shared>> -> memref<128x128xf32, #tpu.memory_space<vmem_shared>>
      tpu.wait_dma2 semaphore(%run_scoped3A : memref<!tpu.dma_semaphore, #tpu.memory_space<semaphore_mem>>) src(%arg10 : memref<128x128xf32, #tpu.memory_space<vmem>>) dst(%dma_wait3A_36 : memref<128x128xf32, #tpu.memory_space<vmem_shared>>)
      tpu.yield
    }) : () -> ()
    %barrier3A = arith.constant 0 : index
    tpu.barrier barrier_id(%barrier3A)
    %mul3A_13 = arith.constant 10240 : i32
    %mul3A_14 = arith.muli %add3A, %mul3A_13 : i32
    %scan3A = arith.constant 0 : i32
    %scan3A_15 = arith.constant 0 : i32
    %scan3A_16 = arith.constant 80 : i32
    %scan3A_17 = arith.addi %scan3A_15, %scan3A_16 : i32
    %scan3A_18 = arith.constant 1 : i32
    scf.for %scan3A_31 = %scan3A_15 to %scan3A_17 step %scan3A_18  : i32 {
      %mul3A_32 = arith.constant 128 : i32
      %mul3A_33 = arith.muli %scan3A_31, %mul3A_32 : i32
      %add3A_34 = arith.addi %mul3A_14, %mul3A_33 : i32
      "tpu.region"() ({
        %run_scoped3A = tpu.sem_alloc : memref<!tpu.dma_semaphore, #tpu.memory_space<semaphore_mem>>
        %dma_start3A_39 = tpu.memref_slice %arg3[%add3A_34] : memref<327680xi32, #tpu.memory_space<hbm>> -> memref<128xi32, #tpu.memory_space<hbm>>
        %dma_start3A_40 = tpu.memref_slice %arg3[%add3A_34] : memref<327680xi32, #tpu.memory_space<hbm>> -> memref<128xi32, #tpu.memory_space<hbm>>
        tpu.enqueue_dma source(%dma_start3A_40 : memref<128xi32, #tpu.memory_space<hbm>>) target(%arg7 : memref<128xi32, #tpu.memory_space<vmem>>) target_semaphore(%run_scoped3A : memref<!tpu.dma_semaphore, #tpu.memory_space<semaphore_mem>>)
        %dma_wait3A_41 = tpu.memref_slice %arg3[%add3A_34] : memref<327680xi32, #tpu.memory_space<hbm>> -> memref<128xi32, #tpu.memory_space<hbm>>
        %dma_wait3A_42 = tpu.memref_slice %arg3[%add3A_34] : memref<327680xi32, #tpu.memory_space<hbm>> -> memref<128xi32, #tpu.memory_space<hbm>>
        tpu.wait_dma2 semaphore(%run_scoped3A : memref<!tpu.dma_semaphore, #tpu.memory_space<semaphore_mem>>) src(%dma_wait3A_42 : memref<128xi32, #tpu.memory_space<hbm>>) dst(%arg7 : memref<128xi32, #tpu.memory_space<vmem>>)
        tpu.yield
      }) : () -> ()
      %dma_start3A = arith.constant 0 : i32
      %dma_start3A_35 = arith.constant 0 : i32
      %dma_start3A_36 = tpu.memref_slice %arg2[%dma_start3A, %dma_start3A_35] : memref<10240x128xf32, #tpu.memory_space<hbm>> -> memref<10240x128xf32, #tpu.memory_space<hbm>>
      tpu.enqueue_indirect_dma source(%dma_start3A_36 : memref<10240x128xf32, #tpu.memory_space<hbm>>) target(%arg9 : memref<128x128xf32, #tpu.memory_space<vmem>>) offsets(%arg7 : memref<128xi32, #tpu.memory_space<vmem>>) semaphore(%arg12 : memref<!tpu.dma_semaphore, #tpu.memory_space<semaphore_mem>>)
      %dma_wait3A = arith.constant 0 : i32
      %dma_wait3A_37 = arith.constant 0 : i32
      %dma_wait3A_38 = tpu.memref_slice %arg2[%dma_wait3A, %dma_wait3A_37] : memref<10240x128xf32, #tpu.memory_space<hbm>> -> memref<10240x128xf32, #tpu.memory_space<hbm>>
      tpu.wait_indirect_dma semaphore(%arg12 : memref<!tpu.dma_semaphore, #tpu.memory_space<semaphore_mem>>) src(%dma_wait3A_38 : memref<10240x128xf32, #tpu.memory_space<hbm>>) dst(%arg9 : memref<128x128xf32, #tpu.memory_space<vmem>>)
      "tpu.region"() ({
        %run_scoped3A = tpu.sem_alloc : memref<!tpu.dma_semaphore, #tpu.memory_space<semaphore_mem>>
        %dma_start3A_39 = tpu.memref_slice %arg4[%add3A_34] : memref<327680xi32, #tpu.memory_space<hbm>> -> memref<128xi32, #tpu.memory_space<hbm>>
        %dma_start3A_40 = tpu.memref_slice %arg4[%add3A_34] : memref<327680xi32, #tpu.memory_space<hbm>> -> memref<128xi32, #tpu.memory_space<hbm>>
        tpu.enqueue_dma source(%dma_start3A_40 : memref<128xi32, #tpu.memory_space<hbm>>) target(%arg8 : memref<128xi32, #tpu.memory_space<vmem>>) target_semaphore(%run_scoped3A : memref<!tpu.dma_semaphore, #tpu.memory_space<semaphore_mem>>)
        %dma_wait3A_41 = tpu.memref_slice %arg4[%add3A_34] : memref<327680xi32, #tpu.memory_space<hbm>> -> memref<128xi32, #tpu.memory_space<hbm>>
        %dma_wait3A_42 = tpu.memref_slice %arg4[%add3A_34] : memref<327680xi32, #tpu.memory_space<hbm>> -> memref<128xi32, #tpu.memory_space<hbm>>
        tpu.wait_dma2 semaphore(%run_scoped3A : memref<!tpu.dma_semaphore, #tpu.memory_space<semaphore_mem>>) src(%dma_wait3A_42 : memref<128xi32, #tpu.memory_space<hbm>>) dst(%arg8 : memref<128xi32, #tpu.memory_space<vmem>>)
        tpu.yield
      }) : () -> ()
      "tpu.region"() ({
        %run_scoped3A = tpu.sem_alloc : memref<!tpu.dma_semaphore, #tpu.memory_space<semaphore_mem>>
        %dma_start3A_39 = arith.constant 0 : i32
        %dma_start3A_40 = arith.constant 0 : i32
        %dma_start3A_41 = tpu.memref_slice %arg11[%dma_start3A_39, %dma_start3A_40] : memref<10240x128xf32, #tpu.memory_space<vmem_shared>> -> memref<10240x128xf32, #tpu.memory_space<vmem_shared>>
        tpu.enqueue_indirect_dma source(%arg9 : memref<128x128xf32, #tpu.memory_space<vmem>>) target(%dma_start3A_41 : memref<10240x128xf32, #tpu.memory_space<vmem_shared>>) offsets(%arg8 : memref<128xi32, #tpu.memory_space<vmem>>) semaphore(%run_scoped3A : memref<!tpu.dma_semaphore, #tpu.memory_space<semaphore_mem>>) {add = true}
        %dma_wait3A_42 = arith.constant 0 : i32
        %dma_wait3A_43 = arith.constant 0 : i32
        %dma_wait3A_44 = tpu.memref_slice %arg11[%dma_wait3A_42, %dma_wait3A_43] : memref<10240x128xf32, #tpu.memory_space<vmem_shared>> -> memref<10240x128xf32, #tpu.memory_space<vmem_shared>>
        tpu.wait_indirect_dma semaphore(%run_scoped3A : memref<!tpu.dma_semaphore, #tpu.memory_space<semaphore_mem>>) src(%arg9 : memref<128x128xf32, #tpu.memory_space<vmem>>) dst(%dma_wait3A_44 : memref<10240x128xf32, #tpu.memory_space<vmem_shared>>)
        tpu.yield
      }) : () -> ()
    }
    %scan3A_19 = arith.constant 80 : i32
    %barrier3A_20 = arith.constant 0 : index
    tpu.barrier barrier_id(%barrier3A_20)
    %add3A_21 = arith.constant 0 : i32
    %add3A_22 = arith.addi %mul3A_2, %add3A_21 : i32
    "tpu.region"() ({
      %run_scoped3A = tpu.sem_alloc : memref<!tpu.dma_semaphore, #tpu.memory_space<semaphore_mem>>
      %dma_start3A = arith.constant 0 : i32
      %dma_start3A_31 = tpu.memref_slice %arg11[%add3A_22, %dma_start3A] : memref<10240x128xf32, #tpu.memory_space<vmem_shared>> -> memref<128x128xf32, #tpu.memory_space<vmem_shared>>
      %dma_start3A_32 = arith.constant 0 : i32
      %dma_start3A_33 = tpu.memref_slice %arg11[%add3A_22, %dma_start3A_32] : memref<10240x128xf32, #tpu.memory_space<vmem_shared>> -> memref<128x128xf32, #tpu.memory_space<vmem_shared>>
      tpu.enqueue_dma source(%dma_start3A_33 : memref<128x128xf32, #tpu.memory_space<vmem_shared>>) target(%arg9 : memref<128x128xf32, #tpu.memory_space<vmem>>) target_semaphore(%run_scoped3A : memref<!tpu.dma_semaphore, #tpu.memory_space<semaphore_mem>>)
      %dma_wait3A = arith.constant 0 : i32
      %dma_wait3A_34 = tpu.memref_slice %arg11[%add3A_22, %dma_wait3A] : memref<10240x128xf32, #tpu.memory_space<vmem_shared>> -> memref<128x128xf32, #tpu.memory_space<vmem_shared>>
      %dma_wait3A_35 = arith.constant 0 : i32
      %dma_wait3A_36 = tpu.memref_slice %arg11[%add3A_22, %dma_wait3A_35] : memref<10240x128xf32, #tpu.memory_space<vmem_shared>> -> memref<128x128xf32, #tpu.memory_space<vmem_shared>>
      tpu.wait_dma2 semaphore(%run_scoped3A : memref<!tpu.dma_semaphore, #tpu.memory_space<semaphore_mem>>) src(%dma_wait3A_36 : memref<128x128xf32, #tpu.memory_space<vmem_shared>>) dst(%arg9 : memref<128x128xf32, #tpu.memory_space<vmem>>)
      tpu.yield
    }) : () -> ()
    "tpu.region"() ({
      %run_scoped3A = tpu.sem_alloc : memref<!tpu.dma_semaphore, #tpu.memory_space<semaphore_mem>>
      %dma_start3A = arith.constant 0 : i32
      %dma_start3A_31 = tpu.memref_slice %arg6[%arg0, %add3A_22, %dma_start3A] : memref<2x10240x128xf32, #tpu.memory_space<hbm>> -> memref<1x128x128xf32, #tpu.memory_space<hbm>>
      %dma_start3A_32 = tpu.memref_squeeze %dma_start3A_31 : memref<1x128x128xf32, #tpu.memory_space<hbm>> -> memref<128x128xf32, #tpu.memory_space<hbm>>
      %dma_start3A_33 = arith.constant 0 : i32
      %dma_start3A_34 = tpu.memref_slice %arg6[%arg0, %add3A_22, %dma_start3A_33] : memref<2x10240x128xf32, #tpu.memory_space<hbm>> -> memref<1x128x128xf32, #tpu.memory_space<hbm>>
      %dma_start3A_35 = tpu.memref_squeeze %dma_start3A_34 : memref<1x128x128xf32, #tpu.memory_space<hbm>> -> memref<128x128xf32, #tpu.memory_space<hbm>>
      tpu.enqueue_dma source(%arg9 : memref<128x128xf32, #tpu.memory_space<vmem>>) target(%dma_start3A_35 : memref<128x128xf32, #tpu.memory_space<hbm>>) target_semaphore(%run_scoped3A : memref<!tpu.dma_semaphore, #tpu.memory_space<semaphore_mem>>)
      %dma_wait3A = arith.constant 0 : i32
      %dma_wait3A_36 = tpu.memref_slice %arg6[%arg0, %add3A_22, %dma_wait3A] : memref<2x10240x128xf32, #tpu.memory_space<hbm>> -> memref<1x128x128xf32, #tpu.memory_space<hbm>>
      %dma_wait3A_37 = tpu.memref_squeeze %dma_wait3A_36 : memref<1x128x128xf32, #tpu.memory_space<hbm>> -> memref<128x128xf32, #tpu.memory_space<hbm>>
      %dma_wait3A_38 = arith.constant 0 : i32
      %dma_wait3A_39 = tpu.memref_slice %arg6[%arg0, %add3A_22, %dma_wait3A_38] : memref<2x10240x128xf32, #tpu.memory_space<hbm>> -> memref<1x128x128xf32, #tpu.memory_space<hbm>>
      %dma_wait3A_40 = tpu.memref_squeeze %dma_wait3A_39 : memref<1x128x128xf32, #tpu.memory_space<hbm>> -> memref<128x128xf32, #tpu.memory_space<hbm>>
      tpu.wait_dma2 semaphore(%run_scoped3A : memref<!tpu.dma_semaphore, #tpu.memory_space<semaphore_mem>>) src(%arg9 : memref<128x128xf32, #tpu.memory_space<vmem>>) dst(%dma_wait3A_40 : memref<128x128xf32, #tpu.memory_space<hbm>>)
      tpu.yield
    }) : () -> ()
    %add3A_23 = arith.constant 128 : i32
    %add3A_24 = arith.addi %mul3A_2, %add3A_23 : i32
    "tpu.region"() ({
      %run_scoped3A = tpu.sem_alloc : memref<!tpu.dma_semaphore, #tpu.memory_space<semaphore_mem>>
      %dma_start3A = arith.constant 0 : i32
      %dma_start3A_31 = tpu.memref_slice %arg11[%add3A_24, %dma_start3A] : memref<10240x128xf32, #tpu.memory_space<vmem_shared>> -> memref<128x128xf32, #tpu.memory_space<vmem_shared>>
      %dma_start3A_32 = arith.constant 0 : i32
      %dma_start3A_33 = tpu.memref_slice %arg11[%add3A_24, %dma_start3A_32] : memref<10240x128xf32, #tpu.memory_space<vmem_shared>> -> memref<128x128xf32, #tpu.memory_space<vmem_shared>>
      tpu.enqueue_dma source(%dma_start3A_33 : memref<128x128xf32, #tpu.memory_space<vmem_shared>>) target(%arg9 : memref<128x128xf32, #tpu.memory_space<vmem>>) target_semaphore(%run_scoped3A : memref<!tpu.dma_semaphore, #tpu.memory_space<semaphore_mem>>)
      %dma_wait3A = arith.constant 0 : i32
      %dma_wait3A_34 = tpu.memref_slice %arg11[%add3A_24, %dma_wait3A] : memref<10240x128xf32, #tpu.memory_space<vmem_shared>> -> memref<128x128xf32, #tpu.memory_space<vmem_shared>>
      %dma_wait3A_35 = arith.constant 0 : i32
      %dma_wait3A_36 = tpu.memref_slice %arg11[%add3A_24, %dma_wait3A_35] : memref<10240x128xf32, #tpu.memory_space<vmem_shared>> -> memref<128x128xf32, #tpu.memory_space<vmem_shared>>
      tpu.wait_dma2 semaphore(%run_scoped3A : memref<!tpu.dma_semaphore, #tpu.memory_space<semaphore_mem>>) src(%dma_wait3A_36 : memref<128x128xf32, #tpu.memory_space<vmem_shared>>) dst(%arg9 : memref<128x128xf32, #tpu.memory_space<vmem>>)
      tpu.yield
    }) : () -> ()
    "tpu.region"() ({
      %run_scoped3A = tpu.sem_alloc : memref<!tpu.dma_semaphore, #tpu.memory_space<semaphore_mem>>
      %dma_start3A = arith.constant 0 : i32
      %dma_start3A_31 = tpu.memref_slice %arg6[%arg0, %add3A_24, %dma_start3A] : memref<2x10240x128xf32, #tpu.memory_space<hbm>> -> memref<1x128x128xf32, #tpu.memory_space<hbm>>
      %dma_start3A_32 = tpu.memref_squeeze %dma_start3A_31 : memref<1x128x128xf32, #tpu.memory_space<hbm>> -> memref<128x128xf32, #tpu.memory_space<hbm>>
      %dma_start3A_33 = arith.constant 0 : i32
      %dma_start3A_34 = tpu.memref_slice %arg6[%arg0, %add3A_24, %dma_start3A_33] : memref<2x10240x128xf32, #tpu.memory_space<hbm>> -> memref<1x128x128xf32, #tpu.memory_space<hbm>>
      %dma_start3A_35 = tpu.memref_squeeze %dma_start3A_34 : memref<1x128x128xf32, #tpu.memory_space<hbm>> -> memref<128x128xf32, #tpu.memory_space<hbm>>
      tpu.enqueue_dma source(%arg9 : memref<128x128xf32, #tpu.memory_space<vmem>>) target(%dma_start3A_35 : memref<128x128xf32, #tpu.memory_space<hbm>>) target_semaphore(%run_scoped3A : memref<!tpu.dma_semaphore, #tpu.memory_space<semaphore_mem>>)
      %dma_wait3A = arith.constant 0 : i32
      %dma_wait3A_36 = tpu.memref_slice %arg6[%arg0, %add3A_24, %dma_wait3A] : memref<2x10240x128xf32, #tpu.memory_space<hbm>> -> memref<1x128x128xf32, #tpu.memory_space<hbm>>
      %dma_wait3A_37 = tpu.memref_squeeze %dma_wait3A_36 : memref<1x128x128xf32, #tpu.memory_space<hbm>> -> memref<128x128xf32, #tpu.memory_space<hbm>>
      %dma_wait3A_38 = arith.constant 0 : i32
      %dma_wait3A_39 = tpu.memref_slice %arg6[%arg0, %add3A_24, %dma_wait3A_38] : memref<2x10240x128xf32, #tpu.memory_space<hbm>> -> memref<1x128x128xf32, #tpu.memory_space<hbm>>
      %dma_wait3A_40 = tpu.memref_squeeze %dma_wait3A_39 : memref<1x128x128xf32, #tpu.memory_space<hbm>> -> memref<128x128xf32, #tpu.memory_space<hbm>>
      tpu.wait_dma2 semaphore(%run_scoped3A : memref<!tpu.dma_semaphore, #tpu.memory_space<semaphore_mem>>) src(%arg9 : memref<128x128xf32, #tpu.memory_space<vmem>>) dst(%dma_wait3A_40 : memref<128x128xf32, #tpu.memory_space<hbm>>)
      tpu.yield
    }) : () -> ()
    %add3A_25 = arith.constant 256 : i32
    %add3A_26 = arith.addi %mul3A_2, %add3A_25 : i32
    "tpu.region"() ({
      %run_scoped3A = tpu.sem_alloc : memref<!tpu.dma_semaphore, #tpu.memory_space<semaphore_mem>>
      %dma_start3A = arith.constant 0 : i32
      %dma_start3A_31 = tpu.memref_slice %arg11[%add3A_26, %dma_start3A] : memref<10240x128xf32, #tpu.memory_space<vmem_shared>> -> memref<128x128xf32, #tpu.memory_space<vmem_shared>>
      %dma_start3A_32 = arith.constant 0 : i32
      %dma_start3A_33 = tpu.memref_slice %arg11[%add3A_26, %dma_start3A_32] : memref<10240x128xf32, #tpu.memory_space<vmem_shared>> -> memref<128x128xf32, #tpu.memory_space<vmem_shared>>
      tpu.enqueue_dma source(%dma_start3A_33 : memref<128x128xf32, #tpu.memory_space<vmem_shared>>) target(%arg9 : memref<128x128xf32, #tpu.memory_space<vmem>>) target_semaphore(%run_scoped3A : memref<!tpu.dma_semaphore, #tpu.memory_space<semaphore_mem>>)
      %dma_wait3A = arith.constant 0 : i32
      %dma_wait3A_34 = tpu.memref_slice %arg11[%add3A_26, %dma_wait3A] : memref<10240x128xf32, #tpu.memory_space<vmem_shared>> -> memref<128x128xf32, #tpu.memory_space<vmem_shared>>
      %dma_wait3A_35 = arith.constant 0 : i32
      %dma_wait3A_36 = tpu.memref_slice %arg11[%add3A_26, %dma_wait3A_35] : memref<10240x128xf32, #tpu.memory_space<vmem_shared>> -> memref<128x128xf32, #tpu.memory_space<vmem_shared>>
      tpu.wait_dma2 semaphore(%run_scoped3A : memref<!tpu.dma_semaphore, #tpu.memory_space<semaphore_mem>>) src(%dma_wait3A_36 : memref<128x128xf32, #tpu.memory_space<vmem_shared>>) dst(%arg9 : memref<128x128xf32, #tpu.memory_space<vmem>>)
      tpu.yield
    }) : () -> ()
    "tpu.region"() ({
      %run_scoped3A = tpu.sem_alloc : memref<!tpu.dma_semaphore, #tpu.memory_space<semaphore_mem>>
      %dma_start3A = arith.constant 0 : i32
      %dma_start3A_31 = tpu.memref_slice %arg6[%arg0, %add3A_26, %dma_start3A] : memref<2x10240x128xf32, #tpu.memory_space<hbm>> -> memref<1x128x128xf32, #tpu.memory_space<hbm>>
      %dma_start3A_32 = tpu.memref_squeeze %dma_start3A_31 : memref<1x128x128xf32, #tpu.memory_space<hbm>> -> memref<128x128xf32, #tpu.memory_space<hbm>>
      %dma_start3A_33 = arith.constant 0 : i32
      %dma_start3A_34 = tpu.memref_slice %arg6[%arg0, %add3A_26, %dma_start3A_33] : memref<2x10240x128xf32, #tpu.memory_space<hbm>> -> memref<1x128x128xf32, #tpu.memory_space<hbm>>
      %dma_start3A_35 = tpu.memref_squeeze %dma_start3A_34 : memref<1x128x128xf32, #tpu.memory_space<hbm>> -> memref<128x128xf32, #tpu.memory_space<hbm>>
      tpu.enqueue_dma source(%arg9 : memref<128x128xf32, #tpu.memory_space<vmem>>) target(%dma_start3A_35 : memref<128x128xf32, #tpu.memory_space<hbm>>) target_semaphore(%run_scoped3A : memref<!tpu.dma_semaphore, #tpu.memory_space<semaphore_mem>>)
      %dma_wait3A = arith.constant 0 : i32
      %dma_wait3A_36 = tpu.memref_slice %arg6[%arg0, %add3A_26, %dma_wait3A] : memref<2x10240x128xf32, #tpu.memory_space<hbm>> -> memref<1x128x128xf32, #tpu.memory_space<hbm>>
      %dma_wait3A_37 = tpu.memref_squeeze %dma_wait3A_36 : memref<1x128x128xf32, #tpu.memory_space<hbm>> -> memref<128x128xf32, #tpu.memory_space<hbm>>
      %dma_wait3A_38 = arith.constant 0 : i32
      %dma_wait3A_39 = tpu.memref_slice %arg6[%arg0, %add3A_26, %dma_wait3A_38] : memref<2x10240x128xf32, #tpu.memory_space<hbm>> -> memref<1x128x128xf32, #tpu.memory_space<hbm>>
      %dma_wait3A_40 = tpu.memref_squeeze %dma_wait3A_39 : memref<1x128x128xf32, #tpu.memory_space<hbm>> -> memref<128x128xf32, #tpu.memory_space<hbm>>
      tpu.wait_dma2 semaphore(%run_scoped3A : memref<!tpu.dma_semaphore, #tpu.memory_space<semaphore_mem>>) src(%arg9 : memref<128x128xf32, #tpu.memory_space<vmem>>) dst(%dma_wait3A_40 : memref<128x128xf32, #tpu.memory_space<hbm>>)
      tpu.yield
    }) : () -> ()
    %add3A_27 = arith.constant 384 : i32
    %add3A_28 = arith.addi %mul3A_2, %add3A_27 : i32
    "tpu.region"() ({
      %run_scoped3A = tpu.sem_alloc : memref<!tpu.dma_semaphore, #tpu.memory_space<semaphore_mem>>
      %dma_start3A = arith.constant 0 : i32
      %dma_start3A_31 = tpu.memref_slice %arg11[%add3A_28, %dma_start3A] : memref<10240x128xf32, #tpu.memory_space<vmem_shared>> -> memref<128x128xf32, #tpu.memory_space<vmem_shared>>
      %dma_start3A_32 = arith.constant 0 : i32
      %dma_start3A_33 = tpu.memref_slice %arg11[%add3A_28, %dma_start3A_32] : memref<10240x128xf32, #tpu.memory_space<vmem_shared>> -> memref<128x128xf32, #tpu.memory_space<vmem_shared>>
      tpu.enqueue_dma source(%dma_start3A_33 : memref<128x128xf32, #tpu.memory_space<vmem_shared>>) target(%arg9 : memref<128x128xf32, #tpu.memory_space<vmem>>) target_semaphore(%run_scoped3A : memref<!tpu.dma_semaphore, #tpu.memory_space<semaphore_mem>>)
      %dma_wait3A = arith.constant 0 : i32
      %dma_wait3A_34 = tpu.memref_slice %arg11[%add3A_28, %dma_wait3A] : memref<10240x128xf32, #tpu.memory_space<vmem_shared>> -> memref<128x128xf32, #tpu.memory_space<vmem_shared>>
      %dma_wait3A_35 = arith.constant 0 : i32
      %dma_wait3A_36 = tpu.memref_slice %arg11[%add3A_28, %dma_wait3A_35] : memref<10240x128xf32, #tpu.memory_space<vmem_shared>> -> memref<128x128xf32, #tpu.memory_space<vmem_shared>>
      tpu.wait_dma2 semaphore(%run_scoped3A : memref<!tpu.dma_semaphore, #tpu.memory_space<semaphore_mem>>) src(%dma_wait3A_36 : memref<128x128xf32, #tpu.memory_space<vmem_shared>>) dst(%arg9 : memref<128x128xf32, #tpu.memory_space<vmem>>)
      tpu.yield
    }) : () -> ()
    "tpu.region"() ({
      %run_scoped3A = tpu.sem_alloc : memref<!tpu.dma_semaphore, #tpu.memory_space<semaphore_mem>>
      %dma_start3A = arith.constant 0 : i32
      %dma_start3A_31 = tpu.memref_slice %arg6[%arg0, %add3A_28, %dma_start3A] : memref<2x10240x128xf32, #tpu.memory_space<hbm>> -> memref<1x128x128xf32, #tpu.memory_space<hbm>>
      %dma_start3A_32 = tpu.memref_squeeze %dma_start3A_31 : memref<1x128x128xf32, #tpu.memory_space<hbm>> -> memref<128x128xf32, #tpu.memory_space<hbm>>
      %dma_start3A_33 = arith.constant 0 : i32
      %dma_start3A_34 = tpu.memref_slice %arg6[%arg0, %add3A_28, %dma_start3A_33] : memref<2x10240x128xf32, #tpu.memory_space<hbm>> -> memref<1x128x128xf32, #tpu.memory_space<hbm>>
      %dma_start3A_35 = tpu.memref_squeeze %dma_start3A_34 : memref<1x128x128xf32, #tpu.memory_space<hbm>> -> memref<128x128xf32, #tpu.memory_space<hbm>>
      tpu.enqueue_dma source(%arg9 : memref<128x128xf32, #tpu.memory_space<vmem>>) target(%dma_start3A_35 : memref<128x128xf32, #tpu.memory_space<hbm>>) target_semaphore(%run_scoped3A : memref<!tpu.dma_semaphore, #tpu.memory_space<semaphore_mem>>)
      %dma_wait3A = arith.constant 0 : i32
      %dma_wait3A_36 = tpu.memref_slice %arg6[%arg0, %add3A_28, %dma_wait3A] : memref<2x10240x128xf32, #tpu.memory_space<hbm>> -> memref<1x128x128xf32, #tpu.memory_space<hbm>>
      %dma_wait3A_37 = tpu.memref_squeeze %dma_wait3A_36 : memref<1x128x128xf32, #tpu.memory_space<hbm>> -> memref<128x128xf32, #tpu.memory_space<hbm>>
      %dma_wait3A_38 = arith.constant 0 : i32
      %dma_wait3A_39 = tpu.memref_slice %arg6[%arg0, %add3A_28, %dma_wait3A_38] : memref<2x10240x128xf32, #tpu.memory_space<hbm>> -> memref<1x128x128xf32, #tpu.memory_space<hbm>>
      %dma_wait3A_40 = tpu.memref_squeeze %dma_wait3A_39 : memref<1x128x128xf32, #tpu.memory_space<hbm>> -> memref<128x128xf32, #tpu.memory_space<hbm>>
      tpu.wait_dma2 semaphore(%run_scoped3A : memref<!tpu.dma_semaphore, #tpu.memory_space<semaphore_mem>>) src(%arg9 : memref<128x128xf32, #tpu.memory_space<vmem>>) dst(%dma_wait3A_40 : memref<128x128xf32, #tpu.memory_space<hbm>>)
      tpu.yield
    }) : () -> ()
    %add3A_29 = arith.constant 512 : i32
    %add3A_30 = arith.addi %mul3A_2, %add3A_29 : i32
    "tpu.region"() ({
      %run_scoped3A = tpu.sem_alloc : memref<!tpu.dma_semaphore, #tpu.memory_space<semaphore_mem>>
      %dma_start3A = arith.constant 0 : i32
      %dma_start3A_31 = tpu.memref_slice %arg11[%add3A_30, %dma_start3A] : memref<10240x128xf32, #tpu.memory_space<vmem_shared>> -> memref<128x128xf32, #tpu.memory_space<vmem_shared>>
      %dma_start3A_32 = arith.constant 0 : i32
      %dma_start3A_33 = tpu.memref_slice %arg11[%add3A_30, %dma_start3A_32] : memref<10240x128xf32, #tpu.memory_space<vmem_shared>> -> memref<128x128xf32, #tpu.memory_space<vmem_shared>>
      tpu.enqueue_dma source(%dma_start3A_33 : memref<128x128xf32, #tpu.memory_space<vmem_shared>>) target(%arg9 : memref<128x128xf32, #tpu.memory_space<vmem>>) target_semaphore(%run_scoped3A : memref<!tpu.dma_semaphore, #tpu.memory_space<semaphore_mem>>)
      %dma_wait3A = arith.constant 0 : i32
      %dma_wait3A_34 = tpu.memref_slice %arg11[%add3A_30, %dma_wait3A] : memref<10240x128xf32, #tpu.memory_space<vmem_shared>> -> memref<128x128xf32, #tpu.memory_space<vmem_shared>>
      %dma_wait3A_35 = arith.constant 0 : i32
      %dma_wait3A_36 = tpu.memref_slice %arg11[%add3A_30, %dma_wait3A_35] : memref<10240x128xf32, #tpu.memory_space<vmem_shared>> -> memref<128x128xf32, #tpu.memory_space<vmem_shared>>
      tpu.wait_dma2 semaphore(%run_scoped3A : memref<!tpu.dma_semaphore, #tpu.memory_space<semaphore_mem>>) src(%dma_wait3A_36 : memref<128x128xf32, #tpu.memory_space<vmem_shared>>) dst(%arg9 : memref<128x128xf32, #tpu.memory_space<vmem>>)
      tpu.yield
    }) : () -> ()
    "tpu.region"() ({
      %run_scoped3A = tpu.sem_alloc : memref<!tpu.dma_semaphore, #tpu.memory_space<semaphore_mem>>
      %dma_start3A = arith.constant 0 : i32
      %dma_start3A_31 = tpu.memref_slice %arg6[%arg0, %add3A_30, %dma_start3A] : memref<2x10240x128xf32, #tpu.memory_space<hbm>> -> memref<1x128x128xf32, #tpu.memory_space<hbm>>
      %dma_start3A_32 = tpu.memref_squeeze %dma_start3A_31 : memref<1x128x128xf32, #tpu.memory_space<hbm>> -> memref<128x128xf32, #tpu.memory_space<hbm>>
      %dma_start3A_33 = arith.constant 0 : i32
      %dma_start3A_34 = tpu.memref_slice %arg6[%arg0, %add3A_30, %dma_start3A_33] : memref<2x10240x128xf32, #tpu.memory_space<hbm>> -> memref<1x128x128xf32, #tpu.memory_space<hbm>>
      %dma_start3A_35 = tpu.memref_squeeze %dma_start3A_34 : memref<1x128x128xf32, #tpu.memory_space<hbm>> -> memref<128x128xf32, #tpu.memory_space<hbm>>
      tpu.enqueue_dma source(%arg9 : memref<128x128xf32, #tpu.memory_space<vmem>>) target(%dma_start3A_35 : memref<128x128xf32, #tpu.memory_space<hbm>>) target_semaphore(%run_scoped3A : memref<!tpu.dma_semaphore, #tpu.memory_space<semaphore_mem>>)
      %dma_wait3A = arith.constant 0 : i32
      %dma_wait3A_36 = tpu.memref_slice %arg6[%arg0, %add3A_30, %dma_wait3A] : memref<2x10240x128xf32, #tpu.memory_space<hbm>> -> memref<1x128x128xf32, #tpu.memory_space<hbm>>
      %dma_wait3A_37 = tpu.memref_squeeze %dma_wait3A_36 : memref<1x128x128xf32, #tpu.memory_space<hbm>> -> memref<128x128xf32, #tpu.memory_space<hbm>>
      %dma_wait3A_38 = arith.constant 0 : i32
      %dma_wait3A_39 = tpu.memref_slice %arg6[%arg0, %add3A_30, %dma_wait3A_38] : memref<2x10240x128xf32, #tpu.memory_space<hbm>> -> memref<1x128x128xf32, #tpu.memory_space<hbm>>
      %dma_wait3A_40 = tpu.memref_squeeze %dma_wait3A_39 : memref<1x128x128xf32, #tpu.memory_space<hbm>> -> memref<128x128xf32, #tpu.memory_space<hbm>>
      tpu.wait_dma2 semaphore(%run_scoped3A : memref<!tpu.dma_semaphore, #tpu.memory_space<semaphore_mem>>) src(%arg9 : memref<128x128xf32, #tpu.memory_space<vmem>>) dst(%dma_wait3A_40 : memref<128x128xf32, #tpu.memory_space<hbm>>)
      tpu.yield
    }) : () -> ()
    return
  }
}

module attributes {stable_mosaic.version = 14 : i64} {
  func.func @_prep_body(%arg0: memref<2x2x10240x16xf32, #tpu.memory_space<vmem>>, %arg1: memref<10000x128xf32, #tpu.memory_space<vmem>>, %arg2: memref<10240x1xf32, #tpu.memory_space<vmem>>, %arg3: memref<10240x1xf32, #tpu.memory_space<vmem>>, %arg4: memref<10240x128xf32, #tpu.memory_space<vmem>>) attributes {dimension_semantics = [], scalar_prefetch = 0 : i64, scratch_operands = 0 : i64, tpu.core_type = #tpu.core_type<tc>} {
    %get3A = arith.constant 0 : index
    %get3A_0 = arith.constant 0 : index
    %get3A_1 = arith.constant 0 : index
    %get3A_2 = arith.constant 0 : index
    %get3A_3 = vector.load %arg0[%get3A, %get3A_0, %get3A_1, %get3A_2] : memref<2x2x10240x16xf32, #tpu.memory_space<vmem>>, vector<1x1x10240x16xf32>
    %get3A_4 = vector.shape_cast %get3A_3 : vector<1x1x10240x16xf32> to vector<10240x16xf32>
    %get3A_5 = arith.constant 1 : index
    %get3A_6 = arith.constant 0 : index
    %get3A_7 = arith.constant 0 : index
    %get3A_8 = arith.constant 0 : index
    %get3A_9 = vector.load %arg0[%get3A_5, %get3A_6, %get3A_7, %get3A_8] : memref<2x2x10240x16xf32, #tpu.memory_space<vmem>>, vector<1x1x10240x16xf32>
    %get3A_10 = vector.shape_cast %get3A_9 : vector<1x1x10240x16xf32> to vector<10240x16xf32>
    %add3A = arith.addf %get3A_4, %get3A_10 : vector<10240x16xf32>
    %get3A_11 = arith.constant 0 : index
    %get3A_12 = arith.constant 1 : index
    %get3A_13 = arith.constant 0 : index
    %get3A_14 = arith.constant 0 : index
    %get3A_15 = vector.load %arg0[%get3A_11, %get3A_12, %get3A_13, %get3A_14] : memref<2x2x10240x16xf32, #tpu.memory_space<vmem>>, vector<1x1x10240x16xf32>
    %get3A_16 = vector.shape_cast %get3A_15 : vector<1x1x10240x16xf32> to vector<10240x16xf32>
    %get3A_17 = arith.constant 1 : index
    %get3A_18 = arith.constant 1 : index
    %get3A_19 = arith.constant 0 : index
    %get3A_20 = arith.constant 0 : index
    %get3A_21 = vector.load %arg0[%get3A_17, %get3A_18, %get3A_19, %get3A_20] : memref<2x2x10240x16xf32, #tpu.memory_space<vmem>>, vector<1x1x10240x16xf32>
    %get3A_22 = vector.shape_cast %get3A_21 : vector<1x1x10240x16xf32> to vector<10240x16xf32>
    %add3A_23 = arith.addf %get3A_16, %get3A_22 : vector<10240x16xf32>
    %slice3A = vector.extract_strided_slice %add3A {offsets = [0, 0], sizes = [10240, 1], strides = [1, 1]} : vector<10240x16xf32> to vector<10240x1xf32>
    %add3A_24 = arith.constant 1.000000e+00 : f32
    %add3A_25 = vector.broadcast %add3A_24 : f32 to vector<10240x1xf32>
    %add3A_26 = arith.addf %slice3A, %add3A_25 : vector<10240x1xf32>
    %rsqrt3A = math.rsqrt %add3A_26 : vector<10240x1xf32>
    %slice3A_27 = vector.extract_strided_slice %add3A_23 {offsets = [0, 0], sizes = [10240, 1], strides = [1, 1]} : vector<10240x16xf32> to vector<10240x1xf32>
    %add3A_28 = arith.constant 1.000000e+00 : f32
    %add3A_29 = vector.broadcast %add3A_28 : f32 to vector<10240x1xf32>
    %add3A_30 = arith.addf %slice3A_27, %add3A_29 : vector<10240x1xf32>
    %rsqrt3A_31 = math.rsqrt %add3A_30 : vector<10240x1xf32>
    %swap3A = arith.constant 0 : index
    %swap3A_32 = arith.constant 0 : index
    %swap3A_33 = vector.load %arg2[%swap3A, %swap3A_32] : memref<10240x1xf32, #tpu.memory_space<vmem>>, vector<10240x1xf32>
    tpu.vector_store %arg2[%swap3A, %swap3A_32], %rsqrt3A {strides = array<i32>} : memref<10240x1xf32, #tpu.memory_space<vmem>>, vector<10240x1xf32>,
    %swap3A_34 = arith.constant 0 : index
    %swap3A_35 = arith.constant 0 : index
    %swap3A_36 = vector.load %arg3[%swap3A_34, %swap3A_35] : memref<10240x1xf32, #tpu.memory_space<vmem>>, vector<10240x1xf32>
    tpu.vector_store %arg3[%swap3A_34, %swap3A_35], %rsqrt3A_31 {strides = array<i32>} : memref<10240x1xf32, #tpu.memory_space<vmem>>, vector<10240x1xf32>,
    %get3A_37 = arith.constant 0 : index
    %get3A_38 = arith.constant 0 : index
    %get3A_39 = vector.load %arg1[%get3A_37, %get3A_38] : memref<10000x128xf32, #tpu.memory_space<vmem>>, vector<10000x128xf32>
    %slice3A_40 = vector.extract_strided_slice %rsqrt3A {offsets = [0, 0], sizes = [10000, 1], strides = [1, 1]} : vector<10240x1xf32> to vector<10000x1xf32>
    %mul3A = vector.broadcast %slice3A_40 : vector<10000x1xf32> to vector<10000x128xf32>
    %mul3A_41 = arith.mulf %get3A_39, %mul3A : vector<10000x128xf32>
    %swap3A_42 = arith.constant 0 : index
    %swap3A_43 = arith.constant 0 : index
    %swap3A_44 = vector.load %arg4[%swap3A_42, %swap3A_43] : memref<10240x128xf32, #tpu.memory_space<vmem>>, vector<10000x128xf32>
    tpu.vector_store %arg4[%swap3A_42, %swap3A_43], %mul3A_41 {strides = array<i32>} : memref<10240x128xf32, #tpu.memory_space<vmem>>, vector<10000x128xf32>,
    %broadcast_in_dim3A = arith.constant 0.000000e+00 : f32
    %broadcast_in_dim3A_45 = vector.broadcast %broadcast_in_dim3A : f32 to vector<240x128xf32>
    %swap3A_46 = arith.constant 10000 : index
    %swap3A_47 = arith.constant 0 : index
    %swap3A_48 = vector.load %arg4[%swap3A_46, %swap3A_47] : memref<10240x128xf32, #tpu.memory_space<vmem>>, vector<240x128xf32>
    tpu.vector_store %arg4[%swap3A_46, %swap3A_47], %broadcast_in_dim3A_45 {strides = array<i32>} : memref<10240x128xf32, #tpu.memory_space<vmem>>, vector<240x128xf32>,
    return
  }
}

module attributes {stable_mosaic.version = 14 : i64} {
  func.func @_layer_body(%arg0: memref<10240x128xf32, #tpu.memory_space<vmem>>, %arg1: memref<2x10240x128xf32, #tpu.memory_space<vmem>>, %arg2: memref<10240x1xf32, #tpu.memory_space<vmem>>, %arg3: memref<10240x1xf32, #tpu.memory_space<vmem>>, %arg4: memref<128x128xf32, #tpu.memory_space<vmem>>, %arg5: memref<1x128xf32, #tpu.memory_space<vmem>>, %arg6: memref<1x128xf32, #tpu.memory_space<vmem>>, %arg7: memref<1x128xf32, #tpu.memory_space<vmem>>, %arg8: memref<10240x128xf32, #tpu.memory_space<vmem>>, %arg9: memref<10240x128xf32, #tpu.memory_space<vmem>>) attributes {dimension_semantics = [], scalar_prefetch = 0 : i64, scratch_operands = 0 : i64, tpu.core_type = #tpu.core_type<tc>} {
    %get3A = arith.constant 0 : index
    %get3A_0 = arith.constant 0 : index
    %get3A_1 = vector.load %arg0[%get3A, %get3A_0] : memref<10240x128xf32, #tpu.memory_space<vmem>>, vector<10240x128xf32>
    %get3A_2 = arith.constant 0 : index
    %get3A_3 = arith.constant 0 : index
    %get3A_4 = vector.load %arg2[%get3A_2, %get3A_3] : memref<10240x1xf32, #tpu.memory_space<vmem>>, vector<10240x1xf32>
    %mul3A = vector.broadcast %get3A_4 : vector<10240x1xf32> to vector<10240x128xf32>
    %mul3A_5 = arith.mulf %get3A_1, %mul3A : vector<10240x128xf32>
    %get3A_6 = arith.constant 0 : index
    %get3A_7 = arith.constant 0 : index
    %get3A_8 = vector.load %arg3[%get3A_6, %get3A_7] : memref<10240x1xf32, #tpu.memory_space<vmem>>, vector<10240x1xf32>
    %get3A_9 = arith.constant 0 : index
    %get3A_10 = arith.constant 0 : index
    %get3A_11 = arith.constant 0 : index
    %get3A_12 = vector.load %arg1[%get3A_9, %get3A_10, %get3A_11] : memref<2x10240x128xf32, #tpu.memory_space<vmem>>, vector<1x10240x128xf32>
    %get3A_13 = vector.shape_cast %get3A_12 : vector<1x10240x128xf32> to vector<10240x128xf32>
    %get3A_14 = arith.constant 1 : index
    %get3A_15 = arith.constant 0 : index
    %get3A_16 = arith.constant 0 : index
    %get3A_17 = vector.load %arg1[%get3A_14, %get3A_15, %get3A_16] : memref<2x10240x128xf32, #tpu.memory_space<vmem>>, vector<1x10240x128xf32>
    %get3A_18 = vector.shape_cast %get3A_17 : vector<1x10240x128xf32> to vector<10240x128xf32>
    %add3A = arith.addf %get3A_13, %get3A_18 : vector<10240x128xf32>
    %add3A_19 = arith.addf %add3A, %mul3A_5 : vector<10240x128xf32>
    %mul3A_20 = vector.broadcast %get3A_8 : vector<10240x1xf32> to vector<10240x128xf32>
    %mul3A_21 = arith.mulf %mul3A_20, %add3A_19 : vector<10240x128xf32>
    %get3A_22 = arith.constant 0 : index
    %get3A_23 = arith.constant 0 : index
    %get3A_24 = vector.load %arg4[%get3A_22, %get3A_23] : memref<128x128xf32, #tpu.memory_space<vmem>>, vector<128x128xf32>
    %dot_general3A = arith.constant dense<0.000000e+00> : vector<10240x128xf32>
    %dot_general3A_25 = tpu.matmul %mul3A_21, %get3A_24, %dot_general3A {dimension_numbers = #tpu.dot_dimension_numbers<[1], [0], [0], [1], [0, 0, 1, 1], [], []>, transpose_lhs_hint = false} : vector<10240x128xf32>, vector<128x128xf32>, vector<10240x128xf32> -> vector<10240x128xf32>
    %get3A_26 = arith.constant 0 : index
    %get3A_27 = arith.constant 0 : index
    %get3A_28 = vector.load %arg5[%get3A_26, %get3A_27] : memref<1x128xf32, #tpu.memory_space<vmem>>, vector<1x128xf32>
    %add3A_29 = vector.broadcast %get3A_28 : vector<1x128xf32> to vector<10240x128xf32>
    %add3A_30 = arith.addf %dot_general3A_25, %add3A_29 : vector<10240x128xf32>
    %slice3A = vector.extract_strided_slice %add3A_30 {offsets = [0, 0], sizes = [10000, 128], strides = [1, 1]} : vector<10240x128xf32> to vector<10000x128xf32>
    %reduce_sum3A = arith.constant dense<0.000000e+00> : vector<128xf32>
    %reduce_sum3A_31 = vector.multi_reduction <add>, %slice3A, %reduce_sum3A [0] : vector<10000x128xf32> to vector<128xf32>
    %broadcast_in_dim3A = vector.shape_cast %reduce_sum3A_31 : vector<128xf32> to vector<1x128xf32>
    %div3A = arith.constant 1.000000e+04 : f32
    %div3A_32 = vector.broadcast %div3A : f32 to vector<1x128xf32>
    %div3A_33 = arith.divf %broadcast_in_dim3A, %div3A_32 : vector<1x128xf32>
    %sub3A = vector.broadcast %div3A_33 : vector<1x128xf32> to vector<10000x128xf32>
    %sub3A_34 = arith.subf %slice3A, %sub3A : vector<10000x128xf32>
    %mul3A_35 = arith.mulf %sub3A_34, %sub3A_34 : vector<10000x128xf32>
    %reduce_sum3A_36 = arith.constant dense<0.000000e+00> : vector<128xf32>
    %reduce_sum3A_37 = vector.multi_reduction <add>, %mul3A_35, %reduce_sum3A_36 [0] : vector<10000x128xf32> to vector<128xf32>
    %broadcast_in_dim3A_38 = vector.shape_cast %reduce_sum3A_37 : vector<128xf32> to vector<1x128xf32>
    %div3A_39 = arith.constant 1.000000e+04 : f32
    %div3A_40 = vector.broadcast %div3A_39 : f32 to vector<1x128xf32>
    %div3A_41 = arith.divf %broadcast_in_dim3A_38, %div3A_40 : vector<1x128xf32>
    %add3A_42 = arith.constant 9.99999974E-6 : f32
    %add3A_43 = vector.broadcast %add3A_42 : f32 to vector<1x128xf32>
    %add3A_44 = arith.addf %div3A_41, %add3A_43 : vector<1x128xf32>
    %rsqrt3A = math.rsqrt %add3A_44 : vector<1x128xf32>
    %mul3A_45 = vector.broadcast %rsqrt3A : vector<1x128xf32> to vector<10000x128xf32>
    %mul3A_46 = arith.mulf %sub3A_34, %mul3A_45 : vector<10000x128xf32>
    %get3A_47 = arith.constant 0 : index
    %get3A_48 = arith.constant 0 : index
    %get3A_49 = vector.load %arg6[%get3A_47, %get3A_48] : memref<1x128xf32, #tpu.memory_space<vmem>>, vector<1x128xf32>
    %mul3A_50 = vector.broadcast %get3A_49 : vector<1x128xf32> to vector<10000x128xf32>
    %mul3A_51 = arith.mulf %mul3A_46, %mul3A_50 : vector<10000x128xf32>
    %get3A_52 = arith.constant 0 : index
    %get3A_53 = arith.constant 0 : index
    %get3A_54 = vector.load %arg7[%get3A_52, %get3A_53] : memref<1x128xf32, #tpu.memory_space<vmem>>, vector<1x128xf32>
    %add3A_55 = vector.broadcast %get3A_54 : vector<1x128xf32> to vector<10000x128xf32>
    %add3A_56 = arith.addf %mul3A_51, %add3A_55 : vector<10000x128xf32>
    %max3A = arith.constant 0.000000e+00 : f32
    %max3A_57 = vector.broadcast %max3A : f32 to vector<10000x128xf32>
    %max3A_58 = arith.maximumf %add3A_56, %max3A_57 : vector<10000x128xf32>
    %slice3A_59 = vector.extract_strided_slice %get3A_1 {offsets = [0, 0], sizes = [10000, 128], strides = [1, 1]} : vector<10240x128xf32> to vector<10000x128xf32>
    %add3A_60 = arith.addf %max3A_58, %slice3A_59 : vector<10000x128xf32>
    %broadcast_in_dim3A_61 = arith.constant 0.000000e+00 : f32
    %broadcast_in_dim3A_62 = vector.broadcast %broadcast_in_dim3A_61 : f32 to vector<240x128xf32>
    %swap3A = arith.constant 0 : index
    %swap3A_63 = arith.constant 0 : index
    %swap3A_64 = vector.load %arg8[%swap3A, %swap3A_63] : memref<10240x128xf32, #tpu.memory_space<vmem>>, vector<10000x128xf32>
    tpu.vector_store %arg8[%swap3A, %swap3A_63], %add3A_60 {strides = array<i32>} : memref<10240x128xf32, #tpu.memory_space<vmem>>, vector<10000x128xf32>,
    %swap3A_65 = arith.constant 10000 : index
    %swap3A_66 = arith.constant 0 : index
    %swap3A_67 = vector.load %arg8[%swap3A_65, %swap3A_66] : memref<10240x128xf32, #tpu.memory_space<vmem>>, vector<240x128xf32>
    tpu.vector_store %arg8[%swap3A_65, %swap3A_66], %broadcast_in_dim3A_62 {strides = array<i32>} : memref<10240x128xf32, #tpu.memory_space<vmem>>, vector<240x128xf32>,
    %slice3A_68 = vector.extract_strided_slice %get3A_4 {offsets = [0, 0], sizes = [10000, 1], strides = [1, 1]} : vector<10240x1xf32> to vector<10000x1xf32>
    %mul3A_69 = vector.broadcast %slice3A_68 : vector<10000x1xf32> to vector<10000x128xf32>
    %mul3A_70 = arith.mulf %add3A_60, %mul3A_69 : vector<10000x128xf32>
    %swap3A_71 = arith.constant 0 : index
    %swap3A_72 = arith.constant 0 : index
    %swap3A_73 = vector.load %arg9[%swap3A_71, %swap3A_72] : memref<10240x128xf32, #tpu.memory_space<vmem>>, vector<10000x128xf32>
    tpu.vector_store %arg9[%swap3A_71, %swap3A_72], %mul3A_70 {strides = array<i32>} : memref<10240x128xf32, #tpu.memory_space<vmem>>, vector<10000x128xf32>,
    %swap3A_74 = arith.constant 10000 : index
    %swap3A_75 = arith.constant 0 : index
    %swap3A_76 = vector.load %arg9[%swap3A_74, %swap3A_75] : memref<10240x128xf32, #tpu.memory_space<vmem>>, vector<240x128xf32>
    tpu.vector_store %arg9[%swap3A_74, %swap3A_75], %broadcast_in_dim3A_62 {strides = array<i32>} : memref<10240x128xf32, #tpu.memory_space<vmem>>, vector<240x128xf32>,
    return
  }
}

module attributes {stable_mosaic.version = 14 : i64} {
  func.func @_layer_body(%arg0: memref<10240x128xf32, #tpu.memory_space<vmem>>, %arg1: memref<2x10240x128xf32, #tpu.memory_space<vmem>>, %arg2: memref<10240x1xf32, #tpu.memory_space<vmem>>, %arg3: memref<10240x1xf32, #tpu.memory_space<vmem>>, %arg4: memref<128x128xf32, #tpu.memory_space<vmem>>, %arg5: memref<1x128xf32, #tpu.memory_space<vmem>>, %arg6: memref<1x128xf32, #tpu.memory_space<vmem>>, %arg7: memref<1x128xf32, #tpu.memory_space<vmem>>, %arg8: memref<10240x128xf32, #tpu.memory_space<vmem>>) attributes {dimension_semantics = [], scalar_prefetch = 0 : i64, scratch_operands = 0 : i64, tpu.core_type = #tpu.core_type<tc>} {
    %get3A = arith.constant 0 : index
    %get3A_0 = arith.constant 0 : index
    %get3A_1 = vector.load %arg0[%get3A, %get3A_0] : memref<10240x128xf32, #tpu.memory_space<vmem>>, vector<10240x128xf32>
    %get3A_2 = arith.constant 0 : index
    %get3A_3 = arith.constant 0 : index
    %get3A_4 = vector.load %arg2[%get3A_2, %get3A_3] : memref<10240x1xf32, #tpu.memory_space<vmem>>, vector<10240x1xf32>
    %mul3A = vector.broadcast %get3A_4 : vector<10240x1xf32> to vector<10240x128xf32>
    %mul3A_5 = arith.mulf %get3A_1, %mul3A : vector<10240x128xf32>
    %get3A_6 = arith.constant 0 : index
    %get3A_7 = arith.constant 0 : index
    %get3A_8 = vector.load %arg3[%get3A_6, %get3A_7] : memref<10240x1xf32, #tpu.memory_space<vmem>>, vector<10240x1xf32>
    %get3A_9 = arith.constant 0 : index
    %get3A_10 = arith.constant 0 : index
    %get3A_11 = arith.constant 0 : index
    %get3A_12 = vector.load %arg1[%get3A_9, %get3A_10, %get3A_11] : memref<2x10240x128xf32, #tpu.memory_space<vmem>>, vector<1x10240x128xf32>
    %get3A_13 = vector.shape_cast %get3A_12 : vector<1x10240x128xf32> to vector<10240x128xf32>
    %get3A_14 = arith.constant 1 : index
    %get3A_15 = arith.constant 0 : index
    %get3A_16 = arith.constant 0 : index
    %get3A_17 = vector.load %arg1[%get3A_14, %get3A_15, %get3A_16] : memref<2x10240x128xf32, #tpu.memory_space<vmem>>, vector<1x10240x128xf32>
    %get3A_18 = vector.shape_cast %get3A_17 : vector<1x10240x128xf32> to vector<10240x128xf32>
    %add3A = arith.addf %get3A_13, %get3A_18 : vector<10240x128xf32>
    %add3A_19 = arith.addf %add3A, %mul3A_5 : vector<10240x128xf32>
    %mul3A_20 = vector.broadcast %get3A_8 : vector<10240x1xf32> to vector<10240x128xf32>
    %mul3A_21 = arith.mulf %mul3A_20, %add3A_19 : vector<10240x128xf32>
    %get3A_22 = arith.constant 0 : index
    %get3A_23 = arith.constant 0 : index
    %get3A_24 = vector.load %arg4[%get3A_22, %get3A_23] : memref<128x128xf32, #tpu.memory_space<vmem>>, vector<128x128xf32>
    %dot_general3A = arith.constant dense<0.000000e+00> : vector<10240x128xf32>
    %dot_general3A_25 = tpu.matmul %mul3A_21, %get3A_24, %dot_general3A {dimension_numbers = #tpu.dot_dimension_numbers<[1], [0], [0], [1], [0, 0, 1, 1], [], []>, transpose_lhs_hint = false} : vector<10240x128xf32>, vector<128x128xf32>, vector<10240x128xf32> -> vector<10240x128xf32>
    %get3A_26 = arith.constant 0 : index
    %get3A_27 = arith.constant 0 : index
    %get3A_28 = vector.load %arg5[%get3A_26, %get3A_27] : memref<1x128xf32, #tpu.memory_space<vmem>>, vector<1x128xf32>
    %add3A_29 = vector.broadcast %get3A_28 : vector<1x128xf32> to vector<10240x128xf32>
    %add3A_30 = arith.addf %dot_general3A_25, %add3A_29 : vector<10240x128xf32>
    %slice3A = vector.extract_strided_slice %add3A_30 {offsets = [0, 0], sizes = [10000, 128], strides = [1, 1]} : vector<10240x128xf32> to vector<10000x128xf32>
    %reduce_sum3A = arith.constant dense<0.000000e+00> : vector<128xf32>
    %reduce_sum3A_31 = vector.multi_reduction <add>, %slice3A, %reduce_sum3A [0] : vector<10000x128xf32> to vector<128xf32>
    %broadcast_in_dim3A = vector.shape_cast %reduce_sum3A_31 : vector<128xf32> to vector<1x128xf32>
    %div3A = arith.constant 1.000000e+04 : f32
    %div3A_32 = vector.broadcast %div3A : f32 to vector<1x128xf32>
    %div3A_33 = arith.divf %broadcast_in_dim3A, %div3A_32 : vector<1x128xf32>
    %sub3A = vector.broadcast %div3A_33 : vector<1x128xf32> to vector<10000x128xf32>
    %sub3A_34 = arith.subf %slice3A, %sub3A : vector<10000x128xf32>
    %mul3A_35 = arith.mulf %sub3A_34, %sub3A_34 : vector<10000x128xf32>
    %reduce_sum3A_36 = arith.constant dense<0.000000e+00> : vector<128xf32>
    %reduce_sum3A_37 = vector.multi_reduction <add>, %mul3A_35, %reduce_sum3A_36 [0] : vector<10000x128xf32> to vector<128xf32>
    %broadcast_in_dim3A_38 = vector.shape_cast %reduce_sum3A_37 : vector<128xf32> to vector<1x128xf32>
    %div3A_39 = arith.constant 1.000000e+04 : f32
    %div3A_40 = vector.broadcast %div3A_39 : f32 to vector<1x128xf32>
    %div3A_41 = arith.divf %broadcast_in_dim3A_38, %div3A_40 : vector<1x128xf32>
    %add3A_42 = arith.constant 9.99999974E-6 : f32
    %add3A_43 = vector.broadcast %add3A_42 : f32 to vector<1x128xf32>
    %add3A_44 = arith.addf %div3A_41, %add3A_43 : vector<1x128xf32>
    %rsqrt3A = math.rsqrt %add3A_44 : vector<1x128xf32>
    %mul3A_45 = vector.broadcast %rsqrt3A : vector<1x128xf32> to vector<10000x128xf32>
    %mul3A_46 = arith.mulf %sub3A_34, %mul3A_45 : vector<10000x128xf32>
    %get3A_47 = arith.constant 0 : index
    %get3A_48 = arith.constant 0 : index
    %get3A_49 = vector.load %arg6[%get3A_47, %get3A_48] : memref<1x128xf32, #tpu.memory_space<vmem>>, vector<1x128xf32>
    %mul3A_50 = vector.broadcast %get3A_49 : vector<1x128xf32> to vector<10000x128xf32>
    %mul3A_51 = arith.mulf %mul3A_46, %mul3A_50 : vector<10000x128xf32>
    %get3A_52 = arith.constant 0 : index
    %get3A_53 = arith.constant 0 : index
    %get3A_54 = vector.load %arg7[%get3A_52, %get3A_53] : memref<1x128xf32, #tpu.memory_space<vmem>>, vector<1x128xf32>
    %add3A_55 = vector.broadcast %get3A_54 : vector<1x128xf32> to vector<10000x128xf32>
    %add3A_56 = arith.addf %mul3A_51, %add3A_55 : vector<10000x128xf32>
    %max3A = arith.constant 0.000000e+00 : f32
    %max3A_57 = vector.broadcast %max3A : f32 to vector<10000x128xf32>
    %max3A_58 = arith.maximumf %add3A_56, %max3A_57 : vector<10000x128xf32>
    %slice3A_59 = vector.extract_strided_slice %get3A_1 {offsets = [0, 0], sizes = [10000, 128], strides = [1, 1]} : vector<10240x128xf32> to vector<10000x128xf32>
    %add3A_60 = arith.addf %max3A_58, %slice3A_59 : vector<10000x128xf32>
    %broadcast_in_dim3A_61 = arith.constant 0.000000e+00 : f32
    %broadcast_in_dim3A_62 = vector.broadcast %broadcast_in_dim3A_61 : f32 to vector<240x128xf32>
    %swap3A = arith.constant 0 : index
    %swap3A_63 = arith.constant 0 : index
    %swap3A_64 = vector.load %arg8[%swap3A, %swap3A_63] : memref<10240x128xf32, #tpu.memory_space<vmem>>, vector<10000x128xf32>
    tpu.vector_store %arg8[%swap3A, %swap3A_63], %add3A_60 {strides = array<i32>} : memref<10240x128xf32, #tpu.memory_space<vmem>>, vector<10000x128xf32>,
    %swap3A_65 = arith.constant 10000 : index
    %swap3A_66 = arith.constant 0 : index
    %swap3A_67 = vector.load %arg8[%swap3A_65, %swap3A_66] : memref<10240x128xf32, #tpu.memory_space<vmem>>, vector<240x128xf32>
    tpu.vector_store %arg8[%swap3A_65, %swap3A_66], %broadcast_in_dim3A_62 {strides = array<i32>} : memref<10240x128xf32, #tpu.memory_space<vmem>>, vector<240x128xf32>,
    return
  }
}

</mosaic_0001>

<sc_bundles>
// kernel: kernel.10.cloned.1.call-start
scs
__scs_entry_jumppad:
0x0: {  	(pc) =	sbr.rel $0x88, $3  }
0x1: {  	(tag) =	ssettag $0x0;
	lr =	simm.s32 $0x1  }
0x2: {  	[smem:$0x3F93] =	sst lr;
	_ =	strace $0xD0000000  }
0x3: {  	_ = 	snop  }
0x4: {  	_ = 	snop  }
0x5: {  	_ = 	snop  }
0x6: {  	_ = 	snop  }
0x7: {  	_ = 	snop  }
__scs_overlays_trampoline_lowered:
0x8: {  	[smem:$0x3FA2] =	sst s0  }
0x9: {  	[smem:$0x3FA3] =	sst s1  }
0xa: {  	[smem:$0x3FA4] =	sst s2  }
0xb: {  	[smem:$0x3FA5] =	sst s3  }
0xc: {  	[smem:$0x3FA6] =	sst s4  }
0xd: {  	[smem:$0x3FA7] =	sst s5  }
0xe: {  	[smem:$0x3FA8] =	sst s6  }
0xf: {  	[smem:$0x3FA9] =	sst s7  }
0x10: {  	[smem:$0x3FAA] =	sst s8  }
0x11: {  	[smem:$0x3FAB] =	sst s9;
	s0 =	simm.s32 @!p0 $0x0  }
0x12: {  	s1 =	sld [smem:$0x3F91];
	s0 =	simm.s32 @p0 $0x1  }
0x13: {  	[smem:$0x3FAC] =	sst s0;
	s0 =	simm.s32 @!p1 $0x0  }
0x14: {  	s2 =	sld [smem:$0x3F90];
	s0 =	simm.s32 @p1 $0x1  }
0x15: {  	[smem:$0x3FAD] =	sst s0;
	s0 =	simm.s32 @!p2 $0x0  }
0x16: {  	s3 =	sld [smem:$0x3FDB];
	s0 =	simm.s32 @p2 $0x1  }
0x17: {  	s4 =	simm.s32 $0x1BF5;
	[smem:$0x3FAF] =	sst s0  }
0x18: {  	s0 =	sld [smem:$0x3F92];
	_ =	swait.ge [sflag:s4], $0x0  }
0x19: {  	s7 =	sld [smem:$0x3F93]  }
0x1a: {  	s8 =	sadd.s32 $0xFFFFE003, lr  }
0x1b: {  	s9 =	sadd.s32 $0xFFFFFEF7, lr;
	s5 =	simm.s32 $0xFFFFFFFF;
	p2 =	slt.u32 s8, $0xFFFFF086  }
0x1c: {  	p1 =	slt.u32 s9, $0xF7A;
	s5 =	simm.s32 @!p2 $0x0  }
0x1d: {  	s5 =	simm.s32 @p1 $0x1;
	p0 =	seq.s32 s7, s2  }
0x1e: {  	s7 =	smul.u32 @!p0 $0xF7A, s2;
	p2 =	seq.s32 @!p0 s5, $0x0  }
0x1f: {  	s9 =	smul.u32 $0xF7A, s1;
	s8 =	simm.s32 @!p0 $0x1BF5;
	p2 =	por !p2, p0  }
0x20: {  	[sflag:s8] =	ssyncset.s32 @!p0 $0xFFFFF086;
	s6 =	sadd.s32 @!p0 s3, s7;
	s7 =	simm.s32 @!p0 $0x108  }
0x21: {  	s3 =	sadd.s32 s3, s9;
	s6 =	sadd.s32 @!p0 $0x88, s6;
	s7 =	simm.s32 @p2 $0x1082  }
0x22: {  	[simem:s7], [sflag:s8] =	dma.local @!p0 [hbm:s6], $0xF7A  }
0x23: {  	s9 =	sor.u32 $0xD0000000, s2;
	s6 =	simm.s32 $0x108;
	_ =	swait.ge @!p0 [sflag:s8], $0x0  }
0x24: {  	s3 =	sadd.s32 $0x88, s3;
	s6 =	simm.s32 @!p1 $0x1082;
	[sflag:s4] =	ssyncset.s32 $0xFFFFF086  }
0x25: {  	[simem:s6], [sflag:s4] =	dma.local [hbm:s3], $0xF7A  }
0x26: {  	[smem:$0x3F93] =	sst s1;
	(tag) =	ssettag s2;
	_ =	strace s9  }
0x27: {  	s1 =	sld [smem:$0x3FA3]  }
0x28: {  	s2 =	sld [smem:$0x3FA4]  }
0x29: {  	s4 =	sld [smem:$0x3FA6]  }
0x2a: {  	p0 =	seq.s32 s5, $0x0;
	s5 =	sld [smem:$0x3FA7]  }
0x2b: {  	s6 =	sld [smem:$0x3FA8]  }
0x2c: {  	s7 =	sld [smem:$0x3FA9]  }
0x2d: {  	s3 =	simm.s32 $0x108;
	s8 =	sld [smem:$0x3FAA]  }
0x2e: {  	s3 =	simm.s32 @!p0 $0x1082;
	s9 =	sld [smem:$0x3FAB]  }
0x2f: {  	lr =	sadd.s32 s0, s3;
	s0 =	sld [smem:$0x3FA2]  }
0x30: {  	s3 =	sld [smem:$0x3FA5]  }
0x31: {  	[smem:$0x3FAE] =	sst s10  }
0x32: {  	s10 =	sld [smem:$0x3FAC];
	_ =	sdelay $0x3  }
0x33: {  	p0 =	seq.s32 s10, $0x1;
	s10 =	sld [smem:$0x3FAE];
	_ =	sdelay $0x3  }
0x34: {  	[smem:$0x3FAE] =	sst s10  }
0x35: {  	s10 =	sld [smem:$0x3FAD];
	_ =	sdelay $0x3  }
0x36: {  	p1 =	seq.s32 s10, $0x1;
	s10 =	sld [smem:$0x3FAE];
	_ =	sdelay $0x3  }
0x37: {  	[smem:$0x3FAE] =	sst s10  }
0x38: {  	s10 =	sld [smem:$0x3FAF]  }
0x39: {  	_ = 	snop;
	(pc) =	sbr.ind lr, $3  }
0x3a: {  	_ = 	snop  }
0x3b: {  	_ = 	snop  }
0x3c: {  	p2 =	seq.s32 s10, $0x1;
	s10 =	sld [smem:$0x3FAE]  }
0x3d: {  	_ =	shalt  }
0x3e: {  	_ =	shalt  }
0x3f: {  	_ =	shalt  }
0x40: {  	_ =	shalt  }
0x41: {  	_ =	shalt  }
0x42: {  	_ =	shalt  }
0x43: {  	_ =	shalt  }
0x44: {  	_ =	shalt  }
0x45: {  	_ =	shalt  }
0x46: {  	_ =	shalt  }
0x47: {  	_ =	shalt  }
0x48: {  	_ =	shalt  }
0x49: {  	_ =	shalt  }
0x4a: {  	_ =	shalt  }
0x4b: {  	_ =	shalt  }
0x4c: {  	_ =	shalt  }
0x4d: {  	_ =	shalt  }
0x4e: {  	_ =	shalt  }
0x4f: {  	_ =	shalt  }
0x50: {  	_ =	shalt  }
0x51: {  	_ =	shalt  }
0x52: {  	_ =	shalt  }
0x53: {  	_ =	shalt  }
0x54: {  	_ =	shalt  }
0x55: {  	_ =	shalt  }
0x56: {  	_ =	shalt  }
0x57: {  	_ =	shalt  }
0x58: {  	_ =	shalt  }
0x59: {  	_ =	shalt  }
0x5a: {  	_ =	shalt  }
0x5b: {  	_ =	shalt  }
0x5c: {  	_ =	shalt  }
0x5d: {  	_ =	shalt  }
0x5e: {  	_ =	shalt  }
0x5f: {  	_ =	shalt  }
0x60: {  	_ =	shalt  }
0x61: {  	_ =	shalt  }
0x62: {  	_ =	shalt  }
0x63: {  	_ =	shalt  }
0x64: {  	_ =	shalt  }
0x65: {  	_ =	shalt  }
0x66: {  	_ =	shalt  }
0x67: {  	_ =	shalt  }
0x68: {  	_ =	shalt  }
0x69: {  	_ =	shalt  }
0x6a: {  	_ =	shalt  }
0x6b: {  	_ =	shalt  }
0x6c: {  	_ =	shalt  }
0x6d: {  	_ =	shalt  }
0x6e: {  	_ =	shalt  }
0x6f: {  	_ =	shalt  }
0x70: {  	_ =	shalt  }
0x71: {  	_ =	shalt  }
0x72: {  	_ =	shalt  }
0x73: {  	_ =	shalt  }
0x74: {  	_ =	shalt  }
0x75: {  	_ =	shalt  }
0x76: {  	_ =	shalt  }
0x77: {  	_ =	shalt  }
0x78: {  	_ =	shalt  }
0x79: {  	_ =	shalt  }
0x7a: {  	_ =	shalt  }
0x7b: {  	_ =	shalt  }
0x7c: {  	_ =	shalt  }
0x7d: {  	_ =	shalt  }
0x7e: {  	_ =	shalt  }
0x7f: {  	_ =	shalt  }
0x80: {  	_ =	shalt  }
0x81: {  	_ =	shalt  }
0x82: {  	_ =	shalt  }
0x83: {  	_ =	shalt  }
0x84: {  	_ =	shalt  }
0x85: {  	_ =	shalt  }
0x86: {  	_ =	shalt  }
0x87: {  	_ =	shalt  }
.Lfunc_end0:
.L_simem_size_0:
called_computation_lowered:
.L_overlay_start_0:
0x88: {  	s2 =	sld [smem:$0x3FD9]  }
0x89: {  	s3 =	sld [smem:$0x3FFE];
	_ =	sdelay $0x1  }
0x8a: {  	s1 =	srdreg.scid  }
0x8b: {  	s0 =	sand.u32 $0x1, s1  }
0x8c: {  	s17 =	sshll.u32 s0, $0xA;
	s2 =	sadd.s32 s3, s2  }
0x8d: {  	s2 =	sadd.s32 s2, s17  }
0x8e: {  	[smem:$0x3FBA] =	sst s2  }
0x8f: {  	_ = 	snop  }
0x90: {  	s2 =	sld [smem:$0x3FD0];
	(tm) =	ssettm $0x1  }
0x91: {  	s18 =	sld [smem:$0x3FFB];
	_ =	sdelay $0x3  }
0x92: {  	_ =	strace s18  }
0x93: {  	s3 =	sld [smem:$0x3FFC];
	_ =	sdelay $0x3  }
0x94: {  	_ =	strace s3  }
0x95: {  	s3 =	sld [smem:$0x3FFD];
	_ =	sdelay $0x3  }
0x96: {  	_ =	strace s3  }
0x97: {  	_ =	strace $0x8FFFFFFF  }
0x98: {  	s19 =	sld [smem:$0x3FDB];
	_ =	sdelay $0x1  }
0x99: {  	s4 =	simm.s32 $_scs_section_size  }
0x9a: {  	s5 =	simm.s32 $_size__tile_overlayer_lowered;
	s6 =	simm.s32 $_tile_overlayer_lowered  }
0x9b: {  	s22 =	simm.s32 $0x1BFF;
	s21 =	sshll.u32 s6, $0x1;
	s3 =	sadd.s32 s4, s19  }
0x9c: {  	s7 =	simm.s32 $0x0;
	s20 =	sshll.u32 s5, $0x1;
	s5 =	sadd.s32 s21, s3  }
0x9d: {  	[timem:s7], [sflag:s22] =	dma.local [hbm:s5], s20  }
0x9e: {  	_ =	swait.ge [sflag:s22], s20  }
0x9f: {  	s4 =	ssub.s32 $0x0, s20;
	[sflag:s22] =	ssyncset.done $0x0  }
0xa0: {  	[sflag:s22] =	ssyncadd.s32 s4;
	_ =	sdelay $0x1  }
0xa1: {  	s23 =	simm.s32 $0x1B8B  }
0xa2: {  	_ =	swait.ge [sflag:s23], $0x1  }
0xa3: {  	[sflag:s23] =	ssyncset.done $0x0  }
0xa4: {  	s25 =	simm.s32 $0x1B8E;
	s24 =	sld [smem:$0x3FFE];
	[sflag:s23] =	ssyncadd.s32 $0xFFFFFFFF  }
0xa5: {  	s26 =	simm.s32 $execute0_lowered;
	[smem:$0x3FD2] =	sst s25  }
0xa6: {  	s5 =	sshll.u32 s26, $0x1;
	_ =	strace $0x80000046;
	[dreg:$0x1] =	wrdreg $0xFFFFFFFF  }
0xa7: {  	s28 =	simm.s32 $_size_execute0_lowered;
	s3 =	sadd.s32 s3, s5;
	[dreg:$0x0] =	wrdreg $0x0  }
0xa8: {  	s5 =	sshll.u32 s28, $0x1;
	[dreg:$0x2] =	wrdreg s3  }
0xa9: {  	[dreg:$0x3] =	wrdreg s5  }
0xaa: {  	[dreg:$0x4] =	wrdreg $0xC0  }
0xab: {  	_ =	task [dreg:s7], $0x5FFFF  }
0xac: {  	[dreg:$0x1] =	wrdreg $0xFFFFFFFF  }
0xad: {  	[dreg:$0x0] =	wrdreg $0x60  }
0xae: {  	[dreg:$0x2] =	wrdreg s2  }
0xaf: {  	[dreg:$0x3] =	wrdreg s24  }
0xb0: {  	[dreg:$0x4] =	wrdreg $0x81000  }
0xb1: {  	[dreg:$0x5] =	wrdreg $0xA9000  }
0xb2: {  	[dreg:$0x6] =	wrdreg $0x9  }
0xb3: {  	_ =	task.clear_ibuf [dreg:s7], $0x7FFFF;
	_ =	strace $0x90000046  }
0xb4: {  	s29 =	simm.s32 $0x9;
	_ =	strace $0x80000048  }
0xb5: {  	_ =	swait.ge [sflag:s29], $0x1  }
0xb6: {  	[sflag:s29] =	ssyncadd.s32 $0xFFFFFFFF  }
0xb7: {  	_ =	strace $0x90000048  }
0xb8: {  	_ =	sfence  }
0xb9: {  	s30 =	sld [smem:$0x0];
	_ =	sdelay $0x2  }
0xba: {  	s31 =	sshll.u32 s1, $0xD;
	s1 =	sshrl.u32 s1, $0x2  }
0xbb: {  	s3 =	sand.u32 $0x4000, s31;
	s1 =	sadd.s32 s1, s30  }
0xbc: {  	s0 =	sor.u32 s3, s0;
	s1 =	sshll.u32 s1, $0x11  }
0xbd: {  	s0 =	sor.u32 s1, s0  }
0xbe: {  	s0 =	sadd.s32 $0x8F2B, s0  }
0xbf: {  	[sflag:s0] =	ssyncadd.remote.s32 $0x1  }
0xc0: {  	_ =	sfence.sel $0xFFFF  }
0xc1: {  	[dreg:$0x0] =	wrdreg $0xFFFFFFFF;
	(pc) =	sbr.abs _section_cstart, $3  }
0xc2: {  	[dreg:$0x1] =	wrdreg $0xFFFFFFFF  }
0xc3: {  	_ =	task.clear_ibuf [dreg:s7], $0x2FFFF;
	_ =	strace $0x9FFFFFFF  }
0xc4: {  	(tm) =	ssettm $0x7FFFFFFF  }
0xc5: {  	_ =	shalt  }
tec
execute0_lowered:
.L_overlay_start_1:
0x0: {  	(tag) =	ssettag $0x1  }
0x1: {  	s0 =	rddreg [dreg:$0x0]  }
0x2: {  	s2 =	rddreg [dreg:$0x1]  }
0x3: {  	s1 =	rddreg [dreg:$0x2]  }
0x4: {  	s3 =	rddreg [dreg:$0x3]  }
0x5: {  	s4 =	simm.s32 $0x0;
	s8 =	stileid.u32;
	s6 =	srdreg.scid  }
0x6: {  	s31 =	simm.s32 $0x100;
	[smem:$0x7FF] =	sst s4;
	s5 =	smul.u32 $0xA00, s8  }
0x7: {  	s6 =	sand.u32 $0x1, s6;
	s14 =	smul.u32 $0x14000, s8;
	s24 =	sadd.s32 $0xE000, s2  }
0x8: {  	s17 =	sadd.s32 $0xF000, s2;
	_ =	strace $0x80000047;
	s15 =	smul.u32 $0x280000, s6  }
0x9: {  	s7 =	ssub.s32 $0x2, s6;
	[dreg:$0x5] =	wrdreg s24;
	s23 =	smul.u32 $0x500, s6  }
0xa: {  	s13 =	sadd.s32 s5, s2;
	s25 =	sshrl.u32 s7, $0x1;
	s2 =	sadd.s32 $0xE800, s2  }
0xb: {  	s8 =	sadd.s32 s14, s3;
	s26 =	sadd.s32 $0x4000, s14;
	s16 =	sadd.s32 $0x8000, s14  }
0xc: {  	s19 =	sadd.s32 $0xC000, s14;
	s0 =	sadd.s32 s5, s0;
	s5 =	simm.s32 $0x80  }
0xd: {  	s24 =	ssub.s32 s7, s25;
	[dreg:$0x6] =	wrdreg s2;
	s7 =	sadd.s32 s14, s1  }
0xe: {  	s9 =	sadd.s32 s26, s1;
	s10 =	sadd.s32 s26, s3;
	s11 =	sadd.s32 s16, s1  }
0xf: {  	s12 =	sadd.s32 s16, s3;
	s18 =	sadd.s32 s14, s15;
	s2 =	sadd.s32 s15, s26  }
0x10: {  	s14 =	sadd.s32 $0x10000, s14;
	s20 =	sadd.s32 s15, s19;
	s6 =	sadd.s32 s23, s13  }
0x11: {  	s18 =	sshrl.u32 s18, $0x3;
	s2 =	sshrl.u32 s2, $0x3;
	s21 =	sadd.s32 s15, s14  }
0x12: {  	s25 =	sadd.s32 s17, s18;
	s26 =	sadd.s32 s17, s2;
	s18 =	sadd.s32 s15, s16  }
0x13: {  	s16 =	sshrl.u32 s20, $0x3;
	s22 =	sshrl.u32 s21, $0x3;
	s20 =	sadd.s32 s14, s1  }
0x14: {  	s21 =	sadd.s32 s14, s3;
	s14 =	smax.u32 s24, $0x1;
	s2 =	sshrl.u32 s18, $0x3  }
0x15: {  	s16 =	sadd.s32 s17, s16;
	s18 =	sadd.s32 s19, s1;
	[dreg:$0x7] =	wrdreg s25  }
0x16: {  	s19 =	sadd.s32 s19, s3;
	s13 =	sadd.s32 $0x28000, s25;
	[dreg:$0x9] =	wrdreg s14  }
0x17: {  	s25 =	sadd.s32 $0x4000, s6;
	s24 =	smov.u32 s26;
	s6 =	simm.s32 $0x0  }
0x18: {  	s15 =	sadd.s32 s17, s2;
	s17 =	sadd.s32 s17, s22;
	s22 =	sadd.s32 s23, s0  }
0x19: {  	[dreg:$0x8] =	wrdreg s13;
	s23 =	sadd.s32 $0x28000, s26;
	s29 =	sadd.s32 $0x28000, s16  }
0x1a: {  	s0 =	simm.s32 $0x1;
	s2 =	simm.s32 $0x4100;
	[dreg:$0xa] =	wrdreg s23  }
0x1b: {  	s23 =	smov.u32 s15;
	s26 =	sadd.s32 $0x28000, s15;
	s28 =	smov.u32 s17  }
0x1c: {  	s30 =	sadd.s32 $0x28000, s17;
	[dreg:$0xb] =	wrdreg s26;
	s26 =	smov.u32 s16  }
.LBB2_1:
0x1d: {  	s13 =	rddreg [dreg:$0x6]  }
0x1e: {  	[tilespmem:s31], [sflag:$0x1] =	stream.linear.gather [hbm4b:s13+s4], $0x4000, $0x38;
	[tilespmem:$0xD100] =	vst v63  }
0x1f: {  	_ =	swait.ge [sflag:s0], $0x4000  }
0x20: {  	[sflag:s0] =	ssyncset.done $0x0  }
0x21: {  	s15 =	rddreg [dreg:$0x5];
	[sflag:s0] =	ssyncadd.s32 $0xFFFFC000  }
0x22: {  	[tilespmem:s2], [sflag:$0x1] =	stream.linear.gather [hbm4b:s15+s4], $0x4000, $0x38;
	[tilespmem:$0xD100] =	vst v63  }
0x23: {  	_ =	swait.ge [sflag:s0], $0x4000  }
0x24: {  	[sflag:s0] =	ssyncset.done $0x0  }
0x25: {  	[sflag:s0] =	ssyncadd.s32 $0xFFFFC000  }
0x26: {  	[spmem:s7] =	stream.linear.scatter [tilespmem:s2], [sflag:$0x1], $0x4000, $0x38;
	[tilespmem:$0xD100] =	vst v63  }
0x27: {  	_ =	swait.ge [sflag:s0], $0x4000  }
0x28: {  	[sflag:s0] =	ssyncset.done $0x0  }
0x29: {  	[sflag:s0] =	ssyncadd.s32 $0xFFFFC000  }
0x2a: {  	[spmem:s8] =	stream.linear.scatter [tilespmem:s2], [sflag:$0x1], $0x4000, $0x38;
	[tilespmem:$0xD100] =	vst v63  }
0x2b: {  	_ =	swait.ge [sflag:s0], $0x4000  }
0x2c: {  	[sflag:s0] =	ssyncset.done $0x0  }
0x2d: {  	[sflag:s0] =	ssyncadd.s32 $0xFFFFC000  }
0x2e: {  	[spmem:s9] =	stream.linear.scatter [tilespmem:s2], [sflag:$0x1], $0x4000, $0x38;
	[tilespmem:$0xD100] =	vst v63  }
0x2f: {  	_ =	swait.ge [sflag:s0], $0x4000  }
0x30: {  	[sflag:s0] =	ssyncset.done $0x0  }
0x31: {  	[sflag:s0] =	ssyncadd.s32 $0xFFFFC000  }
0x32: {  	[spmem:s10] =	stream.linear.scatter [tilespmem:s2], [sflag:$0x1], $0x4000, $0x38;
	[tilespmem:$0xD100] =	vst v63  }
0x33: {  	_ =	swait.ge [sflag:s0], $0x4000  }
0x34: {  	[sflag:s0] =	ssyncset.done $0x0  }
0x35: {  	[sflag:s0] =	ssyncadd.s32 $0xFFFFC000  }
0x36: {  	[spmem:s11] =	stream.linear.scatter [tilespmem:s2], [sflag:$0x1], $0x4000, $0x38;
	[tilespmem:$0xD100] =	vst v63  }
0x37: {  	_ =	swait.ge [sflag:s0], $0x4000  }
0x38: {  	[sflag:s0] =	ssyncset.done $0x0  }
0x39: {  	[sflag:s0] =	ssyncadd.s32 $0xFFFFC000  }
0x3a: {  	[spmem:s12] =	stream.linear.scatter [tilespmem:s2], [sflag:$0x1], $0x4000, $0x38;
	[tilespmem:$0xD100] =	vst v63  }
0x3b: {  	_ =	swait.ge [sflag:s0], $0x4000  }
0x3c: {  	[sflag:s0] =	ssyncset.done $0x0  }
0x3d: {  	[sflag:s0] =	ssyncadd.s32 $0xFFFFC000  }
0x3e: {  	[spmem:s18] =	stream.linear.scatter [tilespmem:s2], [sflag:$0x1], $0x4000, $0x38;
	[tilespmem:$0xD100] =	vst v63  }
0x3f: {  	_ =	swait.ge [sflag:s0], $0x4000  }
0x40: {  	[sflag:s0] =	ssyncset.done $0x0  }
0x41: {  	[sflag:s0] =	ssyncadd.s32 $0xFFFFC000  }
0x42: {  	[spmem:s19] =	stream.linear.scatter [tilespmem:s2], [sflag:$0x1], $0x4000, $0x38;
	[tilespmem:$0xD100] =	vst v63  }
0x43: {  	_ =	swait.ge [sflag:s0], $0x4000  }
0x44: {  	[sflag:s0] =	ssyncset.done $0x0  }
0x45: {  	[sflag:s0] =	ssyncadd.s32 $0xFFFFC000  }
0x46: {  	[spmem:s20] =	stream.linear.scatter [tilespmem:s2], [sflag:$0x1], $0x4000, $0x38;
	[tilespmem:$0xD100] =	vst v63  }
0x47: {  	_ =	swait.ge [sflag:s0], $0x4000  }
0x48: {  	[sflag:s0] =	ssyncset.done $0x0  }
0x49: {  	[sflag:s0] =	ssyncadd.s32 $0xFFFFC000  }
0x4a: {  	[spmem:s21] =	stream.linear.scatter [tilespmem:s2], [sflag:$0x1], $0x4000, $0x38;
	[tilespmem:$0xD100] =	vst v63  }
0x4b: {  	_ =	swait.ge [sflag:s0], $0x4000  }
0x4c: {  	[sflag:s0] =	ssyncset.done $0x0  }
0x4d: {  	[sflag:s0] =	ssyncadd.s32 $0xFFFFC000  }
0x4e: {  	s16 =	sadd.s32 $0x0, s22;
	[bflag:$0x0] =	sbarrier.arrive $0xFFFF  }
0x4f: {  	[tilespmem:s4], [sflag:$0x1] =	stream.linear.gather [hbm4b:s16+s4], $0x80, $0x38;
	[tilespmem:$0xD100] =	vst v63  }
0x50: {  	_ =	swait.ge [sflag:s0], $0x80  }
0x51: {  	[sflag:s0] =	ssyncset.done $0x0  }
0x52: {  	s17 =	sadd.s32 $0x0, s25;
	[sflag:s0] =	ssyncadd.s32 $0xFFFFFF80  }
0x53: {  	[tilespmem:s5], [sflag:$0x1] =	stream.linear.gather [hbm4b:s17+s4], $0x80, $0x38;
	[tilespmem:$0xD100] =	vst v63  }
0x54: {  	_ =	swait.ge [sflag:s0], $0x80  }
0x55: {  	[sflag:s0] =	ssyncset.done $0x0  }
0x56: {  	[sflag:s0] =	ssyncadd.s32 $0xFFFFFF80  }
0x57: {  	[spmem:s1] =	stream.indirect.scatter.add.f32 [tilespmem:s31], [sflag:$0x1], $0x10, s4, s5, $0xb8;
	[tilespmem:$0xD100] =	vst v63  }
0x58: {  	_ =	swait.ge [sflag:s0], $0x800  }
0x59: {  	[sflag:s0] =	ssyncset.done $0x0  }
0x5a: {  	[sflag:s0] =	ssyncadd.s32 $0xFFFFF800  }
0x5b: {  	[spmem:s3] =	stream.indirect.scatter.add.f32 [tilespmem:s31], [sflag:$0x1], $0x10, s5, s5, $0xb8;
	[tilespmem:$0xD100] =	vst v63  }
0x5c: {  	_ =	swait.ge [sflag:s0], $0x800  }
0x5d: {  	s14 =	simm.s32 $0x20;
	s13 =	simm.s32 $0x10;
	[sflag:s0] =	ssyncset.done $0x0  }
.LBB2_2:
0x5e: {  	s15 =	sadd.s32 s13, s22  }
0x5f: {  	[sflag:s0] =	ssyncadd.s32 $0xFFFFF800;
	s16 =	smov.u32 s14;
	s17 =	sadd.s32 $0x10, s14  }
0x60: {  	[tilespmem:s4], [sflag:$0x1] =	stream.linear.gather [hbm4b:s15+s4], $0x80, $0x38;
	[tilespmem:$0xD100] =	vst v63  }
0x61: {  	p0 =	sne.s32 s14, $0x4F0;
	_ =	swait.ge [sflag:s0], $0x80  }
0x62: {  	[sflag:s0] =	ssyncset.done $0x0  }
0x63: {  	s14 =	sadd.s32 s13, s25;
	s13 =	smov.u32 s16;
	[sflag:s0] =	ssyncadd.s32 $0xFFFFFF80  }
0x64: {  	[tilespmem:s5], [sflag:$0x1] =	stream.linear.gather [hbm4b:s14+s4], $0x80, $0x38;
	[tilespmem:$0xD100] =	vst v63  }
0x65: {  	_ =	swait.ge [sflag:s0], $0x80  }
0x66: {  	[sflag:s0] =	ssyncset.done $0x0  }
0x67: {  	[sflag:s0] =	ssyncadd.s32 $0xFFFFFF80  }
0x68: {  	[spmem:s1] =	stream.indirect.scatter.add.f32 [tilespmem:s31], [sflag:$0x1], $0x10, s4, s5, $0xb8;
	[tilespmem:$0xD100] =	vst v63  }
0x69: {  	_ =	swait.ge [sflag:s0], $0x800  }
.Ltmp0:
0x6a: {  	[sflag:s0] =	ssyncset.done $0x0;
	(pc) =	sbr.rel @p0 .LBB2_2-.Ltmp0, $4  }
0x6b: {  	[sflag:s0] =	ssyncadd.s32 $0xFFFFF800  }
0x6c: {  	[spmem:s3] =	stream.indirect.scatter.add.f32 [tilespmem:s31], [sflag:$0x1], $0x10, s5, s5, $0xb8;
	[tilespmem:$0xD100] =	vst v63  }
0x6d: {  	_ =	swait.ge [sflag:s0], $0x800  }
0x6e: {  	s14 =	smov.u32 s17;
	[sflag:s0] =	ssyncset.done $0x0  }
0x6f: {  	s14 =	sadd.s32 s13, s22;
	[sflag:s0] =	ssyncadd.s32 $0xFFFFF800  }
0x70: {  	[tilespmem:s4], [sflag:$0x1] =	stream.linear.gather [hbm4b:s14+s4], $0x80, $0x38;
	[tilespmem:$0xD100] =	vst v63  }
0x71: {  	_ =	swait.ge [sflag:s0], $0x80  }
0x72: {  	[sflag:s0] =	ssyncset.done $0x0  }
0x73: {  	s16 =	sadd.s32 s13, s25;
	[sflag:s0] =	ssyncadd.s32 $0xFFFFFF80  }
0x74: {  	[tilespmem:s5], [sflag:$0x1] =	stream.linear.gather [hbm4b:s16+s4], $0x80, $0x38;
	[tilespmem:$0xD100] =	vst v63  }
0x75: {  	_ =	swait.ge [sflag:s0], $0x80  }
0x76: {  	[sflag:s0] =	ssyncset.done $0x0  }
0x77: {  	[sflag:s0] =	ssyncadd.s32 $0xFFFFFF80  }
0x78: {  	[spmem:s1] =	stream.indirect.scatter.add.f32 [tilespmem:s31], [sflag:$0x1], $0x10, s4, s5, $0xb8;
	[tilespmem:$0xD100] =	vst v63  }
0x79: {  	_ =	swait.ge [sflag:s0], $0x800  }
0x7a: {  	[sflag:s0] =	ssyncset.done $0x0  }
0x7b: {  	[sflag:s0] =	ssyncadd.s32 $0xFFFFF800  }
0x7c: {  	[spmem:s3] =	stream.indirect.scatter.add.f32 [tilespmem:s31], [sflag:$0x1], $0x10, s5, s5, $0xb8;
	[tilespmem:$0xD100] =	vst v63  }
0x7d: {  	_ =	swait.ge [sflag:s0], $0x800  }
0x7e: {  	[sflag:s0] =	ssyncset.done $0x0  }
0x7f: {  	[sflag:s0] =	ssyncadd.s32 $0xFFFFF800  }
0x80: {  	[bflag:$0x0] =	sbarrier.arrive $0xFFFF  }
0x81: {  	[tilespmem:s2], [sflag:$0x1] =	stream.linear.gather [spmem:s7], $0x4000, $0x38;
	[tilespmem:$0xD100] =	vst v63  }
0x82: {  	_ =	swait.ge [sflag:s0], $0x4000  }
0x83: {  	[sflag:s0] =	ssyncset.done $0x0  }
0x84: {  	s17 =	rddreg [dreg:$0x7];
	[sflag:s0] =	ssyncadd.s32 $0xFFFFC000  }
0x85: {  	[hbm4b:s17+s4] =	stream.linear.scatter [tilespmem:s2], [sflag:$0x1], $0x4000, $0x38;
	[tilespmem:$0xD100] =	vst v63  }
0x86: {  	_ =	swait.ge [sflag:s0], $0x4000  }
0x87: {  	[sflag:s0] =	ssyncset.done $0x0  }
0x88: {  	[sflag:s0] =	ssyncadd.s32 $0xFFFFC000  }
0x89: {  	[tilespmem:s2], [sflag:$0x1] =	stream.linear.gather [spmem:s8], $0x4000, $0x38;
	[tilespmem:$0xD100] =	vst v63  }
0x8a: {  	_ =	swait.ge [sflag:s0], $0x4000  }
0x8b: {  	[sflag:s0] =	ssyncset.done $0x0  }
0x8c: {  	s14 =	rddreg [dreg:$0x8];
	[sflag:s0] =	ssyncadd.s32 $0xFFFFC000  }
0x8d: {  	[hbm4b:s14+s4] =	stream.linear.scatter [tilespmem:s2], [sflag:$0x1], $0x4000, $0x38;
	[tilespmem:$0xD100] =	vst v63  }
0x8e: {  	_ =	swait.ge [sflag:s0], $0x4000  }
0x8f: {  	[sflag:s0] =	ssyncset.done $0x0  }
0x90: {  	[sflag:s0] =	ssyncadd.s32 $0xFFFFC000  }
0x91: {  	[tilespmem:s2], [sflag:$0x1] =	stream.linear.gather [spmem:s9], $0x4000, $0x38;
	[tilespmem:$0xD100] =	vst v63  }
0x92: {  	_ =	swait.ge [sflag:s0], $0x4000  }
0x93: {  	[sflag:s0] =	ssyncset.done $0x0  }
0x94: {  	[sflag:s0] =	ssyncadd.s32 $0xFFFFC000  }
0x95: {  	[hbm4b:s24+s4] =	stream.linear.scatter [tilespmem:s2], [sflag:$0x1], $0x4000, $0x38;
	[tilespmem:$0xD100] =	vst v63  }
0x96: {  	_ =	swait.ge [sflag:s0], $0x4000  }
0x97: {  	[sflag:s0] =	ssyncset.done $0x0  }
0x98: {  	[sflag:s0] =	ssyncadd.s32 $0xFFFFC000  }
0x99: {  	[tilespmem:s2], [sflag:$0x1] =	stream.linear.gather [spmem:s10], $0x4000, $0x38;
	[tilespmem:$0xD100] =	vst v63  }
0x9a: {  	_ =	swait.ge [sflag:s0], $0x4000  }
0x9b: {  	[sflag:s0] =	ssyncset.done $0x0  }
0x9c: {  	s15 =	rddreg [dreg:$0xa];
	[sflag:s0] =	ssyncadd.s32 $0xFFFFC000  }
0x9d: {  	[hbm4b:s15+s4] =	stream.linear.scatter [tilespmem:s2], [sflag:$0x1], $0x4000, $0x38;
	[tilespmem:$0xD100] =	vst v63  }
0x9e: {  	_ =	swait.ge [sflag:s0], $0x4000  }
0x9f: {  	[sflag:s0] =	ssyncset.done $0x0  }
0xa0: {  	[sflag:s0] =	ssyncadd.s32 $0xFFFFC000  }
0xa1: {  	[tilespmem:s2], [sflag:$0x1] =	stream.linear.gather [spmem:s11], $0x4000, $0x38;
	[tilespmem:$0xD100] =	vst v63  }
0xa2: {  	_ =	swait.ge [sflag:s0], $0x4000  }
0xa3: {  	[sflag:s0] =	ssyncset.done $0x0  }
0xa4: {  	[sflag:s0] =	ssyncadd.s32 $0xFFFFC000  }
0xa5: {  	[hbm4b:s23+s4] =	stream.linear.scatter [tilespmem:s2], [sflag:$0x1], $0x4000, $0x38;
	[tilespmem:$0xD100] =	vst v63  }
0xa6: {  	_ =	swait.ge [sflag:s0], $0x4000  }
0xa7: {  	[sflag:s0] =	ssyncset.done $0x0  }
0xa8: {  	[sflag:s0] =	ssyncadd.s32 $0xFFFFC000  }
0xa9: {  	[tilespmem:s2], [sflag:$0x1] =	stream.linear.gather [spmem:s12], $0x4000, $0x38;
	[tilespmem:$0xD100] =	vst v63  }
0xaa: {  	_ =	swait.ge [sflag:s0], $0x4000  }
0xab: {  	[sflag:s0] =	ssyncset.done $0x0  }
0xac: {  	s16 =	rddreg [dreg:$0xb];
	[sflag:s0] =	ssyncadd.s32 $0xFFFFC000  }
0xad: {  	[hbm4b:s16+s4] =	stream.linear.scatter [tilespmem:s2], [sflag:$0x1], $0x4000, $0x38;
	[tilespmem:$0xD100] =	vst v63  }
0xae: {  	_ =	swait.ge [sflag:s0], $0x4000  }
0xaf: {  	[sflag:s0] =	ssyncset.done $0x0  }
0xb0: {  	[sflag:s0] =	ssyncadd.s32 $0xFFFFC000  }
0xb1: {  	[tilespmem:s2], [sflag:$0x1] =	stream.linear.gather [spmem:s18], $0x4000, $0x38;
	[tilespmem:$0xD100] =	vst v63  }
0xb2: {  	_ =	swait.ge [sflag:s0], $0x4000  }
0xb3: {  	[sflag:s0] =	ssyncset.done $0x0  }
0xb4: {  	[sflag:s0] =	ssyncadd.s32 $0xFFFFC000  }
0xb5: {  	[hbm4b:s26+s4] =	stream.linear.scatter [tilespmem:s2], [sflag:$0x1], $0x4000, $0x38;
	[tilespmem:$0xD100] =	vst v63  }
0xb6: {  	_ =	swait.ge [sflag:s0], $0x4000  }
0xb7: {  	[sflag:s0] =	ssyncset.done $0x0  }
0xb8: {  	[sflag:s0] =	ssyncadd.s32 $0xFFFFC000  }
0xb9: {  	[tilespmem:s2], [sflag:$0x1] =	stream.linear.gather [spmem:s19], $0x4000, $0x38;
	[tilespmem:$0xD100] =	vst v63  }
0xba: {  	_ =	swait.ge [sflag:s0], $0x4000  }
0xbb: {  	[sflag:s0] =	ssyncset.done $0x0  }
0xbc: {  	[sflag:s0] =	ssyncadd.s32 $0xFFFFC000  }
0xbd: {  	[hbm4b:s29+s4] =	stream.linear.scatter [tilespmem:s2], [sflag:$0x1], $0x4000, $0x38;
	[tilespmem:$0xD100] =	vst v63  }
0xbe: {  	_ =	swait.ge [sflag:s0], $0x4000  }
0xbf: {  	[sflag:s0] =	ssyncset.done $0x0  }
0xc0: {  	[sflag:s0] =	ssyncadd.s32 $0xFFFFC000  }
0xc1: {  	[tilespmem:s2], [sflag:$0x1] =	stream.linear.gather [spmem:s20], $0x4000, $0x38;
	[tilespmem:$0xD100] =	vst v63  }
0xc2: {  	_ =	swait.ge [sflag:s0], $0x4000  }
0xc3: {  	[sflag:s0] =	ssyncset.done $0x0  }
0xc4: {  	[sflag:s0] =	ssyncadd.s32 $0xFFFFC000  }
0xc5: {  	[hbm4b:s28+s4] =	stream.linear.scatter [tilespmem:s2], [sflag:$0x1], $0x4000, $0x38;
	[tilespmem:$0xD100] =	vst v63  }
0xc6: {  	_ =	swait.ge [sflag:s0], $0x4000  }
0xc7: {  	[sflag:s0] =	ssyncset.done $0x0  }
0xc8: {  	[sflag:s0] =	ssyncadd.s32 $0xFFFFC000  }
0xc9: {  	[tilespmem:s2], [sflag:$0x1] =	stream.linear.gather [spmem:s21], $0x4000, $0x38;
	[tilespmem:$0xD100] =	vst v63  }
0xca: {  	_ =	swait.ge [sflag:s0], $0x4000  }
0xcb: {  	[sflag:s0] =	ssyncset.done $0x0  }
0xcc: {  	[sflag:s0] =	ssyncadd.s32 $0xFFFFC000  }
0xcd: {  	[hbm4b:s30+s4] =	stream.linear.scatter [tilespmem:s2], [sflag:$0x1], $0x4000, $0x38;
	[tilespmem:$0xD100] =	vst v63  }
0xce: {  	_ =	swait.ge [sflag:s0], $0x4000  }
0xcf: {  	s6 =	sadd.s32 $0x1, s6;
	s17 =	rddreg [dreg:$0x9]  }
0xd0: {  	p0 =	sne.s32 s6, s17  }
.Ltmp1:
0xd1: {  	_ = 	snop;
	(pc) =	sbr.rel @p0 .LBB2_1-.Ltmp1, $3  }
0xd2: {  	_ =	sdelay $0x1  }
0xd3: {  	[sflag:s0] =	ssyncset.done $0x0  }
0xd4: {  	[sflag:s0] =	ssyncadd.s32 $0xFFFFC000  }
0xd5: {  	_ =	sfence.sel $0x180000  }
0xd6: {  	[bflag:$0x0] =	sbarrier.arrive $0xFFFF  }
0xd7: {  	_ =	strace $0x90000047  }
0xd8: {  	s0 =	stileid.u32;
	[bflag:$0x2] =	sbarrier.arrive $0xFFFF  }
0xd9: {  	p0 =	sne.s32 s0, $0x0;
	s0 =	rddreg [dreg:$0x4]  }
0xda: {  	s0 =	sadd.s32 @!p0 $0x100000, s0  }
0xdb: {  	[sflag:s0] =	ssyncadd.tile.s32 @!p0 $0x1;
	_ =	shalt  }
.Lfunc_end2:
_tile_overlayer_lowered:
.L_overlay_start_2:
0xdc: {  	(tag) =	ssettag $0x2  }
0xdd: {  	s0 =	rddreg [dreg:$0x0];
	s2 =	stileid.u32  }
0xde: {  	s1 =	rddreg [dreg:$0x1];
	p0 =	sne.s32 s2, $0x0  }
0xdf: {  	s3 =	rddreg [dreg:$0x2];
	[bflag:$0x3] =	sbarrier.arrive $0xFFFF;
	s2 =	simm.s32 @!p0 $0x1C01  }
0xe0: {  	[timem:s3], [sflag:s2] =	dma.local @!p0 [hbm:s0], s1  }
0xe1: {  	s0 =	simm.s32 @!p0 $0x1  }
0xe2: {  	_ =	swait.ge @!p0 [sflag:s0], s1  }
0xe3: {  	s1 =	ssub.s32 @!p0 $0x0, s1;
	[sflag:s0] =	ssyncset.done @!p0 $0x0  }
0xe4: {  	[sflag:s0] =	ssyncadd.s32 @!p0 s1  }
0xe5: {  	[bflag:$0x3] =	sbarrier.arrive $0xFFFF  }
0xe6: {  	_ =	shalt  }

// kernel: kernel.13.cloned.1.call-start
scs
__scs_entry_jumppad:
0x0: {  	(pc) =	sbr.rel $0x88, $3  }
0x1: {  	(tag) =	ssettag $0x0;
	lr =	simm.s32 $0x1  }
0x2: {  	[smem:$0x3F93] =	sst lr;
	_ =	strace $0xD0000000  }
0x3: {  	_ = 	snop  }
0x4: {  	_ = 	snop  }
0x5: {  	_ = 	snop  }
0x6: {  	_ = 	snop  }
0x7: {  	_ = 	snop  }
__scs_overlays_trampoline_lowered:
0x8: {  	[smem:$0x3FA2] =	sst s0  }
0x9: {  	[smem:$0x3FA3] =	sst s1  }
0xa: {  	[smem:$0x3FA4] =	sst s2  }
0xb: {  	[smem:$0x3FA5] =	sst s3  }
0xc: {  	[smem:$0x3FA6] =	sst s4  }
0xd: {  	[smem:$0x3FA7] =	sst s5  }
0xe: {  	[smem:$0x3FA8] =	sst s6  }
0xf: {  	[smem:$0x3FA9] =	sst s7  }
0x10: {  	[smem:$0x3FAA] =	sst s8  }
0x11: {  	[smem:$0x3FAB] =	sst s9;
	s0 =	simm.s32 @!p0 $0x0  }
0x12: {  	s1 =	sld [smem:$0x3F91];
	s0 =	simm.s32 @p0 $0x1  }
0x13: {  	[smem:$0x3FAC] =	sst s0;
	s0 =	simm.s32 @!p1 $0x0  }
0x14: {  	s2 =	sld [smem:$0x3F90];
	s0 =	simm.s32 @p1 $0x1  }
0x15: {  	[smem:$0x3FAD] =	sst s0;
	s0 =	simm.s32 @!p2 $0x0  }
0x16: {  	s3 =	sld [smem:$0x3FDB];
	s0 =	simm.s32 @p2 $0x1  }
0x17: {  	s4 =	simm.s32 $0x1BF5;
	[smem:$0x3FAF] =	sst s0  }
0x18: {  	s0 =	sld [smem:$0x3F92];
	_ =	swait.ge [sflag:s4], $0x0  }
0x19: {  	s7 =	sld [smem:$0x3F93]  }
0x1a: {  	s8 =	sadd.s32 $0xFFFFE003, lr  }
0x1b: {  	s9 =	sadd.s32 $0xFFFFFEF7, lr;
	s5 =	simm.s32 $0xFFFFFFFF;
	p2 =	slt.u32 s8, $0xFFFFF086  }
0x1c: {  	p1 =	slt.u32 s9, $0xF7A;
	s5 =	simm.s32 @!p2 $0x0  }
0x1d: {  	s5 =	simm.s32 @p1 $0x1;
	p0 =	seq.s32 s7, s2  }
0x1e: {  	s7 =	smul.u32 @!p0 $0xF7A, s2;
	p2 =	seq.s32 @!p0 s5, $0x0  }
0x1f: {  	s9 =	smul.u32 $0xF7A, s1;
	s8 =	simm.s32 @!p0 $0x1BF5;
	p2 =	por !p2, p0  }
0x20: {  	[sflag:s8] =	ssyncset.s32 @!p0 $0xFFFFF086;
	s6 =	sadd.s32 @!p0 s3, s7;
	s7 =	simm.s32 @!p0 $0x108  }
0x21: {  	s3 =	sadd.s32 s3, s9;
	s6 =	sadd.s32 @!p0 $0x88, s6;
	s7 =	simm.s32 @p2 $0x1082  }
0x22: {  	[simem:s7], [sflag:s8] =	dma.local @!p0 [hbm:s6], $0xF7A  }
0x23: {  	s9 =	sor.u32 $0xD0000000, s2;
	s6 =	simm.s32 $0x108;
	_ =	swait.ge @!p0 [sflag:s8], $0x0  }
0x24: {  	s3 =	sadd.s32 $0x88, s3;
	s6 =	simm.s32 @!p1 $0x1082;
	[sflag:s4] =	ssyncset.s32 $0xFFFFF086  }
0x25: {  	[simem:s6], [sflag:s4] =	dma.local [hbm:s3], $0xF7A  }
0x26: {  	[smem:$0x3F93] =	sst s1;
	(tag) =	ssettag s2;
	_ =	strace s9  }
0x27: {  	s1 =	sld [smem:$0x3FA3]  }
0x28: {  	s2 =	sld [smem:$0x3FA4]  }
0x29: {  	s4 =	sld [smem:$0x3FA6]  }
0x2a: {  	p0 =	seq.s32 s5, $0x0;
	s5 =	sld [smem:$0x3FA7]  }
0x2b: {  	s6 =	sld [smem:$0x3FA8]  }
0x2c: {  	s7 =	sld [smem:$0x3FA9]  }
0x2d: {  	s3 =	simm.s32 $0x108;
	s8 =	sld [smem:$0x3FAA]  }
0x2e: {  	s3 =	simm.s32 @!p0 $0x1082;
	s9 =	sld [smem:$0x3FAB]  }
0x2f: {  	lr =	sadd.s32 s0, s3;
	s0 =	sld [smem:$0x3FA2]  }
0x30: {  	s3 =	sld [smem:$0x3FA5]  }
0x31: {  	[smem:$0x3FAE] =	sst s10  }
0x32: {  	s10 =	sld [smem:$0x3FAC];
	_ =	sdelay $0x3  }
0x33: {  	p0 =	seq.s32 s10, $0x1;
	s10 =	sld [smem:$0x3FAE];
	_ =	sdelay $0x3  }
0x34: {  	[smem:$0x3FAE] =	sst s10  }
0x35: {  	s10 =	sld [smem:$0x3FAD];
	_ =	sdelay $0x3  }
0x36: {  	p1 =	seq.s32 s10, $0x1;
	s10 =	sld [smem:$0x3FAE];
	_ =	sdelay $0x3  }
0x37: {  	[smem:$0x3FAE] =	sst s10  }
0x38: {  	s10 =	sld [smem:$0x3FAF]  }
0x39: {  	_ = 	snop;
	(pc) =	sbr.ind lr, $3  }
0x3a: {  	_ = 	snop  }
0x3b: {  	_ = 	snop  }
0x3c: {  	p2 =	seq.s32 s10, $0x1;
	s10 =	sld [smem:$0x3FAE]  }
0x3d: {  	_ =	shalt  }
0x3e: {  	_ =	shalt  }
0x3f: {  	_ =	shalt  }
0x40: {  	_ =	shalt  }
0x41: {  	_ =	shalt  }
0x42: {  	_ =	shalt  }
0x43: {  	_ =	shalt  }
0x44: {  	_ =	shalt  }
0x45: {  	_ =	shalt  }
0x46: {  	_ =	shalt  }
0x47: {  	_ =	shalt  }
0x48: {  	_ =	shalt  }
0x49: {  	_ =	shalt  }
0x4a: {  	_ =	shalt  }
0x4b: {  	_ =	shalt  }
0x4c: {  	_ =	shalt  }
0x4d: {  	_ =	shalt  }
0x4e: {  	_ =	shalt  }
0x4f: {  	_ =	shalt  }
0x50: {  	_ =	shalt  }
0x51: {  	_ =	shalt  }
0x52: {  	_ =	shalt  }
0x53: {  	_ =	shalt  }
0x54: {  	_ =	shalt  }
0x55: {  	_ =	shalt  }
0x56: {  	_ =	shalt  }
0x57: {  	_ =	shalt  }
0x58: {  	_ =	shalt  }
0x59: {  	_ =	shalt  }
0x5a: {  	_ =	shalt  }
0x5b: {  	_ =	shalt  }
0x5c: {  	_ =	shalt  }
0x5d: {  	_ =	shalt  }
0x5e: {  	_ =	shalt  }
0x5f: {  	_ =	shalt  }
0x60: {  	_ =	shalt  }
0x61: {  	_ =	shalt  }
0x62: {  	_ =	shalt  }
0x63: {  	_ =	shalt  }
0x64: {  	_ =	shalt  }
0x65: {  	_ =	shalt  }
0x66: {  	_ =	shalt  }
0x67: {  	_ =	shalt  }
0x68: {  	_ =	shalt  }
0x69: {  	_ =	shalt  }
0x6a: {  	_ =	shalt  }
0x6b: {  	_ =	shalt  }
0x6c: {  	_ =	shalt  }
0x6d: {  	_ =	shalt  }
0x6e: {  	_ =	shalt  }
0x6f: {  	_ =	shalt  }
0x70: {  	_ =	shalt  }
0x71: {  	_ =	shalt  }
0x72: {  	_ =	shalt  }
0x73: {  	_ =	shalt  }
0x74: {  	_ =	shalt  }
0x75: {  	_ =	shalt  }
0x76: {  	_ =	shalt  }
0x77: {  	_ =	shalt  }
0x78: {  	_ =	shalt  }
0x79: {  	_ =	shalt  }
0x7a: {  	_ =	shalt  }
0x7b: {  	_ =	shalt  }
0x7c: {  	_ =	shalt  }
0x7d: {  	_ =	shalt  }
0x7e: {  	_ =	shalt  }
0x7f: {  	_ =	shalt  }
0x80: {  	_ =	shalt  }
0x81: {  	_ =	shalt  }
0x82: {  	_ =	shalt  }
0x83: {  	_ =	shalt  }
0x84: {  	_ =	shalt  }
0x85: {  	_ =	shalt  }
0x86: {  	_ =	shalt  }
0x87: {  	_ =	shalt  }
.Lfunc_end0:
.L_simem_size_0:
called_computation.1_lowered:
.L_overlay_start_0:
0x88: {  	s2 =	sld [smem:$0x3FD9]  }
0x89: {  	s3 =	sld [smem:$0x3FFE];
	_ =	sdelay $0x1  }
0x8a: {  	s1 =	srdreg.scid  }
0x8b: {  	s0 =	sand.u32 $0x1, s1  }
0x8c: {  	s17 =	sshll.u32 s0, $0xA;
	s2 =	sadd.s32 s3, s2  }
0x8d: {  	s2 =	sadd.s32 s2, s17  }
0x8e: {  	[smem:$0x3FBA] =	sst s2  }
0x8f: {  	_ = 	snop  }
0x90: {  	s2 =	sld [smem:$0x3FD0];
	(tm) =	ssettm $0x1  }
0x91: {  	s18 =	sld [smem:$0x3FFB];
	_ =	sdelay $0x3  }
0x92: {  	_ =	strace s18  }
0x93: {  	s3 =	sld [smem:$0x3FFC];
	_ =	sdelay $0x3  }
0x94: {  	_ =	strace s3  }
0x95: {  	s3 =	sld [smem:$0x3FFD];
	_ =	sdelay $0x3  }
0x96: {  	_ =	strace s3  }
0x97: {  	_ =	strace $0x8FFFFFFF  }
0x98: {  	s19 =	sld [smem:$0x3FDB];
	_ =	sdelay $0x1  }
0x99: {  	s4 =	simm.s32 $_scs_section_size  }
0x9a: {  	s5 =	simm.s32 $_size__tile_overlayer_lowered;
	s6 =	simm.s32 $_tile_overlayer_lowered  }
0x9b: {  	s22 =	simm.s32 $0x1BFF;
	s21 =	sshll.u32 s6, $0x1;
	s3 =	sadd.s32 s4, s19  }
0x9c: {  	s7 =	simm.s32 $0x0;
	s20 =	sshll.u32 s5, $0x1;
	s5 =	sadd.s32 s21, s3  }
0x9d: {  	[timem:s7], [sflag:s22] =	dma.local [hbm:s5], s20  }
0x9e: {  	_ =	swait.ge [sflag:s22], s20  }
0x9f: {  	s4 =	ssub.s32 $0x0, s20;
	[sflag:s22] =	ssyncset.done $0x0  }
0xa0: {  	[sflag:s22] =	ssyncadd.s32 s4;
	_ =	sdelay $0x1  }
0xa1: {  	s23 =	simm.s32 $0x1B8B  }
0xa2: {  	_ =	swait.ge [sflag:s23], $0x1  }
0xa3: {  	[sflag:s23] =	ssyncset.done $0x0  }
0xa4: {  	s25 =	simm.s32 $0x1B8E;
	s24 =	sld [smem:$0x3FFE];
	[sflag:s23] =	ssyncadd.s32 $0xFFFFFFFF  }
0xa5: {  	s26 =	simm.s32 $execute0_lowered;
	[smem:$0x3FD2] =	sst s25  }
0xa6: {  	s5 =	sshll.u32 s26, $0x1;
	_ =	strace $0x80000049;
	[dreg:$0x1] =	wrdreg $0xFFFFFFFF  }
0xa7: {  	s28 =	simm.s32 $_size_execute0_lowered;
	s3 =	sadd.s32 s3, s5;
	[dreg:$0x0] =	wrdreg $0x0  }
0xa8: {  	s5 =	sshll.u32 s28, $0x1;
	[dreg:$0x2] =	wrdreg s3  }
0xa9: {  	[dreg:$0x3] =	wrdreg s5  }
0xaa: {  	[dreg:$0x4] =	wrdreg $0xC0  }
0xab: {  	_ =	task [dreg:s7], $0x5FFFF  }
0xac: {  	[dreg:$0x1] =	wrdreg $0xFFFFFFFF  }
0xad: {  	[dreg:$0x0] =	wrdreg $0x60  }
0xae: {  	[dreg:$0x2] =	wrdreg s24  }
0xaf: {  	[dreg:$0x3] =	wrdreg s2  }
0xb0: {  	[dreg:$0x4] =	wrdreg $0x81000  }
0xb1: {  	[dreg:$0x5] =	wrdreg $0x9  }
0xb2: {  	_ =	task.clear_ibuf [dreg:s7], $0x6FFFF;
	_ =	strace $0x90000049  }
0xb3: {  	s29 =	simm.s32 $0x9;
	_ =	strace $0x8000004B  }
0xb4: {  	_ =	swait.ge [sflag:s29], $0x1  }
0xb5: {  	[sflag:s29] =	ssyncadd.s32 $0xFFFFFFFF  }
0xb6: {  	_ =	strace $0x9000004B  }
0xb7: {  	_ =	sfence  }
0xb8: {  	s30 =	sld [smem:$0x0];
	_ =	sdelay $0x2  }
0xb9: {  	s31 =	sshll.u32 s1, $0xD;
	s1 =	sshrl.u32 s1, $0x2  }
0xba: {  	s3 =	sand.u32 $0x4000, s31;
	s1 =	sadd.s32 s1, s30  }
0xbb: {  	s0 =	sor.u32 s3, s0;
	s1 =	sshll.u32 s1, $0x11  }
0xbc: {  	s0 =	sor.u32 s1, s0  }
0xbd: {  	s0 =	sadd.s32 $0x8F2B, s0  }
0xbe: {  	[sflag:s0] =	ssyncadd.remote.s32 $0x1  }
0xbf: {  	_ =	sfence.sel $0xFFFF  }
0xc0: {  	[dreg:$0x0] =	wrdreg $0xFFFFFFFF;
	(pc) =	sbr.abs _section_cstart, $3  }
0xc1: {  	[dreg:$0x1] =	wrdreg $0xFFFFFFFF  }
0xc2: {  	_ =	task.clear_ibuf [dreg:s7], $0x2FFFF;
	_ =	strace $0x9FFFFFFF  }
0xc3: {  	(tm) =	ssettm $0x7FFFFFFF  }
tec
execute0_lowered:
.L_overlay_start_1:
0x0: {  	(tag) =	ssettag $0x1  }
0x1: {  	s6 =	rddreg [dreg:$0x0]  }
0x2: {  	s16 =	rddreg [dreg:$0x1]  }
0x3: {  	s2 =	rddreg [dreg:$0x2]  }
0x4: {  	s0 =	rddreg [dreg:$0x3]  }
0x5: {  	s3 =	simm.s32 $0x0;
	s1 =	stileid.u32;
	s5 =	srdreg.scid  }
0x6: {  	s24 =	simm.s32 $0x0;
	[smem:$0x7FF] =	sst s3;
	s17 =	smul.u32 $0xA00, s1  }
0x7: {  	s4 =	sadd.s32 $0xE000, s6;
	s13 =	sand.u32 $0x1, s5;
	s7 =	smul.u32 $0x50000, s1  }
0x8: {  	s5 =	sadd.s32 $0x5E000, s6;
	s10 =	smul.u32 $0x14000, s1;
	s15 =	sadd.s32 $0x5E800, s6  }
0x9: {  	_ =	strace $0x8000004A;
	s8 =	ssub.s32 $0x2, s13;
	s14 =	smul.u32 $0x140000, s13  }
0xa: {  	s29 =	smul.u32 $0x500, s13;
	s18 =	sadd.s32 s17, s6;
	s9 =	sshrl.u32 s8, $0x1  }
0xb: {  	s7 =	sshrl.u32 s7, $0x2;
	s11 =	sadd.s32 $0x4000, s10;
	s12 =	sadd.s32 $0x8000, s10  }
0xc: {  	s20 =	sadd.s32 $0xC000, s10;
	s21 =	sadd.s32 $0x10000, s10;
	s31 =	sadd.s32 s17, s16  }
0xd: {  	s19 =	ssub.s32 s8, s9;
	s6 =	sadd.s32 s7, s2;
	s7 =	sadd.s32 s11, s2  }
0xe: {  	s8 =	sadd.s32 s12, s2;
	s9 =	sadd.s32 s20, s2;
	s22 =	sadd.s32 s10, s14  }
0xf: {  	s10 =	sadd.s32 s21, s2;
	s23 =	sadd.s32 s14, s11;
	s26 =	sadd.s32 s14, s12  }
0x10: {  	s20 =	sadd.s32 s14, s20;
	s21 =	sadd.s32 s14, s21;
	s18 =	sadd.s32 s29, s18  }
0x11: {  	s22 =	sshrl.u32 s22, $0x3;
	s25 =	sshrl.u32 s23, $0x3;
	s28 =	sshrl.u32 s26, $0x3  }
0x12: {  	s20 =	sshrl.u32 s20, $0x3;
	s30 =	sshrl.u32 s21, $0x3;
	s16 =	smax.u32 s19, $0x1  }
0x13: {  	s17 =	sadd.s32 $0x4000, s18;
	s18 =	sadd.s32 s29, s31;
	s19 =	simm.s32 $0x4100  }
0x14: {  	s21 =	simm.s32 $0x80;
	s23 =	simm.s32 $0x1;
	s11 =	sadd.s32 s15, s22  }
0x15: {  	s12 =	sadd.s32 s15, s25;
	s13 =	sadd.s32 s15, s28;
	s14 =	sadd.s32 s15, s20  }
0x16: {  	s15 =	sadd.s32 s15, s30;
	s20 =	simm.s32 $0x2;
	s22 =	simm.s32 $0x100  }
.LBB2_1:
0x17: {  	[tilespmem:s19], [sflag:$0x2] =	stream.linear.gather [hbm4b:s5+s3], $0x4000, $0x38;
	[tilespmem:$0x1C100] =	vst v63  }
0x18: {  	_ =	swait.ge [sflag:s20], $0x4000  }
0x19: {  	[sflag:s20] =	ssyncset.done $0x0  }
0x1a: {  	[sflag:s20] =	ssyncadd.s32 $0xFFFFC000  }
0x1b: {  	[spmem:s6] =	stream.linear.scatter [tilespmem:s19], [sflag:$0x2], $0x4000, $0x38;
	[tilespmem:$0x1C100] =	vst v63  }
0x1c: {  	_ =	swait.ge [sflag:s20], $0x4000  }
0x1d: {  	[sflag:s20] =	ssyncset.done $0x0  }
0x1e: {  	[sflag:s20] =	ssyncadd.s32 $0xFFFFC000  }
0x1f: {  	[spmem:s7] =	stream.linear.scatter [tilespmem:s19], [sflag:$0x2], $0x4000, $0x38;
	[tilespmem:$0x1C100] =	vst v63  }
0x20: {  	_ =	swait.ge [sflag:s20], $0x4000  }
0x21: {  	[sflag:s20] =	ssyncset.done $0x0  }
0x22: {  	[sflag:s20] =	ssyncadd.s32 $0xFFFFC000  }
0x23: {  	[spmem:s8] =	stream.linear.scatter [tilespmem:s19], [sflag:$0x2], $0x4000, $0x38;
	[tilespmem:$0x1C100] =	vst v63  }
0x24: {  	_ =	swait.ge [sflag:s20], $0x4000  }
0x25: {  	[sflag:s20] =	ssyncset.done $0x0  }
0x26: {  	[sflag:s20] =	ssyncadd.s32 $0xFFFFC000  }
0x27: {  	[spmem:s9] =	stream.linear.scatter [tilespmem:s19], [sflag:$0x2], $0x4000, $0x38;
	[tilespmem:$0x1C100] =	vst v63  }
0x28: {  	_ =	swait.ge [sflag:s20], $0x4000  }
0x29: {  	[sflag:s20] =	ssyncset.done $0x0  }
0x2a: {  	[sflag:s20] =	ssyncadd.s32 $0xFFFFC000  }
0x2b: {  	[spmem:s10] =	stream.linear.scatter [tilespmem:s19], [sflag:$0x2], $0x4000, $0x38;
	[tilespmem:$0x1C100] =	vst v63  }
0x2c: {  	_ =	swait.ge [sflag:s20], $0x4000  }
0x2d: {  	[sflag:s20] =	ssyncset.done $0x0  }
0x2e: {  	[sflag:s20] =	ssyncadd.s32 $0xFFFFC000  }
0x2f: {  	s25 =	sadd.s32 $0x0, s18;
	[bflag:$0x0] =	sbarrier.arrive $0xFFFF  }
0x30: {  	[tilespmem:s3], [sflag:$0x2] =	stream.linear.gather [hbm4b:s25+s3], $0x80, $0x38;
	[tilespmem:$0x1C100] =	vst v63  }
0x31: {  	_ =	swait.ge [sflag:s20], $0x80  }
0x32: {  	[sflag:s20] =	ssyncset.done $0x0  }
0x33: {  	[sflag:s20] =	ssyncadd.s32 $0xFFFFFF80  }
0x34: {  	[tilespmem:s22], [sflag:$0x1] =	stream.indirect.gather [hbm4b:s4+s21], $0x80, s3, s21, $0xb8;
	[tilespmem:$0x1C100] =	vst v63  }
0x35: {  	_ =	swait.ge [sflag:s23], $0x4000  }
0x36: {  	[sflag:s23] =	ssyncset.done $0x0  }
0x37: {  	s31 =	sadd.s32 $0x0, s17;
	[sflag:s23] =	ssyncadd.s32 $0xFFFFC000  }
0x38: {  	[tilespmem:s21], [sflag:$0x2] =	stream.linear.gather [hbm4b:s31+s3], $0x80, $0x38;
	[tilespmem:$0x1C100] =	vst v63  }
0x39: {  	_ =	swait.ge [sflag:s20], $0x80  }
0x3a: {  	[sflag:s20] =	ssyncset.done $0x0  }
0x3b: {  	[sflag:s20] =	ssyncadd.s32 $0xFFFFFF80  }
0x3c: {  	[spmem:s2] =	stream.indirect.scatter.add.f32 [tilespmem:s22], [sflag:$0x2], $0x80, s21, s21, $0xb8;
	[tilespmem:$0x1C100] =	vst v63  }
0x3d: {  	_ =	swait.ge [sflag:s20], $0x4000  }
0x3e: {  	s26 =	simm.s32 $0x20;
	s25 =	simm.s32 $0x10;
	[sflag:s20] =	ssyncset.done $0x0  }
.LBB2_2:
0x3f: {  	s28 =	sadd.s32 s25, s18  }
0x40: {  	[sflag:s20] =	ssyncadd.s32 $0xFFFFC000;
	s29 =	smov.u32 s26;
	s30 =	sadd.s32 $0x10, s26  }
0x41: {  	[tilespmem:s3], [sflag:$0x2] =	stream.linear.gather [hbm4b:s28+s3], $0x80, $0x38;
	[tilespmem:$0x1C100] =	vst v63  }
0x42: {  	p0 =	sne.s32 s26, $0x4F0;
	_ =	swait.ge [sflag:s20], $0x80  }
0x43: {  	[sflag:s20] =	ssyncset.done $0x0  }
0x44: {  	[sflag:s20] =	ssyncadd.s32 $0xFFFFFF80  }
0x45: {  	[tilespmem:s22], [sflag:$0x1] =	stream.indirect.gather [hbm4b:s4+s21], $0x80, s3, s21, $0xb8;
	[tilespmem:$0x1C100] =	vst v63  }
0x46: {  	_ =	swait.ge [sflag:s23], $0x4000  }
0x47: {  	[sflag:s23] =	ssyncset.done $0x0  }
0x48: {  	s26 =	sadd.s32 s25, s17;
	s25 =	smov.u32 s29;
	[sflag:s23] =	ssyncadd.s32 $0xFFFFC000  }
0x49: {  	[tilespmem:s21], [sflag:$0x2] =	stream.linear.gather [hbm4b:s26+s3], $0x80, $0x38;
	[tilespmem:$0x1C100] =	vst v63  }
0x4a: {  	_ =	swait.ge [sflag:s20], $0x80  }
.Ltmp0:
0x4b: {  	[sflag:s20] =	ssyncset.done $0x0;
	(pc) =	sbr.rel @p0 .LBB2_2-.Ltmp0, $4  }
0x4c: {  	[sflag:s20] =	ssyncadd.s32 $0xFFFFFF80  }
0x4d: {  	[spmem:s2] =	stream.indirect.scatter.add.f32 [tilespmem:s22], [sflag:$0x2], $0x80, s21, s21, $0xb8;
	[tilespmem:$0x1C100] =	vst v63  }
0x4e: {  	_ =	swait.ge [sflag:s20], $0x4000  }
0x4f: {  	s26 =	smov.u32 s30;
	[sflag:s20] =	ssyncset.done $0x0  }
0x50: {  	s26 =	sadd.s32 s25, s18;
	[sflag:s20] =	ssyncadd.s32 $0xFFFFC000  }
0x51: {  	[tilespmem:s3], [sflag:$0x2] =	stream.linear.gather [hbm4b:s26+s3], $0x80, $0x38;
	[tilespmem:$0x1C100] =	vst v63  }
0x52: {  	_ =	swait.ge [sflag:s20], $0x80  }
0x53: {  	[sflag:s20] =	ssyncset.done $0x0  }
0x54: {  	[sflag:s20] =	ssyncadd.s32 $0xFFFFFF80  }
0x55: {  	[tilespmem:s22], [sflag:$0x1] =	stream.indirect.gather [hbm4b:s4+s21], $0x80, s3, s21, $0xb8;
	[tilespmem:$0x1C100] =	vst v63  }
0x56: {  	_ =	swait.ge [sflag:s23], $0x4000  }
0x57: {  	[sflag:s23] =	ssyncset.done $0x0  }
0x58: {  	s31 =	sadd.s32 s25, s17;
	[sflag:s23] =	ssyncadd.s32 $0xFFFFC000  }
0x59: {  	[tilespmem:s21], [sflag:$0x2] =	stream.linear.gather [hbm4b:s31+s3], $0x80, $0x38;
	[tilespmem:$0x1C100] =	vst v63  }
0x5a: {  	_ =	swait.ge [sflag:s20], $0x80  }
0x5b: {  	[sflag:s20] =	ssyncset.done $0x0  }
0x5c: {  	[sflag:s20] =	ssyncadd.s32 $0xFFFFFF80  }
0x5d: {  	[spmem:s2] =	stream.indirect.scatter.add.f32 [tilespmem:s22], [sflag:$0x2], $0x80, s21, s21, $0xb8;
	[tilespmem:$0x1C100] =	vst v63  }
0x5e: {  	_ =	swait.ge [sflag:s20], $0x4000  }
0x5f: {  	[sflag:s20] =	ssyncset.done $0x0  }
0x60: {  	[sflag:s20] =	ssyncadd.s32 $0xFFFFC000  }
0x61: {  	[bflag:$0x0] =	sbarrier.arrive $0xFFFF  }
0x62: {  	[tilespmem:s22], [sflag:$0x2] =	stream.linear.gather [spmem:s6], $0x4000, $0x38;
	[tilespmem:$0x1C100] =	vst v63  }
0x63: {  	_ =	swait.ge [sflag:s20], $0x4000  }
0x64: {  	[sflag:s20] =	ssyncset.done $0x0  }
0x65: {  	[sflag:s20] =	ssyncadd.s32 $0xFFFFC000  }
0x66: {  	[hbm4b:s11+s3] =	stream.linear.scatter [tilespmem:s22], [sflag:$0x2], $0x4000, $0x38;
	[tilespmem:$0x1C100] =	vst v63  }
0x67: {  	_ =	swait.ge [sflag:s20], $0x4000  }
0x68: {  	[sflag:s20] =	ssyncset.done $0x0  }
0x69: {  	[sflag:s20] =	ssyncadd.s32 $0xFFFFC000  }
0x6a: {  	[tilespmem:s22], [sflag:$0x2] =	stream.linear.gather [spmem:s7], $0x4000, $0x38;
	[tilespmem:$0x1C100] =	vst v63  }
0x6b: {  	_ =	swait.ge [sflag:s20], $0x4000  }
0x6c: {  	[sflag:s20] =	ssyncset.done $0x0  }
0x6d: {  	[sflag:s20] =	ssyncadd.s32 $0xFFFFC000  }
0x6e: {  	[hbm4b:s12+s3] =	stream.linear.scatter [tilespmem:s22], [sflag:$0x2], $0x4000, $0x38;
	[tilespmem:$0x1C100] =	vst v63  }
0x6f: {  	_ =	swait.ge [sflag:s20], $0x4000  }
0x70: {  	[sflag:s20] =	ssyncset.done $0x0  }
0x71: {  	[sflag:s20] =	ssyncadd.s32 $0xFFFFC000  }
0x72: {  	[tilespmem:s22], [sflag:$0x2] =	stream.linear.gather [spmem:s8], $0x4000, $0x38;
	[tilespmem:$0x1C100] =	vst v63  }
0x73: {  	_ =	swait.ge [sflag:s20], $0x4000  }
0x74: {  	[sflag:s20] =	ssyncset.done $0x0  }
0x75: {  	[sflag:s20] =	ssyncadd.s32 $0xFFFFC000  }
0x76: {  	[hbm4b:s13+s3] =	stream.linear.scatter [tilespmem:s22], [sflag:$0x2], $0x4000, $0x38;
	[tilespmem:$0x1C100] =	vst v63  }
0x77: {  	_ =	swait.ge [sflag:s20], $0x4000  }
0x78: {  	[sflag:s20] =	ssyncset.done $0x0  }
0x79: {  	[sflag:s20] =	ssyncadd.s32 $0xFFFFC000  }
0x7a: {  	[tilespmem:s22], [sflag:$0x2] =	stream.linear.gather [spmem:s9], $0x4000, $0x38;
	[tilespmem:$0x1C100] =	vst v63  }
0x7b: {  	_ =	swait.ge [sflag:s20], $0x4000  }
0x7c: {  	[sflag:s20] =	ssyncset.done $0x0  }
0x7d: {  	[sflag:s20] =	ssyncadd.s32 $0xFFFFC000  }
0x7e: {  	[hbm4b:s14+s3] =	stream.linear.scatter [tilespmem:s22], [sflag:$0x2], $0x4000, $0x38;
	[tilespmem:$0x1C100] =	vst v63  }
0x7f: {  	_ =	swait.ge [sflag:s20], $0x4000  }
0x80: {  	[sflag:s20] =	ssyncset.done $0x0  }
0x81: {  	[sflag:s20] =	ssyncadd.s32 $0xFFFFC000  }
0x82: {  	[tilespmem:s22], [sflag:$0x2] =	stream.linear.gather [spmem:s10], $0x4000, $0x38;
	[tilespmem:$0x1C100] =	vst v63  }
0x83: {  	s24 =	sadd.s32 $0x1, s24;
	_ =	swait.ge [sflag:s20], $0x4000  }
0x84: {  	p0 =	sne.s32 s24, s16;
	[sflag:s20] =	ssyncset.done $0x0  }
.Ltmp1:
0x85: {  	[sflag:s20] =	ssyncadd.s32 $0xFFFFC000;
	(pc) =	sbr.rel @p0 .LBB2_1-.Ltmp1, $4  }
0x86: {  	[hbm4b:s15+s3] =	stream.linear.scatter [tilespmem:s22], [sflag:$0x2], $0x4000, $0x38;
	[tilespmem:$0x1C100] =	vst v63  }
0x87: {  	_ =	swait.ge [sflag:s20], $0x4000  }
0x88: {  	[sflag:s20] =	ssyncset.done $0x0  }
0x89: {  	[sflag:s20] =	ssyncadd.s32 $0xFFFFC000  }
0x8a: {  	_ =	sfence.sel $0x180000  }
0x8b: {  	[bflag:$0x0] =	sbarrier.arrive $0xFFFF  }
0x8c: {  	p0 =	sne.s32 s1, $0x0;
	_ =	strace $0x9000004A  }
0x8d: {  	s0 =	sadd.s32 @!p0 $0x100000, s0;
	[bflag:$0x2] =	sbarrier.arrive $0xFFFF  }
0x8e: {  	[sflag:s0] =	ssyncadd.tile.s32 @!p0 $0x1;
	_ =	shalt  }
.Lfunc_end2:
_tile_overlayer_lowered:
.L_overlay_start_2:
0x8f: {  	(tag) =	ssettag $0x2  }
0x90: {  	s0 =	rddreg [dreg:$0x0];
	s2 =	stileid.u32  }
0x91: {  	s1 =	rddreg [dreg:$0x1];
	p0 =	sne.s32 s2, $0x0  }
0x92: {  	s3 =	rddreg [dreg:$0x2];
	[bflag:$0x3] =	sbarrier.arrive $0xFFFF;
	s2 =	simm.s32 @!p0 $0x1C02  }
0x93: {  	[timem:s3], [sflag:s2] =	dma.local @!p0 [hbm:s0], s1  }
0x94: {  	s0 =	simm.s32 @!p0 $0x2  }
0x95: {  	_ =	swait.ge @!p0 [sflag:s0], s1  }
0x96: {  	s1 =	ssub.s32 @!p0 $0x0, s1;
	[sflag:s0] =	ssyncset.done @!p0 $0x0  }
0x97: {  	[sflag:s0] =	ssyncadd.s32 @!p0 s1  }
0x98: {  	[bflag:$0x3] =	sbarrier.arrive $0xFFFF  }
0x99: {  	_ =	shalt  }

// kernel: kernel.16.cloned.1.call-start
scs
__scs_entry_jumppad:
0x0: {  	(pc) =	sbr.rel $0x88, $3  }
0x1: {  	(tag) =	ssettag $0x0;
	lr =	simm.s32 $0x1  }
0x2: {  	[smem:$0x3F93] =	sst lr;
	_ =	strace $0xD0000000  }
0x3: {  	_ = 	snop  }
0x4: {  	_ = 	snop  }
0x5: {  	_ = 	snop  }
0x6: {  	_ = 	snop  }
0x7: {  	_ = 	snop  }
__scs_overlays_trampoline_lowered:
0x8: {  	[smem:$0x3FA2] =	sst s0  }
0x9: {  	[smem:$0x3FA3] =	sst s1  }
0xa: {  	[smem:$0x3FA4] =	sst s2  }
0xb: {  	[smem:$0x3FA5] =	sst s3  }
0xc: {  	[smem:$0x3FA6] =	sst s4  }
0xd: {  	[smem:$0x3FA7] =	sst s5  }
0xe: {  	[smem:$0x3FA8] =	sst s6  }
0xf: {  	[smem:$0x3FA9] =	sst s7  }
0x10: {  	[smem:$0x3FAA] =	sst s8  }
0x11: {  	[smem:$0x3FAB] =	sst s9;
	s0 =	simm.s32 @!p0 $0x0  }
0x12: {  	s1 =	sld [smem:$0x3F91];
	s0 =	simm.s32 @p0 $0x1  }
0x13: {  	[smem:$0x3FAC] =	sst s0;
	s0 =	simm.s32 @!p1 $0x0  }
0x14: {  	s2 =	sld [smem:$0x3F90];
	s0 =	simm.s32 @p1 $0x1  }
0x15: {  	[smem:$0x3FAD] =	sst s0;
	s0 =	simm.s32 @!p2 $0x0  }
0x16: {  	s3 =	sld [smem:$0x3FDB];
	s0 =	simm.s32 @p2 $0x1  }
0x17: {  	s4 =	simm.s32 $0x1BF5;
	[smem:$0x3FAF] =	sst s0  }
0x18: {  	s0 =	sld [smem:$0x3F92];
	_ =	swait.ge [sflag:s4], $0x0  }
0x19: {  	s7 =	sld [smem:$0x3F93]  }
0x1a: {  	s8 =	sadd.s32 $0xFFFFE003, lr  }
0x1b: {  	s9 =	sadd.s32 $0xFFFFFEF7, lr;
	s5 =	simm.s32 $0xFFFFFFFF;
	p2 =	slt.u32 s8, $0xFFFFF086  }
0x1c: {  	p1 =	slt.u32 s9, $0xF7A;
	s5 =	simm.s32 @!p2 $0x0  }
0x1d: {  	s5 =	simm.s32 @p1 $0x1;
	p0 =	seq.s32 s7, s2  }
0x1e: {  	s7 =	smul.u32 @!p0 $0xF7A, s2;
	p2 =	seq.s32 @!p0 s5, $0x0  }
0x1f: {  	s9 =	smul.u32 $0xF7A, s1;
	s8 =	simm.s32 @!p0 $0x1BF5;
	p2 =	por !p2, p0  }
0x20: {  	[sflag:s8] =	ssyncset.s32 @!p0 $0xFFFFF086;
	s6 =	sadd.s32 @!p0 s3, s7;
	s7 =	simm.s32 @!p0 $0x108  }
0x21: {  	s3 =	sadd.s32 s3, s9;
	s6 =	sadd.s32 @!p0 $0x88, s6;
	s7 =	simm.s32 @p2 $0x1082  }
0x22: {  	[simem:s7], [sflag:s8] =	dma.local @!p0 [hbm:s6], $0xF7A  }
0x23: {  	s9 =	sor.u32 $0xD0000000, s2;
	s6 =	simm.s32 $0x108;
	_ =	swait.ge @!p0 [sflag:s8], $0x0  }
0x24: {  	s3 =	sadd.s32 $0x88, s3;
	s6 =	simm.s32 @!p1 $0x1082;
	[sflag:s4] =	ssyncset.s32 $0xFFFFF086  }
0x25: {  	[simem:s6], [sflag:s4] =	dma.local [hbm:s3], $0xF7A  }
0x26: {  	[smem:$0x3F93] =	sst s1;
	(tag) =	ssettag s2;
	_ =	strace s9  }
0x27: {  	s1 =	sld [smem:$0x3FA3]  }
0x28: {  	s2 =	sld [smem:$0x3FA4]  }
0x29: {  	s4 =	sld [smem:$0x3FA6]  }
0x2a: {  	p0 =	seq.s32 s5, $0x0;
	s5 =	sld [smem:$0x3FA7]  }
0x2b: {  	s6 =	sld [smem:$0x3FA8]  }
0x2c: {  	s7 =	sld [smem:$0x3FA9]  }
0x2d: {  	s3 =	simm.s32 $0x108;
	s8 =	sld [smem:$0x3FAA]  }
0x2e: {  	s3 =	simm.s32 @!p0 $0x1082;
	s9 =	sld [smem:$0x3FAB]  }
0x2f: {  	lr =	sadd.s32 s0, s3;
	s0 =	sld [smem:$0x3FA2]  }
0x30: {  	s3 =	sld [smem:$0x3FA5]  }
0x31: {  	[smem:$0x3FAE] =	sst s10  }
0x32: {  	s10 =	sld [smem:$0x3FAC];
	_ =	sdelay $0x3  }
0x33: {  	p0 =	seq.s32 s10, $0x1;
	s10 =	sld [smem:$0x3FAE];
	_ =	sdelay $0x3  }
0x34: {  	[smem:$0x3FAE] =	sst s10  }
0x35: {  	s10 =	sld [smem:$0x3FAD];
	_ =	sdelay $0x3  }
0x36: {  	p1 =	seq.s32 s10, $0x1;
	s10 =	sld [smem:$0x3FAE];
	_ =	sdelay $0x3  }
0x37: {  	[smem:$0x3FAE] =	sst s10  }
0x38: {  	s10 =	sld [smem:$0x3FAF]  }
0x39: {  	_ = 	snop;
	(pc) =	sbr.ind lr, $3  }
0x3a: {  	_ = 	snop  }
0x3b: {  	_ = 	snop  }
0x3c: {  	p2 =	seq.s32 s10, $0x1;
	s10 =	sld [smem:$0x3FAE]  }
0x3d: {  	_ =	shalt  }
0x3e: {  	_ =	shalt  }
0x3f: {  	_ =	shalt  }
0x40: {  	_ =	shalt  }
0x41: {  	_ =	shalt  }
0x42: {  	_ =	shalt  }
0x43: {  	_ =	shalt  }
0x44: {  	_ =	shalt  }
0x45: {  	_ =	shalt  }
0x46: {  	_ =	shalt  }
0x47: {  	_ =	shalt  }
0x48: {  	_ =	shalt  }
0x49: {  	_ =	shalt  }
0x4a: {  	_ =	shalt  }
0x4b: {  	_ =	shalt  }
0x4c: {  	_ =	shalt  }
0x4d: {  	_ =	shalt  }
0x4e: {  	_ =	shalt  }
0x4f: {  	_ =	shalt  }
0x50: {  	_ =	shalt  }
0x51: {  	_ =	shalt  }
0x52: {  	_ =	shalt  }
0x53: {  	_ =	shalt  }
0x54: {  	_ =	shalt  }
0x55: {  	_ =	shalt  }
0x56: {  	_ =	shalt  }
0x57: {  	_ =	shalt  }
0x58: {  	_ =	shalt  }
0x59: {  	_ =	shalt  }
0x5a: {  	_ =	shalt  }
0x5b: {  	_ =	shalt  }
0x5c: {  	_ =	shalt  }
0x5d: {  	_ =	shalt  }
0x5e: {  	_ =	shalt  }
0x5f: {  	_ =	shalt  }
0x60: {  	_ =	shalt  }
0x61: {  	_ =	shalt  }
0x62: {  	_ =	shalt  }
0x63: {  	_ =	shalt  }
0x64: {  	_ =	shalt  }
0x65: {  	_ =	shalt  }
0x66: {  	_ =	shalt  }
0x67: {  	_ =	shalt  }
0x68: {  	_ =	shalt  }
0x69: {  	_ =	shalt  }
0x6a: {  	_ =	shalt  }
0x6b: {  	_ =	shalt  }
0x6c: {  	_ =	shalt  }
0x6d: {  	_ =	shalt  }
0x6e: {  	_ =	shalt  }
0x6f: {  	_ =	shalt  }
0x70: {  	_ =	shalt  }
0x71: {  	_ =	shalt  }
0x72: {  	_ =	shalt  }
0x73: {  	_ =	shalt  }
0x74: {  	_ =	shalt  }
0x75: {  	_ =	shalt  }
0x76: {  	_ =	shalt  }
0x77: {  	_ =	shalt  }
0x78: {  	_ =	shalt  }
0x79: {  	_ =	shalt  }
0x7a: {  	_ =	shalt  }
0x7b: {  	_ =	shalt  }
0x7c: {  	_ =	shalt  }
0x7d: {  	_ =	shalt  }
0x7e: {  	_ =	shalt  }
0x7f: {  	_ =	shalt  }
0x80: {  	_ =	shalt  }
0x81: {  	_ =	shalt  }
0x82: {  	_ =	shalt  }
0x83: {  	_ =	shalt  }
0x84: {  	_ =	shalt  }
0x85: {  	_ =	shalt  }
0x86: {  	_ =	shalt  }
0x87: {  	_ =	shalt  }
.Lfunc_end0:
.L_simem_size_0:
called_computation.2_lowered:
.L_overlay_start_0:
0x88: {  	s2 =	sld [smem:$0x3FD9]  }
0x89: {  	s3 =	sld [smem:$0x3FFE];
	_ =	sdelay $0x1  }
0x8a: {  	s1 =	srdreg.scid  }
0x8b: {  	s0 =	sand.u32 $0x1, s1  }
0x8c: {  	s17 =	sshll.u32 s0, $0xA;
	s2 =	sadd.s32 s3, s2  }
0x8d: {  	s2 =	sadd.s32 s2, s17  }
0x8e: {  	[smem:$0x3FBA] =	sst s2  }
0x8f: {  	_ = 	snop  }
0x90: {  	s2 =	sld [smem:$0x3FD0];
	(tm) =	ssettm $0x1  }
0x91: {  	s18 =	sld [smem:$0x3FFB];
	_ =	sdelay $0x3  }
0x92: {  	_ =	strace s18  }
0x93: {  	s3 =	sld [smem:$0x3FFC];
	_ =	sdelay $0x3  }
0x94: {  	_ =	strace s3  }
0x95: {  	s3 =	sld [smem:$0x3FFD];
	_ =	sdelay $0x3  }
0x96: {  	_ =	strace s3  }
0x97: {  	_ =	strace $0x8FFFFFFF  }
0x98: {  	s19 =	sld [smem:$0x3FDB];
	_ =	sdelay $0x1  }
0x99: {  	s4 =	simm.s32 $_scs_section_size  }
0x9a: {  	s5 =	simm.s32 $_size__tile_overlayer_lowered;
	s6 =	simm.s32 $_tile_overlayer_lowered  }
0x9b: {  	s22 =	simm.s32 $0x1BFF;
	s21 =	sshll.u32 s6, $0x1;
	s3 =	sadd.s32 s4, s19  }
0x9c: {  	s7 =	simm.s32 $0x0;
	s20 =	sshll.u32 s5, $0x1;
	s5 =	sadd.s32 s21, s3  }
0x9d: {  	[timem:s7], [sflag:s22] =	dma.local [hbm:s5], s20  }
0x9e: {  	_ =	swait.ge [sflag:s22], s20  }
0x9f: {  	s4 =	ssub.s32 $0x0, s20;
	[sflag:s22] =	ssyncset.done $0x0  }
0xa0: {  	[sflag:s22] =	ssyncadd.s32 s4;
	_ =	sdelay $0x1  }
0xa1: {  	s23 =	simm.s32 $0x1B8B  }
0xa2: {  	_ =	swait.ge [sflag:s23], $0x1  }
0xa3: {  	[sflag:s23] =	ssyncset.done $0x0  }
0xa4: {  	s25 =	simm.s32 $0x1B8E;
	s24 =	sld [smem:$0x3FFE];
	[sflag:s23] =	ssyncadd.s32 $0xFFFFFFFF  }
0xa5: {  	s26 =	simm.s32 $execute0_lowered;
	[smem:$0x3FD2] =	sst s25  }
0xa6: {  	s5 =	sshll.u32 s26, $0x1;
	_ =	strace $0x8000004C;
	[dreg:$0x1] =	wrdreg $0xFFFFFFFF  }
0xa7: {  	s28 =	simm.s32 $_size_execute0_lowered;
	s3 =	sadd.s32 s3, s5;
	[dreg:$0x0] =	wrdreg $0x0  }
0xa8: {  	s5 =	sshll.u32 s28, $0x1;
	[dreg:$0x2] =	wrdreg s3  }
0xa9: {  	[dreg:$0x3] =	wrdreg s5  }
0xaa: {  	[dreg:$0x4] =	wrdreg $0xC0  }
0xab: {  	_ =	task [dreg:s7], $0x5FFFF  }
0xac: {  	[dreg:$0x1] =	wrdreg $0xFFFFFFFF  }
0xad: {  	[dreg:$0x0] =	wrdreg $0x60  }
0xae: {  	[dreg:$0x2] =	wrdreg s24  }
0xaf: {  	[dreg:$0x3] =	wrdreg s2  }
0xb0: {  	[dreg:$0x4] =	wrdreg $0x81000  }
0xb1: {  	[dreg:$0x5] =	wrdreg $0x9  }
0xb2: {  	_ =	task.clear_ibuf [dreg:s7], $0x6FFFF;
	_ =	strace $0x9000004C  }
0xb3: {  	s29 =	simm.s32 $0x9;
	_ =	strace $0x8000004E  }
0xb4: {  	_ =	swait.ge [sflag:s29], $0x1  }
0xb5: {  	[sflag:s29] =	ssyncadd.s32 $0xFFFFFFFF  }
0xb6: {  	_ =	strace $0x9000004E  }
0xb7: {  	_ =	sfence  }
0xb8: {  	s30 =	sld [smem:$0x0];
	_ =	sdelay $0x2  }
0xb9: {  	s31 =	sshll.u32 s1, $0xD;
	s1 =	sshrl.u32 s1, $0x2  }
0xba: {  	s3 =	sand.u32 $0x4000, s31;
	s1 =	sadd.s32 s1, s30  }
0xbb: {  	s0 =	sor.u32 s3, s0;
	s1 =	sshll.u32 s1, $0x11  }
0xbc: {  	s0 =	sor.u32 s1, s0  }
0xbd: {  	s0 =	sadd.s32 $0x8F2B, s0  }
0xbe: {  	[sflag:s0] =	ssyncadd.remote.s32 $0x1  }
0xbf: {  	_ =	sfence.sel $0xFFFF  }
0xc0: {  	[dreg:$0x0] =	wrdreg $0xFFFFFFFF;
	(pc) =	sbr.abs _section_cstart, $3  }
0xc1: {  	[dreg:$0x1] =	wrdreg $0xFFFFFFFF  }
0xc2: {  	_ =	task.clear_ibuf [dreg:s7], $0x2FFFF;
	_ =	strace $0x9FFFFFFF  }
0xc3: {  	(tm) =	ssettm $0x7FFFFFFF  }
tec
execute0_lowered:
.L_overlay_start_1:
0x0: {  	(tag) =	ssettag $0x1  }
0x1: {  	s6 =	rddreg [dreg:$0x0]  }
0x2: {  	s16 =	rddreg [dreg:$0x1]  }
0x3: {  	s2 =	rddreg [dreg:$0x2]  }
0x4: {  	s0 =	rddreg [dreg:$0x3]  }
0x5: {  	s3 =	simm.s32 $0x0;
	s1 =	stileid.u32;
	s5 =	srdreg.scid  }
0x6: {  	s24 =	simm.s32 $0x0;
	[smem:$0x7FF] =	sst s3;
	s17 =	smul.u32 $0xA00, s1  }
0x7: {  	s4 =	sadd.s32 $0xE000, s6;
	s13 =	sand.u32 $0x1, s5;
	s7 =	smul.u32 $0x50000, s1  }
0x8: {  	s5 =	sadd.s32 $0x5E000, s6;
	s10 =	smul.u32 $0x14000, s1;
	s15 =	sadd.s32 $0x5E800, s6  }
0x9: {  	_ =	strace $0x8000004D;
	s8 =	ssub.s32 $0x2, s13;
	s14 =	smul.u32 $0x140000, s13  }
0xa: {  	s29 =	smul.u32 $0x500, s13;
	s18 =	sadd.s32 s17, s6;
	s9 =	sshrl.u32 s8, $0x1  }
0xb: {  	s7 =	sshrl.u32 s7, $0x2;
	s11 =	sadd.s32 $0x4000, s10;
	s12 =	sadd.s32 $0x8000, s10  }
0xc: {  	s20 =	sadd.s32 $0xC000, s10;
	s21 =	sadd.s32 $0x10000, s10;
	s31 =	sadd.s32 s17, s16  }
0xd: {  	s19 =	ssub.s32 s8, s9;
	s6 =	sadd.s32 s7, s2;
	s7 =	sadd.s32 s11, s2  }
0xe: {  	s8 =	sadd.s32 s12, s2;
	s9 =	sadd.s32 s20, s2;
	s22 =	sadd.s32 s10, s14  }
0xf: {  	s10 =	sadd.s32 s21, s2;
	s23 =	sadd.s32 s14, s11;
	s26 =	sadd.s32 s14, s12  }
0x10: {  	s20 =	sadd.s32 s14, s20;
	s21 =	sadd.s32 s14, s21;
	s18 =	sadd.s32 s29, s18  }
0x11: {  	s22 =	sshrl.u32 s22, $0x3;
	s25 =	sshrl.u32 s23, $0x3;
	s28 =	sshrl.u32 s26, $0x3  }
0x12: {  	s20 =	sshrl.u32 s20, $0x3;
	s30 =	sshrl.u32 s21, $0x3;
	s16 =	smax.u32 s19, $0x1  }
0x13: {  	s17 =	sadd.s32 $0x4000, s18;
	s18 =	sadd.s32 s29, s31;
	s19 =	simm.s32 $0x4100  }
0x14: {  	s21 =	simm.s32 $0x80;
	s23 =	simm.s32 $0x1;
	s11 =	sadd.s32 s15, s22  }
0x15: {  	s12 =	sadd.s32 s15, s25;
	s13 =	sadd.s32 s15, s28;
	s14 =	sadd.s32 s15, s20  }
0x16: {  	s15 =	sadd.s32 s15, s30;
	s20 =	simm.s32 $0x2;
	s22 =	simm.s32 $0x100  }
.LBB2_1:
0x17: {  	[tilespmem:s19], [sflag:$0x2] =	stream.linear.gather [hbm4b:s5+s3], $0x4000, $0x38;
	[tilespmem:$0x1C100] =	vst v63  }
0x18: {  	_ =	swait.ge [sflag:s20], $0x4000  }
0x19: {  	[sflag:s20] =	ssyncset.done $0x0  }
0x1a: {  	[sflag:s20] =	ssyncadd.s32 $0xFFFFC000  }
0x1b: {  	[spmem:s6] =	stream.linear.scatter [tilespmem:s19], [sflag:$0x2], $0x4000, $0x38;
	[tilespmem:$0x1C100] =	vst v63  }
0x1c: {  	_ =	swait.ge [sflag:s20], $0x4000  }
0x1d: {  	[sflag:s20] =	ssyncset.done $0x0  }
0x1e: {  	[sflag:s20] =	ssyncadd.s32 $0xFFFFC000  }
0x1f: {  	[spmem:s7] =	stream.linear.scatter [tilespmem:s19], [sflag:$0x2], $0x4000, $0x38;
	[tilespmem:$0x1C100] =	vst v63  }
0x20: {  	_ =	swait.ge [sflag:s20], $0x4000  }
0x21: {  	[sflag:s20] =	ssyncset.done $0x0  }
0x22: {  	[sflag:s20] =	ssyncadd.s32 $0xFFFFC000  }
0x23: {  	[spmem:s8] =	stream.linear.scatter [tilespmem:s19], [sflag:$0x2], $0x4000, $0x38;
	[tilespmem:$0x1C100] =	vst v63  }
0x24: {  	_ =	swait.ge [sflag:s20], $0x4000  }
0x25: {  	[sflag:s20] =	ssyncset.done $0x0  }
0x26: {  	[sflag:s20] =	ssyncadd.s32 $0xFFFFC000  }
0x27: {  	[spmem:s9] =	stream.linear.scatter [tilespmem:s19], [sflag:$0x2], $0x4000, $0x38;
	[tilespmem:$0x1C100] =	vst v63  }
0x28: {  	_ =	swait.ge [sflag:s20], $0x4000  }
0x29: {  	[sflag:s20] =	ssyncset.done $0x0  }
0x2a: {  	[sflag:s20] =	ssyncadd.s32 $0xFFFFC000  }
0x2b: {  	[spmem:s10] =	stream.linear.scatter [tilespmem:s19], [sflag:$0x2], $0x4000, $0x38;
	[tilespmem:$0x1C100] =	vst v63  }
0x2c: {  	_ =	swait.ge [sflag:s20], $0x4000  }
0x2d: {  	[sflag:s20] =	ssyncset.done $0x0  }
0x2e: {  	[sflag:s20] =	ssyncadd.s32 $0xFFFFC000  }
0x2f: {  	s25 =	sadd.s32 $0x0, s18;
	[bflag:$0x0] =	sbarrier.arrive $0xFFFF  }
0x30: {  	[tilespmem:s3], [sflag:$0x2] =	stream.linear.gather [hbm4b:s25+s3], $0x80, $0x38;
	[tilespmem:$0x1C100] =	vst v63  }
0x31: {  	_ =	swait.ge [sflag:s20], $0x80  }
0x32: {  	[sflag:s20] =	ssyncset.done $0x0  }
0x33: {  	[sflag:s20] =	ssyncadd.s32 $0xFFFFFF80  }
0x34: {  	[tilespmem:s22], [sflag:$0x1] =	stream.indirect.gather [hbm4b:s4+s21], $0x80, s3, s21, $0xb8;
	[tilespmem:$0x1C100] =	vst v63  }
0x35: {  	_ =	swait.ge [sflag:s23], $0x4000  }
0x36: {  	[sflag:s23] =	ssyncset.done $0x0  }
0x37: {  	s31 =	sadd.s32 $0x0, s17;
	[sflag:s23] =	ssyncadd.s32 $0xFFFFC000  }
0x38: {  	[tilespmem:s21], [sflag:$0x2] =	stream.linear.gather [hbm4b:s31+s3], $0x80, $0x38;
	[tilespmem:$0x1C100] =	vst v63  }
0x39: {  	_ =	swait.ge [sflag:s20], $0x80  }
0x3a: {  	[sflag:s20] =	ssyncset.done $0x0  }
0x3b: {  	[sflag:s20] =	ssyncadd.s32 $0xFFFFFF80  }
0x3c: {  	[spmem:s2] =	stream.indirect.scatter.add.f32 [tilespmem:s22], [sflag:$0x2], $0x80, s21, s21, $0xb8;
	[tilespmem:$0x1C100] =	vst v63  }
0x3d: {  	_ =	swait.ge [sflag:s20], $0x4000  }
0x3e: {  	s26 =	simm.s32 $0x20;
	s25 =	simm.s32 $0x10;
	[sflag:s20] =	ssyncset.done $0x0  }
.LBB2_2:
0x3f: {  	s28 =	sadd.s32 s25, s18  }
0x40: {  	[sflag:s20] =	ssyncadd.s32 $0xFFFFC000;
	s29 =	smov.u32 s26;
	s30 =	sadd.s32 $0x10, s26  }
0x41: {  	[tilespmem:s3], [sflag:$0x2] =	stream.linear.gather [hbm4b:s28+s3], $0x80, $0x38;
	[tilespmem:$0x1C100] =	vst v63  }
0x42: {  	p0 =	sne.s32 s26, $0x4F0;
	_ =	swait.ge [sflag:s20], $0x80  }
0x43: {  	[sflag:s20] =	ssyncset.done $0x0  }
0x44: {  	[sflag:s20] =	ssyncadd.s32 $0xFFFFFF80  }
0x45: {  	[tilespmem:s22], [sflag:$0x1] =	stream.indirect.gather [hbm4b:s4+s21], $0x80, s3, s21, $0xb8;
	[tilespmem:$0x1C100] =	vst v63  }
0x46: {  	_ =	swait.ge [sflag:s23], $0x4000  }
0x47: {  	[sflag:s23] =	ssyncset.done $0x0  }
0x48: {  	s26 =	sadd.s32 s25, s17;
	s25 =	smov.u32 s29;
	[sflag:s23] =	ssyncadd.s32 $0xFFFFC000  }
0x49: {  	[tilespmem:s21], [sflag:$0x2] =	stream.linear.gather [hbm4b:s26+s3], $0x80, $0x38;
	[tilespmem:$0x1C100] =	vst v63  }
0x4a: {  	_ =	swait.ge [sflag:s20], $0x80  }
.Ltmp0:
0x4b: {  	[sflag:s20] =	ssyncset.done $0x0;
	(pc) =	sbr.rel @p0 .LBB2_2-.Ltmp0, $4  }
0x4c: {  	[sflag:s20] =	ssyncadd.s32 $0xFFFFFF80  }
0x4d: {  	[spmem:s2] =	stream.indirect.scatter.add.f32 [tilespmem:s22], [sflag:$0x2], $0x80, s21, s21, $0xb8;
	[tilespmem:$0x1C100] =	vst v63  }
0x4e: {  	_ =	swait.ge [sflag:s20], $0x4000  }
0x4f: {  	s26 =	smov.u32 s30;
	[sflag:s20] =	ssyncset.done $0x0  }
0x50: {  	s26 =	sadd.s32 s25, s18;
	[sflag:s20] =	ssyncadd.s32 $0xFFFFC000  }
0x51: {  	[tilespmem:s3], [sflag:$0x2] =	stream.linear.gather [hbm4b:s26+s3], $0x80, $0x38;
	[tilespmem:$0x1C100] =	vst v63  }
0x52: {  	_ =	swait.ge [sflag:s20], $0x80  }
0x53: {  	[sflag:s20] =	ssyncset.done $0x0  }
0x54: {  	[sflag:s20] =	ssyncadd.s32 $0xFFFFFF80  }
0x55: {  	[tilespmem:s22], [sflag:$0x1] =	stream.indirect.gather [hbm4b:s4+s21], $0x80, s3, s21, $0xb8;
	[tilespmem:$0x1C100] =	vst v63  }
0x56: {  	_ =	swait.ge [sflag:s23], $0x4000  }
0x57: {  	[sflag:s23] =	ssyncset.done $0x0  }
0x58: {  	s31 =	sadd.s32 s25, s17;
	[sflag:s23] =	ssyncadd.s32 $0xFFFFC000  }
0x59: {  	[tilespmem:s21], [sflag:$0x2] =	stream.linear.gather [hbm4b:s31+s3], $0x80, $0x38;
	[tilespmem:$0x1C100] =	vst v63  }
0x5a: {  	_ =	swait.ge [sflag:s20], $0x80  }
0x5b: {  	[sflag:s20] =	ssyncset.done $0x0  }
0x5c: {  	[sflag:s20] =	ssyncadd.s32 $0xFFFFFF80  }
0x5d: {  	[spmem:s2] =	stream.indirect.scatter.add.f32 [tilespmem:s22], [sflag:$0x2], $0x80, s21, s21, $0xb8;
	[tilespmem:$0x1C100] =	vst v63  }
0x5e: {  	_ =	swait.ge [sflag:s20], $0x4000  }
0x5f: {  	[sflag:s20] =	ssyncset.done $0x0  }
0x60: {  	[sflag:s20] =	ssyncadd.s32 $0xFFFFC000  }
0x61: {  	[bflag:$0x0] =	sbarrier.arrive $0xFFFF  }
0x62: {  	[tilespmem:s22], [sflag:$0x2] =	stream.linear.gather [spmem:s6], $0x4000, $0x38;
	[tilespmem:$0x1C100] =	vst v63  }
0x63: {  	_ =	swait.ge [sflag:s20], $0x4000  }
0x64: {  	[sflag:s20] =	ssyncset.done $0x0  }
0x65: {  	[sflag:s20] =	ssyncadd.s32 $0xFFFFC000  }
0x66: {  	[hbm4b:s11+s3] =	stream.linear.scatter [tilespmem:s22], [sflag:$0x2], $0x4000, $0x38;
	[tilespmem:$0x1C100] =	vst v63  }
0x67: {  	_ =	swait.ge [sflag:s20], $0x4000  }
0x68: {  	[sflag:s20] =	ssyncset.done $0x0  }
0x69: {  	[sflag:s20] =	ssyncadd.s32 $0xFFFFC000  }
0x6a: {  	[tilespmem:s22], [sflag:$0x2] =	stream.linear.gather [spmem:s7], $0x4000, $0x38;
	[tilespmem:$0x1C100] =	vst v63  }
0x6b: {  	_ =	swait.ge [sflag:s20], $0x4000  }
0x6c: {  	[sflag:s20] =	ssyncset.done $0x0  }
0x6d: {  	[sflag:s20] =	ssyncadd.s32 $0xFFFFC000  }
0x6e: {  	[hbm4b:s12+s3] =	stream.linear.scatter [tilespmem:s22], [sflag:$0x2], $0x4000, $0x38;
	[tilespmem:$0x1C100] =	vst v63  }
0x6f: {  	_ =	swait.ge [sflag:s20], $0x4000  }
0x70: {  	[sflag:s20] =	ssyncset.done $0x0  }
0x71: {  	[sflag:s20] =	ssyncadd.s32 $0xFFFFC000  }
0x72: {  	[tilespmem:s22], [sflag:$0x2] =	stream.linear.gather [spmem:s8], $0x4000, $0x38;
	[tilespmem:$0x1C100] =	vst v63  }
0x73: {  	_ =	swait.ge [sflag:s20], $0x4000  }
0x74: {  	[sflag:s20] =	ssyncset.done $0x0  }
0x75: {  	[sflag:s20] =	ssyncadd.s32 $0xFFFFC000  }
0x76: {  	[hbm4b:s13+s3] =	stream.linear.scatter [tilespmem:s22], [sflag:$0x2], $0x4000, $0x38;
	[tilespmem:$0x1C100] =	vst v63  }
0x77: {  	_ =	swait.ge [sflag:s20], $0x4000  }
0x78: {  	[sflag:s20] =	ssyncset.done $0x0  }
0x79: {  	[sflag:s20] =	ssyncadd.s32 $0xFFFFC000  }
0x7a: {  	[tilespmem:s22], [sflag:$0x2] =	stream.linear.gather [spmem:s9], $0x4000, $0x38;
	[tilespmem:$0x1C100] =	vst v63  }
0x7b: {  	_ =	swait.ge [sflag:s20], $0x4000  }
0x7c: {  	[sflag:s20] =	ssyncset.done $0x0  }
0x7d: {  	[sflag:s20] =	ssyncadd.s32 $0xFFFFC000  }
0x7e: {  	[hbm4b:s14+s3] =	stream.linear.scatter [tilespmem:s22], [sflag:$0x2], $0x4000, $0x38;
	[tilespmem:$0x1C100] =	vst v63  }
0x7f: {  	_ =	swait.ge [sflag:s20], $0x4000  }
0x80: {  	[sflag:s20] =	ssyncset.done $0x0  }
0x81: {  	[sflag:s20] =	ssyncadd.s32 $0xFFFFC000  }
0x82: {  	[tilespmem:s22], [sflag:$0x2] =	stream.linear.gather [spmem:s10], $0x4000, $0x38;
	[tilespmem:$0x1C100] =	vst v63  }
0x83: {  	s24 =	sadd.s32 $0x1, s24;
	_ =	swait.ge [sflag:s20], $0x4000  }
0x84: {  	p0 =	sne.s32 s24, s16;
	[sflag:s20] =	ssyncset.done $0x0  }
.Ltmp1:
0x85: {  	[sflag:s20] =	ssyncadd.s32 $0xFFFFC000;
	(pc) =	sbr.rel @p0 .LBB2_1-.Ltmp1, $4  }
0x86: {  	[hbm4b:s15+s3] =	stream.linear.scatter [tilespmem:s22], [sflag:$0x2], $0x4000, $0x38;
	[tilespmem:$0x1C100] =	vst v63  }
0x87: {  	_ =	swait.ge [sflag:s20], $0x4000  }
0x88: {  	[sflag:s20] =	ssyncset.done $0x0  }
0x89: {  	[sflag:s20] =	ssyncadd.s32 $0xFFFFC000  }
0x8a: {  	_ =	sfence.sel $0x180000  }
0x8b: {  	[bflag:$0x0] =	sbarrier.arrive $0xFFFF  }
0x8c: {  	p0 =	sne.s32 s1, $0x0;
	_ =	strace $0x9000004D  }
0x8d: {  	s0 =	sadd.s32 @!p0 $0x100000, s0;
	[bflag:$0x2] =	sbarrier.arrive $0xFFFF  }
0x8e: {  	[sflag:s0] =	ssyncadd.tile.s32 @!p0 $0x1;
	_ =	shalt  }
.Lfunc_end2:
_tile_overlayer_lowered:
.L_overlay_start_2:
0x8f: {  	(tag) =	ssettag $0x2  }
0x90: {  	s0 =	rddreg [dreg:$0x0];
	s2 =	stileid.u32  }
0x91: {  	s1 =	rddreg [dreg:$0x1];
	p0 =	sne.s32 s2, $0x0  }
0x92: {  	s3 =	rddreg [dreg:$0x2];
	[bflag:$0x3] =	sbarrier.arrive $0xFFFF;
	s2 =	simm.s32 @!p0 $0x1C02  }
0x93: {  	[timem:s3], [sflag:s2] =	dma.local @!p0 [hbm:s0], s1  }
0x94: {  	s0 =	simm.s32 @!p0 $0x2  }
0x95: {  	_ =	swait.ge @!p0 [sflag:s0], s1  }
0x96: {  	s1 =	ssub.s32 @!p0 $0x0, s1;
	[sflag:s0] =	ssyncset.done @!p0 $0x0  }
0x97: {  	[sflag:s0] =	ssyncadd.s32 @!p0 s1  }
0x98: {  	[bflag:$0x3] =	sbarrier.arrive $0xFFFF  }
0x99: {  	_ =	shalt  }

// kernel: kernel.19.cloned.1.call-start
scs
__scs_entry_jumppad:
0x0: {  	(pc) =	sbr.rel $0x88, $3  }
0x1: {  	(tag) =	ssettag $0x0;
	lr =	simm.s32 $0x1  }
0x2: {  	[smem:$0x3F93] =	sst lr;
	_ =	strace $0xD0000000  }
0x3: {  	_ = 	snop  }
0x4: {  	_ = 	snop  }
0x5: {  	_ = 	snop  }
0x6: {  	_ = 	snop  }
0x7: {  	_ = 	snop  }
__scs_overlays_trampoline_lowered:
0x8: {  	[smem:$0x3FA2] =	sst s0  }
0x9: {  	[smem:$0x3FA3] =	sst s1  }
0xa: {  	[smem:$0x3FA4] =	sst s2  }
0xb: {  	[smem:$0x3FA5] =	sst s3  }
0xc: {  	[smem:$0x3FA6] =	sst s4  }
0xd: {  	[smem:$0x3FA7] =	sst s5  }
0xe: {  	[smem:$0x3FA8] =	sst s6  }
0xf: {  	[smem:$0x3FA9] =	sst s7  }
0x10: {  	[smem:$0x3FAA] =	sst s8  }
0x11: {  	[smem:$0x3FAB] =	sst s9;
	s0 =	simm.s32 @!p0 $0x0  }
0x12: {  	s1 =	sld [smem:$0x3F91];
	s0 =	simm.s32 @p0 $0x1  }
0x13: {  	[smem:$0x3FAC] =	sst s0;
	s0 =	simm.s32 @!p1 $0x0  }
0x14: {  	s2 =	sld [smem:$0x3F90];
	s0 =	simm.s32 @p1 $0x1  }
0x15: {  	[smem:$0x3FAD] =	sst s0;
	s0 =	simm.s32 @!p2 $0x0  }
0x16: {  	s3 =	sld [smem:$0x3FDB];
	s0 =	simm.s32 @p2 $0x1  }
0x17: {  	s4 =	simm.s32 $0x1BF5;
	[smem:$0x3FAF] =	sst s0  }
0x18: {  	s0 =	sld [smem:$0x3F92];
	_ =	swait.ge [sflag:s4], $0x0  }
0x19: {  	s7 =	sld [smem:$0x3F93]  }
0x1a: {  	s8 =	sadd.s32 $0xFFFFE003, lr  }
0x1b: {  	s9 =	sadd.s32 $0xFFFFFEF7, lr;
	s5 =	simm.s32 $0xFFFFFFFF;
	p2 =	slt.u32 s8, $0xFFFFF086  }
0x1c: {  	p1 =	slt.u32 s9, $0xF7A;
	s5 =	simm.s32 @!p2 $0x0  }
0x1d: {  	s5 =	simm.s32 @p1 $0x1;
	p0 =	seq.s32 s7, s2  }
0x1e: {  	s7 =	smul.u32 @!p0 $0xF7A, s2;
	p2 =	seq.s32 @!p0 s5, $0x0  }
0x1f: {  	s9 =	smul.u32 $0xF7A, s1;
	s8 =	simm.s32 @!p0 $0x1BF5;
	p2 =	por !p2, p0  }
0x20: {  	[sflag:s8] =	ssyncset.s32 @!p0 $0xFFFFF086;
	s6 =	sadd.s32 @!p0 s3, s7;
	s7 =	simm.s32 @!p0 $0x108  }
0x21: {  	s3 =	sadd.s32 s3, s9;
	s6 =	sadd.s32 @!p0 $0x88, s6;
	s7 =	simm.s32 @p2 $0x1082  }
0x22: {  	[simem:s7], [sflag:s8] =	dma.local @!p0 [hbm:s6], $0xF7A  }
0x23: {  	s9 =	sor.u32 $0xD0000000, s2;
	s6 =	simm.s32 $0x108;
	_ =	swait.ge @!p0 [sflag:s8], $0x0  }
0x24: {  	s3 =	sadd.s32 $0x88, s3;
	s6 =	simm.s32 @!p1 $0x1082;
	[sflag:s4] =	ssyncset.s32 $0xFFFFF086  }
0x25: {  	[simem:s6], [sflag:s4] =	dma.local [hbm:s3], $0xF7A  }
0x26: {  	[smem:$0x3F93] =	sst s1;
	(tag) =	ssettag s2;
	_ =	strace s9  }
0x27: {  	s1 =	sld [smem:$0x3FA3]  }
0x28: {  	s2 =	sld [smem:$0x3FA4]  }
0x29: {  	s4 =	sld [smem:$0x3FA6]  }
0x2a: {  	p0 =	seq.s32 s5, $0x0;
	s5 =	sld [smem:$0x3FA7]  }
0x2b: {  	s6 =	sld [smem:$0x3FA8]  }
0x2c: {  	s7 =	sld [smem:$0x3FA9]  }
0x2d: {  	s3 =	simm.s32 $0x108;
	s8 =	sld [smem:$0x3FAA]  }
0x2e: {  	s3 =	simm.s32 @!p0 $0x1082;
	s9 =	sld [smem:$0x3FAB]  }
0x2f: {  	lr =	sadd.s32 s0, s3;
	s0 =	sld [smem:$0x3FA2]  }
0x30: {  	s3 =	sld [smem:$0x3FA5]  }
0x31: {  	[smem:$0x3FAE] =	sst s10  }
0x32: {  	s10 =	sld [smem:$0x3FAC];
	_ =	sdelay $0x3  }
0x33: {  	p0 =	seq.s32 s10, $0x1;
	s10 =	sld [smem:$0x3FAE];
	_ =	sdelay $0x3  }
0x34: {  	[smem:$0x3FAE] =	sst s10  }
0x35: {  	s10 =	sld [smem:$0x3FAD];
	_ =	sdelay $0x3  }
0x36: {  	p1 =	seq.s32 s10, $0x1;
	s10 =	sld [smem:$0x3FAE];
	_ =	sdelay $0x3  }
0x37: {  	[smem:$0x3FAE] =	sst s10  }
0x38: {  	s10 =	sld [smem:$0x3FAF]  }
0x39: {  	_ = 	snop;
	(pc) =	sbr.ind lr, $3  }
0x3a: {  	_ = 	snop  }
0x3b: {  	_ = 	snop  }
0x3c: {  	p2 =	seq.s32 s10, $0x1;
	s10 =	sld [smem:$0x3FAE]  }
0x3d: {  	_ =	shalt  }
0x3e: {  	_ =	shalt  }
0x3f: {  	_ =	shalt  }
0x40: {  	_ =	shalt  }
0x41: {  	_ =	shalt  }
0x42: {  	_ =	shalt  }
0x43: {  	_ =	shalt  }
0x44: {  	_ =	shalt  }
0x45: {  	_ =	shalt  }
0x46: {  	_ =	shalt  }
0x47: {  	_ =	shalt  }
0x48: {  	_ =	shalt  }
0x49: {  	_ =	shalt  }
0x4a: {  	_ =	shalt  }
0x4b: {  	_ =	shalt  }
0x4c: {  	_ =	shalt  }
0x4d: {  	_ =	shalt  }
0x4e: {  	_ =	shalt  }
0x4f: {  	_ =	shalt  }
0x50: {  	_ =	shalt  }
0x51: {  	_ =	shalt  }
0x52: {  	_ =	shalt  }
0x53: {  	_ =	shalt  }
0x54: {  	_ =	shalt  }
0x55: {  	_ =	shalt  }
0x56: {  	_ =	shalt  }
0x57: {  	_ =	shalt  }
0x58: {  	_ =	shalt  }
0x59: {  	_ =	shalt  }
0x5a: {  	_ =	shalt  }
0x5b: {  	_ =	shalt  }
0x5c: {  	_ =	shalt  }
0x5d: {  	_ =	shalt  }
0x5e: {  	_ =	shalt  }
0x5f: {  	_ =	shalt  }
0x60: {  	_ =	shalt  }
0x61: {  	_ =	shalt  }
0x62: {  	_ =	shalt  }
0x63: {  	_ =	shalt  }
0x64: {  	_ =	shalt  }
0x65: {  	_ =	shalt  }
0x66: {  	_ =	shalt  }
0x67: {  	_ =	shalt  }
0x68: {  	_ =	shalt  }
0x69: {  	_ =	shalt  }
0x6a: {  	_ =	shalt  }
0x6b: {  	_ =	shalt  }
0x6c: {  	_ =	shalt  }
0x6d: {  	_ =	shalt  }
0x6e: {  	_ =	shalt  }
0x6f: {  	_ =	shalt  }
0x70: {  	_ =	shalt  }
0x71: {  	_ =	shalt  }
0x72: {  	_ =	shalt  }
0x73: {  	_ =	shalt  }
0x74: {  	_ =	shalt  }
0x75: {  	_ =	shalt  }
0x76: {  	_ =	shalt  }
0x77: {  	_ =	shalt  }
0x78: {  	_ =	shalt  }
0x79: {  	_ =	shalt  }
0x7a: {  	_ =	shalt  }
0x7b: {  	_ =	shalt  }
0x7c: {  	_ =	shalt  }
0x7d: {  	_ =	shalt  }
0x7e: {  	_ =	shalt  }
0x7f: {  	_ =	shalt  }
0x80: {  	_ =	shalt  }
0x81: {  	_ =	shalt  }
0x82: {  	_ =	shalt  }
0x83: {  	_ =	shalt  }
0x84: {  	_ =	shalt  }
0x85: {  	_ =	shalt  }
0x86: {  	_ =	shalt  }
0x87: {  	_ =	shalt  }
.Lfunc_end0:
.L_simem_size_0:
called_computation.3_lowered:
.L_overlay_start_0:
0x88: {  	s2 =	sld [smem:$0x3FD9]  }
0x89: {  	s3 =	sld [smem:$0x3FFE];
	_ =	sdelay $0x1  }
0x8a: {  	s1 =	srdreg.scid  }
0x8b: {  	s0 =	sand.u32 $0x1, s1  }
0x8c: {  	s17 =	sshll.u32 s0, $0xA;
	s2 =	sadd.s32 s3, s2  }
0x8d: {  	s2 =	sadd.s32 s2, s17  }
0x8e: {  	[smem:$0x3FBA] =	sst s2  }
0x8f: {  	_ = 	snop  }
0x90: {  	s2 =	sld [smem:$0x3FD0];
	(tm) =	ssettm $0x1  }
0x91: {  	s18 =	sld [smem:$0x3FFB];
	_ =	sdelay $0x3  }
0x92: {  	_ =	strace s18  }
0x93: {  	s3 =	sld [smem:$0x3FFC];
	_ =	sdelay $0x3  }
0x94: {  	_ =	strace s3  }
0x95: {  	s3 =	sld [smem:$0x3FFD];
	_ =	sdelay $0x3  }
0x96: {  	_ =	strace s3  }
0x97: {  	_ =	strace $0x8FFFFFFF  }
0x98: {  	s19 =	sld [smem:$0x3FDB];
	_ =	sdelay $0x1  }
0x99: {  	s4 =	simm.s32 $_scs_section_size  }
0x9a: {  	s5 =	simm.s32 $_size__tile_overlayer_lowered;
	s6 =	simm.s32 $_tile_overlayer_lowered  }
0x9b: {  	s22 =	simm.s32 $0x1BFF;
	s21 =	sshll.u32 s6, $0x1;
	s3 =	sadd.s32 s4, s19  }
0x9c: {  	s7 =	simm.s32 $0x0;
	s20 =	sshll.u32 s5, $0x1;
	s5 =	sadd.s32 s21, s3  }
0x9d: {  	[timem:s7], [sflag:s22] =	dma.local [hbm:s5], s20  }
0x9e: {  	_ =	swait.ge [sflag:s22], s20  }
0x9f: {  	s4 =	ssub.s32 $0x0, s20;
	[sflag:s22] =	ssyncset.done $0x0  }
0xa0: {  	[sflag:s22] =	ssyncadd.s32 s4;
	_ =	sdelay $0x1  }
0xa1: {  	s23 =	simm.s32 $0x1B8B  }
0xa2: {  	_ =	swait.ge [sflag:s23], $0x1  }
0xa3: {  	[sflag:s23] =	ssyncset.done $0x0  }
0xa4: {  	s25 =	simm.s32 $0x1B8E;
	s24 =	sld [smem:$0x3FFE];
	[sflag:s23] =	ssyncadd.s32 $0xFFFFFFFF  }
0xa5: {  	s26 =	simm.s32 $execute0_lowered;
	[smem:$0x3FD2] =	sst s25  }
0xa6: {  	s5 =	sshll.u32 s26, $0x1;
	_ =	strace $0x8000004F;
	[dreg:$0x1] =	wrdreg $0xFFFFFFFF  }
0xa7: {  	s28 =	simm.s32 $_size_execute0_lowered;
	s3 =	sadd.s32 s3, s5;
	[dreg:$0x0] =	wrdreg $0x0  }
0xa8: {  	s5 =	sshll.u32 s28, $0x1;
	[dreg:$0x2] =	wrdreg s3  }
0xa9: {  	[dreg:$0x3] =	wrdreg s5  }
0xaa: {  	[dreg:$0x4] =	wrdreg $0xC0  }
0xab: {  	_ =	task [dreg:s7], $0x5FFFF  }
0xac: {  	[dreg:$0x1] =	wrdreg $0xFFFFFFFF  }
0xad: {  	[dreg:$0x0] =	wrdreg $0x60  }
0xae: {  	[dreg:$0x2] =	wrdreg s24  }
0xaf: {  	[dreg:$0x3] =	wrdreg s2  }
0xb0: {  	[dreg:$0x4] =	wrdreg $0x81000  }
0xb1: {  	[dreg:$0x5] =	wrdreg $0x9  }
0xb2: {  	_ =	task.clear_ibuf [dreg:s7], $0x6FFFF;
	_ =	strace $0x9000004F  }
0xb3: {  	s29 =	simm.s32 $0x9;
	_ =	strace $0x80000051  }
0xb4: {  	_ =	swait.ge [sflag:s29], $0x1  }
0xb5: {  	[sflag:s29] =	ssyncadd.s32 $0xFFFFFFFF  }
0xb6: {  	_ =	strace $0x90000051  }
0xb7: {  	_ =	sfence  }
0xb8: {  	s30 =	sld [smem:$0x0];
	_ =	sdelay $0x2  }
0xb9: {  	s31 =	sshll.u32 s1, $0xD;
	s1 =	sshrl.u32 s1, $0x2  }
0xba: {  	s3 =	sand.u32 $0x4000, s31;
	s1 =	sadd.s32 s1, s30  }
0xbb: {  	s0 =	sor.u32 s3, s0;
	s1 =	sshll.u32 s1, $0x11  }
0xbc: {  	s0 =	sor.u32 s1, s0  }
0xbd: {  	s0 =	sadd.s32 $0x8F2B, s0  }
0xbe: {  	[sflag:s0] =	ssyncadd.remote.s32 $0x1  }
0xbf: {  	_ =	sfence.sel $0xFFFF  }
0xc0: {  	[dreg:$0x0] =	wrdreg $0xFFFFFFFF;
	(pc) =	sbr.abs _section_cstart, $3  }
0xc1: {  	[dreg:$0x1] =	wrdreg $0xFFFFFFFF  }
0xc2: {  	_ =	task.clear_ibuf [dreg:s7], $0x2FFFF;
	_ =	strace $0x9FFFFFFF  }
0xc3: {  	(tm) =	ssettm $0x7FFFFFFF  }
tec
execute0_lowered:
.L_overlay_start_1:
0x0: {  	(tag) =	ssettag $0x1  }
0x1: {  	s6 =	rddreg [dreg:$0x0]  }
0x2: {  	s16 =	rddreg [dreg:$0x1]  }
0x3: {  	s2 =	rddreg [dreg:$0x2]  }
0x4: {  	s0 =	rddreg [dreg:$0x3]  }
0x5: {  	s3 =	simm.s32 $0x0;
	s1 =	stileid.u32;
	s5 =	srdreg.scid  }
0x6: {  	s24 =	simm.s32 $0x0;
	[smem:$0x7FF] =	sst s3;
	s17 =	smul.u32 $0xA00, s1  }
0x7: {  	s4 =	sadd.s32 $0xE000, s6;
	s13 =	sand.u32 $0x1, s5;
	s7 =	smul.u32 $0x50000, s1  }
0x8: {  	s5 =	sadd.s32 $0x5E000, s6;
	s10 =	smul.u32 $0x14000, s1;
	s15 =	sadd.s32 $0x5E800, s6  }
0x9: {  	_ =	strace $0x80000050;
	s8 =	ssub.s32 $0x2, s13;
	s14 =	smul.u32 $0x140000, s13  }
0xa: {  	s29 =	smul.u32 $0x500, s13;
	s18 =	sadd.s32 s17, s6;
	s9 =	sshrl.u32 s8, $0x1  }
0xb: {  	s7 =	sshrl.u32 s7, $0x2;
	s11 =	sadd.s32 $0x4000, s10;
	s12 =	sadd.s32 $0x8000, s10  }
0xc: {  	s20 =	sadd.s32 $0xC000, s10;
	s21 =	sadd.s32 $0x10000, s10;
	s31 =	sadd.s32 s17, s16  }
0xd: {  	s19 =	ssub.s32 s8, s9;
	s6 =	sadd.s32 s7, s2;
	s7 =	sadd.s32 s11, s2  }
0xe: {  	s8 =	sadd.s32 s12, s2;
	s9 =	sadd.s32 s20, s2;
	s22 =	sadd.s32 s10, s14  }
0xf: {  	s10 =	sadd.s32 s21, s2;
	s23 =	sadd.s32 s14, s11;
	s26 =	sadd.s32 s14, s12  }
0x10: {  	s20 =	sadd.s32 s14, s20;
	s21 =	sadd.s32 s14, s21;
	s18 =	sadd.s32 s29, s18  }
0x11: {  	s22 =	sshrl.u32 s22, $0x3;
	s25 =	sshrl.u32 s23, $0x3;
	s28 =	sshrl.u32 s26, $0x3  }
0x12: {  	s20 =	sshrl.u32 s20, $0x3;
	s30 =	sshrl.u32 s21, $0x3;
	s16 =	smax.u32 s19, $0x1  }
0x13: {  	s17 =	sadd.s32 $0x4000, s18;
	s18 =	sadd.s32 s29, s31;
	s19 =	simm.s32 $0x4100  }
0x14: {  	s21 =	simm.s32 $0x80;
	s23 =	simm.s32 $0x1;
	s11 =	sadd.s32 s15, s22  }
0x15: {  	s12 =	sadd.s32 s15, s25;
	s13 =	sadd.s32 s15, s28;
	s14 =	sadd.s32 s15, s20  }
0x16: {  	s15 =	sadd.s32 s15, s30;
	s20 =	simm.s32 $0x2;
	s22 =	simm.s32 $0x100  }
.LBB2_1:
0x17: {  	[tilespmem:s19], [sflag:$0x2] =	stream.linear.gather [hbm4b:s5+s3], $0x4000, $0x38;
	[tilespmem:$0x1C100] =	vst v63  }
0x18: {  	_ =	swait.ge [sflag:s20], $0x4000  }
0x19: {  	[sflag:s20] =	ssyncset.done $0x0  }
0x1a: {  	[sflag:s20] =	ssyncadd.s32 $0xFFFFC000  }
0x1b: {  	[spmem:s6] =	stream.linear.scatter [tilespmem:s19], [sflag:$0x2], $0x4000, $0x38;
	[tilespmem:$0x1C100] =	vst v63  }
0x1c: {  	_ =	swait.ge [sflag:s20], $0x4000  }
0x1d: {  	[sflag:s20] =	ssyncset.done $0x0  }
0x1e: {  	[sflag:s20] =	ssyncadd.s32 $0xFFFFC000  }
0x1f: {  	[spmem:s7] =	stream.linear.scatter [tilespmem:s19], [sflag:$0x2], $0x4000, $0x38;
	[tilespmem:$0x1C100] =	vst v63  }
0x20: {  	_ =	swait.ge [sflag:s20], $0x4000  }
0x21: {  	[sflag:s20] =	ssyncset.done $0x0  }
0x22: {  	[sflag:s20] =	ssyncadd.s32 $0xFFFFC000  }
0x23: {  	[spmem:s8] =	stream.linear.scatter [tilespmem:s19], [sflag:$0x2], $0x4000, $0x38;
	[tilespmem:$0x1C100] =	vst v63  }
0x24: {  	_ =	swait.ge [sflag:s20], $0x4000  }
0x25: {  	[sflag:s20] =	ssyncset.done $0x0  }
0x26: {  	[sflag:s20] =	ssyncadd.s32 $0xFFFFC000  }
0x27: {  	[spmem:s9] =	stream.linear.scatter [tilespmem:s19], [sflag:$0x2], $0x4000, $0x38;
	[tilespmem:$0x1C100] =	vst v63  }
0x28: {  	_ =	swait.ge [sflag:s20], $0x4000  }
0x29: {  	[sflag:s20] =	ssyncset.done $0x0  }
0x2a: {  	[sflag:s20] =	ssyncadd.s32 $0xFFFFC000  }
0x2b: {  	[spmem:s10] =	stream.linear.scatter [tilespmem:s19], [sflag:$0x2], $0x4000, $0x38;
	[tilespmem:$0x1C100] =	vst v63  }
0x2c: {  	_ =	swait.ge [sflag:s20], $0x4000  }
0x2d: {  	[sflag:s20] =	ssyncset.done $0x0  }
0x2e: {  	[sflag:s20] =	ssyncadd.s32 $0xFFFFC000  }
0x2f: {  	s25 =	sadd.s32 $0x0, s18;
	[bflag:$0x0] =	sbarrier.arrive $0xFFFF  }
0x30: {  	[tilespmem:s3], [sflag:$0x2] =	stream.linear.gather [hbm4b:s25+s3], $0x80, $0x38;
	[tilespmem:$0x1C100] =	vst v63  }
0x31: {  	_ =	swait.ge [sflag:s20], $0x80  }
0x32: {  	[sflag:s20] =	ssyncset.done $0x0  }
0x33: {  	[sflag:s20] =	ssyncadd.s32 $0xFFFFFF80  }
0x34: {  	[tilespmem:s22], [sflag:$0x1] =	stream.indirect.gather [hbm4b:s4+s21], $0x80, s3, s21, $0xb8;
	[tilespmem:$0x1C100] =	vst v63  }
0x35: {  	_ =	swait.ge [sflag:s23], $0x4000  }
0x36: {  	[sflag:s23] =	ssyncset.done $0x0  }
0x37: {  	s31 =	sadd.s32 $0x0, s17;
	[sflag:s23] =	ssyncadd.s32 $0xFFFFC000  }
0x38: {  	[tilespmem:s21], [sflag:$0x2] =	stream.linear.gather [hbm4b:s31+s3], $0x80, $0x38;
	[tilespmem:$0x1C100] =	vst v63  }
0x39: {  	_ =	swait.ge [sflag:s20], $0x80  }
0x3a: {  	[sflag:s20] =	ssyncset.done $0x0  }
0x3b: {  	[sflag:s20] =	ssyncadd.s32 $0xFFFFFF80  }
0x3c: {  	[spmem:s2] =	stream.indirect.scatter.add.f32 [tilespmem:s22], [sflag:$0x2], $0x80, s21, s21, $0xb8;
	[tilespmem:$0x1C100] =	vst v63  }
0x3d: {  	_ =	swait.ge [sflag:s20], $0x4000  }
0x3e: {  	s26 =	simm.s32 $0x20;
	s25 =	simm.s32 $0x10;
	[sflag:s20] =	ssyncset.done $0x0  }
.LBB2_2:
0x3f: {  	s28 =	sadd.s32 s25, s18  }
0x40: {  	[sflag:s20] =	ssyncadd.s32 $0xFFFFC000;
	s29 =	smov.u32 s26;
	s30 =	sadd.s32 $0x10, s26  }
0x41: {  	[tilespmem:s3], [sflag:$0x2] =	stream.linear.gather [hbm4b:s28+s3], $0x80, $0x38;
	[tilespmem:$0x1C100] =	vst v63  }
0x42: {  	p0 =	sne.s32 s26, $0x4F0;
	_ =	swait.ge [sflag:s20], $0x80  }
0x43: {  	[sflag:s20] =	ssyncset.done $0x0  }
0x44: {  	[sflag:s20] =	ssyncadd.s32 $0xFFFFFF80  }
0x45: {  	[tilespmem:s22], [sflag:$0x1] =	stream.indirect.gather [hbm4b:s4+s21], $0x80, s3, s21, $0xb8;
	[tilespmem:$0x1C100] =	vst v63  }
0x46: {  	_ =	swait.ge [sflag:s23], $0x4000  }
0x47: {  	[sflag:s23] =	ssyncset.done $0x0  }
0x48: {  	s26 =	sadd.s32 s25, s17;
	s25 =	smov.u32 s29;
	[sflag:s23] =	ssyncadd.s32 $0xFFFFC000  }
0x49: {  	[tilespmem:s21], [sflag:$0x2] =	stream.linear.gather [hbm4b:s26+s3], $0x80, $0x38;
	[tilespmem:$0x1C100] =	vst v63  }
0x4a: {  	_ =	swait.ge [sflag:s20], $0x80  }
.Ltmp0:
0x4b: {  	[sflag:s20] =	ssyncset.done $0x0;
	(pc) =	sbr.rel @p0 .LBB2_2-.Ltmp0, $4  }
0x4c: {  	[sflag:s20] =	ssyncadd.s32 $0xFFFFFF80  }
0x4d: {  	[spmem:s2] =	stream.indirect.scatter.add.f32 [tilespmem:s22], [sflag:$0x2], $0x80, s21, s21, $0xb8;
	[tilespmem:$0x1C100] =	vst v63  }
0x4e: {  	_ =	swait.ge [sflag:s20], $0x4000  }
0x4f: {  	s26 =	smov.u32 s30;
	[sflag:s20] =	ssyncset.done $0x0  }
0x50: {  	s26 =	sadd.s32 s25, s18;
	[sflag:s20] =	ssyncadd.s32 $0xFFFFC000  }
0x51: {  	[tilespmem:s3], [sflag:$0x2] =	stream.linear.gather [hbm4b:s26+s3], $0x80, $0x38;
	[tilespmem:$0x1C100] =	vst v63  }
0x52: {  	_ =	swait.ge [sflag:s20], $0x80  }
0x53: {  	[sflag:s20] =	ssyncset.done $0x0  }
0x54: {  	[sflag:s20] =	ssyncadd.s32 $0xFFFFFF80  }
0x55: {  	[tilespmem:s22], [sflag:$0x1] =	stream.indirect.gather [hbm4b:s4+s21], $0x80, s3, s21, $0xb8;
	[tilespmem:$0x1C100] =	vst v63  }
0x56: {  	_ =	swait.ge [sflag:s23], $0x4000  }
0x57: {  	[sflag:s23] =	ssyncset.done $0x0  }
0x58: {  	s31 =	sadd.s32 s25, s17;
	[sflag:s23] =	ssyncadd.s32 $0xFFFFC000  }
0x59: {  	[tilespmem:s21], [sflag:$0x2] =	stream.linear.gather [hbm4b:s31+s3], $0x80, $0x38;
	[tilespmem:$0x1C100] =	vst v63  }
0x5a: {  	_ =	swait.ge [sflag:s20], $0x80  }
0x5b: {  	[sflag:s20] =	ssyncset.done $0x0  }
0x5c: {  	[sflag:s20] =	ssyncadd.s32 $0xFFFFFF80  }
0x5d: {  	[spmem:s2] =	stream.indirect.scatter.add.f32 [tilespmem:s22], [sflag:$0x2], $0x80, s21, s21, $0xb8;
	[tilespmem:$0x1C100] =	vst v63  }
0x5e: {  	_ =	swait.ge [sflag:s20], $0x4000  }
0x5f: {  	[sflag:s20] =	ssyncset.done $0x0  }
0x60: {  	[sflag:s20] =	ssyncadd.s32 $0xFFFFC000  }
0x61: {  	[bflag:$0x0] =	sbarrier.arrive $0xFFFF  }
0x62: {  	[tilespmem:s22], [sflag:$0x2] =	stream.linear.gather [spmem:s6], $0x4000, $0x38;
	[tilespmem:$0x1C100] =	vst v63  }
0x63: {  	_ =	swait.ge [sflag:s20], $0x4000  }
0x64: {  	[sflag:s20] =	ssyncset.done $0x0  }
0x65: {  	[sflag:s20] =	ssyncadd.s32 $0xFFFFC000  }
0x66: {  	[hbm4b:s11+s3] =	stream.linear.scatter [tilespmem:s22], [sflag:$0x2], $0x4000, $0x38;
	[tilespmem:$0x1C100] =	vst v63  }
0x67: {  	_ =	swait.ge [sflag:s20], $0x4000  }
0x68: {  	[sflag:s20] =	ssyncset.done $0x0  }
0x69: {  	[sflag:s20] =	ssyncadd.s32 $0xFFFFC000  }
0x6a: {  	[tilespmem:s22], [sflag:$0x2] =	stream.linear.gather [spmem:s7], $0x4000, $0x38;
	[tilespmem:$0x1C100] =	vst v63  }
0x6b: {  	_ =	swait.ge [sflag:s20], $0x4000  }
0x6c: {  	[sflag:s20] =	ssyncset.done $0x0  }
0x6d: {  	[sflag:s20] =	ssyncadd.s32 $0xFFFFC000  }
0x6e: {  	[hbm4b:s12+s3] =	stream.linear.scatter [tilespmem:s22], [sflag:$0x2], $0x4000, $0x38;
	[tilespmem:$0x1C100] =	vst v63  }
0x6f: {  	_ =	swait.ge [sflag:s20], $0x4000  }
0x70: {  	[sflag:s20] =	ssyncset.done $0x0  }
0x71: {  	[sflag:s20] =	ssyncadd.s32 $0xFFFFC000  }
0x72: {  	[tilespmem:s22], [sflag:$0x2] =	stream.linear.gather [spmem:s8], $0x4000, $0x38;
	[tilespmem:$0x1C100] =	vst v63  }
0x73: {  	_ =	swait.ge [sflag:s20], $0x4000  }
0x74: {  	[sflag:s20] =	ssyncset.done $0x0  }
0x75: {  	[sflag:s20] =	ssyncadd.s32 $0xFFFFC000  }
0x76: {  	[hbm4b:s13+s3] =	stream.linear.scatter [tilespmem:s22], [sflag:$0x2], $0x4000, $0x38;
	[tilespmem:$0x1C100] =	vst v63  }
0x77: {  	_ =	swait.ge [sflag:s20], $0x4000  }
0x78: {  	[sflag:s20] =	ssyncset.done $0x0  }
0x79: {  	[sflag:s20] =	ssyncadd.s32 $0xFFFFC000  }
0x7a: {  	[tilespmem:s22], [sflag:$0x2] =	stream.linear.gather [spmem:s9], $0x4000, $0x38;
	[tilespmem:$0x1C100] =	vst v63  }
0x7b: {  	_ =	swait.ge [sflag:s20], $0x4000  }
0x7c: {  	[sflag:s20] =	ssyncset.done $0x0  }
0x7d: {  	[sflag:s20] =	ssyncadd.s32 $0xFFFFC000  }
0x7e: {  	[hbm4b:s14+s3] =	stream.linear.scatter [tilespmem:s22], [sflag:$0x2], $0x4000, $0x38;
	[tilespmem:$0x1C100] =	vst v63  }
0x7f: {  	_ =	swait.ge [sflag:s20], $0x4000  }
0x80: {  	[sflag:s20] =	ssyncset.done $0x0  }
0x81: {  	[sflag:s20] =	ssyncadd.s32 $0xFFFFC000  }
0x82: {  	[tilespmem:s22], [sflag:$0x2] =	stream.linear.gather [spmem:s10], $0x4000, $0x38;
	[tilespmem:$0x1C100] =	vst v63  }
0x83: {  	s24 =	sadd.s32 $0x1, s24;
	_ =	swait.ge [sflag:s20], $0x4000  }
0x84: {  	p0 =	sne.s32 s24, s16;
	[sflag:s20] =	ssyncset.done $0x0  }
.Ltmp1:
0x85: {  	[sflag:s20] =	ssyncadd.s32 $0xFFFFC000;
	(pc) =	sbr.rel @p0 .LBB2_1-.Ltmp1, $4  }
0x86: {  	[hbm4b:s15+s3] =	stream.linear.scatter [tilespmem:s22], [sflag:$0x2], $0x4000, $0x38;
	[tilespmem:$0x1C100] =	vst v63  }
0x87: {  	_ =	swait.ge [sflag:s20], $0x4000  }
0x88: {  	[sflag:s20] =	ssyncset.done $0x0  }
0x89: {  	[sflag:s20] =	ssyncadd.s32 $0xFFFFC000  }
0x8a: {  	_ =	sfence.sel $0x180000  }
0x8b: {  	[bflag:$0x0] =	sbarrier.arrive $0xFFFF  }
0x8c: {  	p0 =	sne.s32 s1, $0x0;
	_ =	strace $0x90000050  }
0x8d: {  	s0 =	sadd.s32 @!p0 $0x100000, s0;
	[bflag:$0x2] =	sbarrier.arrive $0xFFFF  }
0x8e: {  	[sflag:s0] =	ssyncadd.tile.s32 @!p0 $0x1;
	_ =	shalt  }
.Lfunc_end2:
_tile_overlayer_lowered:
.L_overlay_start_2:
0x8f: {  	(tag) =	ssettag $0x2  }
0x90: {  	s0 =	rddreg [dreg:$0x0];
	s2 =	stileid.u32  }
0x91: {  	s1 =	rddreg [dreg:$0x1];
	p0 =	sne.s32 s2, $0x0  }
0x92: {  	s3 =	rddreg [dreg:$0x2];
	[bflag:$0x3] =	sbarrier.arrive $0xFFFF;
	s2 =	simm.s32 @!p0 $0x1C02  }
0x93: {  	[timem:s3], [sflag:s2] =	dma.local @!p0 [hbm:s0], s1  }
0x94: {  	s0 =	simm.s32 @!p0 $0x2  }
0x95: {  	_ =	swait.ge @!p0 [sflag:s0], s1  }
0x96: {  	s1 =	ssub.s32 @!p0 $0x0, s1;
	[sflag:s0] =	ssyncset.done @!p0 $0x0  }
0x97: {  	[sflag:s0] =	ssyncadd.s32 @!p0 s1  }
0x98: {  	[bflag:$0x3] =	sbarrier.arrive $0xFFFF  }
0x99: {  	_ =	shalt  }

</sc_bundles>
